<compile_context>
chip_gen: v7x
topology: tpu7x:2x2x1
jax: 0.10.2.dev20260603
libtpu: 0.0.44.dev20260713+nightly
codegen_flags: <defaults>
</compile_context>

<pallas_src>
import functools

import jax
import jax.numpy as jnp
import numpy as np
from jax import lax
from jax.experimental import pallas as pl
from jax.experimental.pallas import tpu as pltpu
from jax.experimental.pallas import tpu_sc as plsc

_NCLS = 80
_ANCH = np.array(
    [[10., 13., 16., 30., 33., 23.],
     [30., 61., 62., 45., 59., 119.],
     [116., 90., 156., 198., 373., 326.]],
    dtype=np.float32,
).reshape(3, 3, 2)
_OFFS = [(0.0, 0.0), (0.5, 0.0), (0.0, 0.5), (-0.5, 0.0), (0.0, -0.5)]

_LVL = [(128, 80, 80), (256, 40, 40), (512, 20, 20)]
_B = 8
_NT = 300
_NCAND = 15 * _NT
_NPAD = 4512
_STR = 128

_SC_SPLIT = [(2, 800), (1, 400), (1, 100)]
_NTILES = 32


def _idx_body(tt_ref, q0, v0, q1, v1, q2, v2):
    tt = tt_ref[...]
    img, cls = tt[0:1], tt[1:2]
    x, y, w, h = tt[2:3], tt[3:4], tt[4:5], tt[5:6]
    b = img.astype(jnp.int32)
    c = cls.astype(jnp.int32)
    qrefs = (q0, q1, q2)
    vrefs = (v0, v1, v2)
    for l, (_, H, W) in enumerate(_LVL):
        gx, gy = x * W, y * H
        gw, gh = w * W, h * H
        jms = []
        for a in range(3):
            aw, ah = float(_ANCH[l, a, 0]), float(_ANCH[l, a, 1])
            rw, rh = gw / aw, gh / ah
            ratio = jnp.maximum(jnp.maximum(rw, 1.0 / rw),
                                jnp.maximum(rh, 1.0 / rh))
            jms.append(ratio < 4.0)
        gxi, gyi = W - gx, H - gy
        jj = ((gx % 1.0) < 0.5) & (gx > 1.0)
        kk = ((gy % 1.0) < 0.5) & (gy > 1.0)
        ll = ((gxi % 1.0) < 0.5) & (gxi > 1.0)
        mm = ((gyi % 1.0) < 0.5) & (gyi > 1.0)
        sels = [jnp.ones_like(jj), jj, kk, ll, mm]
        qrows, vrows = [], []
        for o in range(5):
            ox, oy = _OFFS[o]
            gi = jnp.clip((gx - ox).astype(jnp.int32), 0, W - 1)
            gj = jnp.clip((gy - oy).astype(jnp.int32), 0, H - 1)
            qo = (b * (H * W) + gj * W + gi) * _STR + c
            for a in range(3):
                qrows.append(qo)
                vrows.append((sels[o] & jms[a]).astype(jnp.float32))
        qrefs[l][...] = jnp.concatenate(qrows, axis=0)
        vrefs[l][...] = jnp.concatenate(vrows, axis=0)


def _build_indices(target):
    tt = jnp.transpose(target)
    outs = pl.pallas_call(
        _idx_body,
        out_shape=[
            s
            for _ in range(3)
            for s in (jax.ShapeDtypeStruct((15, _NT), jnp.int32),
                      jax.ShapeDtypeStruct((15, _NT), jnp.float32))
        ],
    )(tt)
    padded = []
    for arr in outs:
        flat = jnp.reshape(arr, (_NCAND,))
        flat = jnp.concatenate(
            [flat, jnp.zeros((_NPAD - _NCAND,), dtype=arr.dtype)])
        padded.append(flat)
    return padded


def _scatter_levels(level_ids, qs, vs, ms, acc, qb, vb, acc_words):
    wid = lax.axis_index("s") * 2 + lax.axis_index("c")
    for i, l in enumerate(level_ids):
        pltpu.sync_copy(qs[i], qb)
        pltpu.sync_copy(vs[i], vb)
        passes, rows = _SC_SPLIT[l]
        w0 = rows * _STR
        for pp in range(passes):
            base = (wid + pp * _NTILES) * w0

            def zero_body(i_, _):
                acc[pl.ds(i_ * 16, 16)] = jnp.zeros((16,), jnp.float32)
                return 0

            lax.fori_loop(0, w0 // 16, zero_body, 0, unroll=8)

            def scat_body(i_, _):
                qv = qb[pl.ds(i_ * 16, 16)]
                vv = vb[pl.ds(i_ * 16, 16)]
                loc = qv - base
                msk = (loc >= 0) & (loc < w0)
                loc = jnp.where(msk, loc, 0)
                plsc.addupdate_scatter(acc, [loc], vv, mask=msk)
                return 0

            lax.fori_loop(0, _NPAD // 16, scat_body, 0, unroll=4)
            pltpu.sync_copy(acc.at[pl.ds(0, w0)], ms[i].at[pl.ds(base, w0)])


def _sc21_body(q1, v1, q2, v2, m1, m2, acc, qb, vb):
    _scatter_levels((1, 2), (q1, q2), (v1, v2), (m1, m2), acc, qb, vb,
                    _SC_SPLIT[1][1] * _STR)


def _sc0_body(q0, v0, m0, acc, qb, vb):
    _scatter_levels((0,), (q0,), (v0,), (m0,), acc, qb, vb,
                    _SC_SPLIT[0][1] * _STR)


def _sc_kernel(body, n_levels, acc_words):
    mesh = plsc.VectorSubcoreMesh(core_axis_name="c", subcore_axis_name="s")
    return functools.partial(
        pl.kernel,
        out_type=[
            jax.ShapeDtypeStruct((_B * H * W * _STR,), jnp.float32)
            for (_, H, W) in n_levels
        ],
        scratch_types=[
            pltpu.VMEM((acc_words,), jnp.float32),
            pltpu.VMEM((_NPAD,), jnp.int32),
            pltpu.VMEM((_NPAD,), jnp.float32),
        ],
        mesh=mesh,
        compiler_params=pltpu.CompilerParams(needs_layout_passes=False),
    )(body)


def _build_count_matrices(qv_list):
    q0, v0, q1, v1, q2, v2 = qv_list
    mt1, mt2 = _sc_kernel(
        _sc21_body, [_LVL[1], _LVL[2]],
        _SC_SPLIT[1][1] * _STR)(q1, v1, q2, v2)
    (mt0,) = _sc_kernel(
        _sc0_body, [_LVL[0]],
        _SC_SPLIT[0][1] * _STR)(q0, v0)
    return mt0, mt1, mt2


def _mm_step(feat_ref, mt_ref, acc, cacc):
    sg = jax.nn.sigmoid(feat_ref[0]).astype(jnp.bfloat16)
    mt = mt_ref[...]
    acc[...] += lax.dot_general(
        sg, mt.astype(jnp.bfloat16),
        dimension_numbers=(((1,), (0,)), ((), ())),
        preferred_element_type=jnp.float32,
    )
    cacc[...] += jnp.sum(mt, axis=0, keepdims=True)


def _mm_epilogue(acc, cacc, proto_ref, out_ref):
    cnt = cacc[...][:, :_NCLS]
    pks_t = acc[...][:, :_NCLS] / jnp.maximum(cnt, 1.0)
    g_t = proto_ref[...].T
    dots = jnp.sum(g_t * pks_t, axis=0, keepdims=True)
    nx = jnp.maximum(
        jnp.sqrt(jnp.sum(g_t * g_t, axis=0, keepdims=True) + 1e-12), 1e-8)
    ny = jnp.maximum(
        jnp.sqrt(jnp.sum(pks_t * pks_t, axis=0, keepdims=True) + 1e-12), 1e-8)
    aw = (dots / (nx * ny) + 1.0) * 0.5
    upd_t = aw * pks_t + (1.0 - aw) * g_t
    res_t = jnp.where(cnt > 0.0, upd_t, g_t)
    out_ref[...] = res_t.T




def _mm21_body(f1, m1, f2, m2, p1, p2, o1, o2, a1, c1, a2, c2):
    s = pl.program_id(0)

    @pl.when(s == 0)
    def _():
        for a, c in ((a1, c1), (a2, c2)):
            a[...] = jnp.zeros_like(a)
            c[...] = jnp.zeros_like(c)

    @pl.when(s < 8)
    def _():
        _mm_step(f1, m1, a1, c1)

    @pl.when(s == 7)
    def _():
        _mm_epilogue(a1, c1, p1, o1)

    @pl.when(s >= 8)
    def _():
        _mm_step(f2, m2, a2, c2)

    @pl.when(s == 15)
    def _():
        _mm_epilogue(a2, c2, p2, o2)


def _mm0_body(f0, m0, p0, o0, a0, c0):
    s = pl.program_id(0)

    @pl.when(s == 0)
    def _():
        a0[...] = jnp.zeros_like(a0)
        c0[...] = jnp.zeros_like(c0)

    _mm_step(f0, m0, a0, c0)

    @pl.when(s == 15)
    def _():
        _mm_epilogue(a0, c0, p0, o0)


def _proto_update_all(feats, mts, protos):
    f0 = jnp.reshape(feats[0], (_B, 128, 6400))
    f1 = jnp.reshape(feats[1], (_B, 256, 1600))
    f2 = jnp.reshape(feats[2], (_B, 512, 400))
    m0 = jnp.reshape(mts[0], (_B * 6400, _STR))
    m1 = jnp.reshape(mts[1], (_B * 1600, _STR))
    m2 = jnp.reshape(mts[2], (_B * 400, _STR))
    out1, out2 = pl.pallas_call(
        _mm21_body,
        grid=(16,),
        in_specs=[
            pl.BlockSpec((1, 256, 1600),
                         lambda s: (jnp.clip(s, 0, 7), 0, 0)),
            pl.BlockSpec((1600, _STR), lambda s: (jnp.clip(s, 0, 7), 0)),
            pl.BlockSpec((1, 512, 400),
                         lambda s: (jnp.clip(s - 8, 0, 7), 0, 0)),
            pl.BlockSpec((400, _STR), lambda s: (jnp.clip(s - 8, 0, 7), 0)),
            pl.BlockSpec((_NCLS, 256), lambda s: (0, 0)),
            pl.BlockSpec((_NCLS, 512), lambda s: (0, 0)),
        ],
        out_specs=[
            pl.BlockSpec((_NCLS, 256), lambda s: (0, 0)),
            pl.BlockSpec((_NCLS, 512), lambda s: (0, 0)),
        ],
        out_shape=[
            jax.ShapeDtypeStruct((_NCLS, 256), jnp.float32),
            jax.ShapeDtypeStruct((_NCLS, 512), jnp.float32),
        ],
        scratch_shapes=[
            pltpu.VMEM((256, _STR), jnp.float32),
            pltpu.VMEM((1, _STR), jnp.float32),
            pltpu.VMEM((512, _STR), jnp.float32),
            pltpu.VMEM((1, _STR), jnp.float32),
        ],
    )(f1, m1, f2, m2, protos[1], protos[2])
    out0 = pl.pallas_call(
        _mm0_body,
        grid=(16,),
        in_specs=[
            pl.BlockSpec((1, 128, 3200), lambda s: (s // 2, 0, s % 2)),
            pl.BlockSpec((3200, _STR), lambda s: (s, 0)),
            pl.BlockSpec((_NCLS, 128), lambda s: (0, 0)),
        ],
        out_specs=pl.BlockSpec((_NCLS, 128), lambda s: (0, 0)),
        out_shape=jax.ShapeDtypeStruct((_NCLS, 128), jnp.float32),
        scratch_shapes=[
            pltpu.VMEM((128, _STR), jnp.float32),
            pltpu.VMEM((1, _STR), jnp.float32),
        ],
    )(f0, m0, protos[0])
    return out0, out1, out2


def kernel(feat0, feat1, feat2, target, proto0, proto1, proto2):
    qv = _build_indices(target)
    mts = _build_count_matrices(qv)
    return _proto_update_all((feat0, feat1, feat2), mts,
                             (proto0, proto1, proto2))

# --- scband reference (transcript-rebuilt; emitter-appended) ---
"""Pipeline reference for scband-proto-sinst-74594991997002 (READ-ONLY COPY).

The authoritative reference and input builder live on the scoring server;
editing this copy changes nothing except your own understanding.
"""

import jax, jax.numpy as jnp
import numpy as np

NC = 80
NL = 3
ANCHORS = np.array([[10., 13., 16., 30., 33., 23.], [30., 61., 62., 45., 59., 119.], [116., 90., 156., 198., 373., 326.]], dtype=np.float32).reshape(NL, 3, 2)


def _cos_sim(x, y, eps=1e-8):
    nx = jnp.maximum(jnp.sqrt(jnp.sum(x * x) + 1e-12), eps)
    ny = jnp.maximum(jnp.sqrt(jnp.sum(y * y) + 1e-12), eps)
    return jnp.sum(x * y) / (nx * ny)


def _build_targets_np(shapes, targets):
    # Faithful numpy port of protoSInst.build_targets (index computation is
    # integer/boolean only, done on host; it feeds concrete gather indices).
    na = 3
    nt = targets.shape[0]
    tcls, indices = [], []
    gain = np.ones(7, dtype=np.float32)
    ai = np.tile(np.arange(na, dtype=np.float32).reshape(na, 1), (1, nt))
    t_all = np.concatenate([np.tile(targets[None], (na, 1, 1)), ai[..., None]], axis=2)
    g = 0.5
    off = np.array([[0, 0], [1, 0], [0, 1], [-1, 0], [0, -1]], dtype=np.float32) * g
    for i in range(NL):
        anchors = ANCHORS[i]
        shape = shapes[i]
        gain[2:6] = np.array([shape[3], shape[2], shape[3], shape[2]], dtype=np.float32)
        t = t_all * gain
        if nt:
            r = t[..., 4:6] / anchors[:, None]
            jm = np.maximum(r, 1.0 / r).max(axis=2) < 4.0
            t = t[jm]
            gxy = t[:, 2:4]
            gxi = gain[[2, 3]] - gxy
            jj, kk = (((gxy % 1) < g) & (gxy > 1)).T
            ll, mm = (((gxi % 1) < g) & (gxi > 1)).T
            js = np.stack([np.ones_like(jj, dtype=bool), jj, kk, ll, mm])
            t = np.tile(t[None], (5, 1, 1))[js]
            offsets = (np.zeros_like(gxy)[None] + off[:, None])[js]
        else:
            t = t_all[0]
            offsets = 0.0
        bc = t[:, 0:2]
        gxy = t[:, 2:4]
        a = t[:, 6].astype(np.int64)
        b = bc[:, 0].astype(np.int64)
        c = bc[:, 1].astype(np.int64)
        gij = (gxy - offsets).astype(np.int64)
        gi = np.clip(gij[:, 0], 0, shape[3] - 1)
        gj = np.clip(gij[:, 1], 0, shape[2] - 1)
        indices.append((b, a, gj, gi))
        tcls.append(c)
    return tcls, indices


def _build_targets_jax(shapes, targets):
    na = 3
    nt = targets.shape[0]
    ai = jnp.tile(jnp.arange(na, dtype=jnp.float32).reshape(na, 1), (1, nt))
    t_all = jnp.concatenate([jnp.tile(targets[None], (na, 1, 1)), ai[..., None]], axis=2)
    g = 0.5
    off = jnp.array([[0, 0], [1, 0], [0, 1], [-1, 0], [0, -1]], dtype=jnp.float32) * g
    out = []
    for i in range(NL):
        anchors = jnp.asarray(ANCHORS[i])
        shape = shapes[i]
        gain = jnp.array([1.0, 1.0, shape[3], shape[2], shape[3], shape[2], 1.0], dtype=jnp.float32)
        t = t_all * gain
        r = t[..., 4:6] / anchors[:, None]
        jm = jnp.max(jnp.maximum(r, 1.0 / r), axis=2) < 4.0
        gxy = t[..., 2:4]
        gxi = jnp.array([shape[3], shape[2]], dtype=jnp.float32) - gxy
        jk = ((gxy % 1) < g) & (gxy > 1)
        lm = ((gxi % 1) < g) & (gxi > 1)
        jj, kk = jk[..., 0], jk[..., 1]
        ll, mm = lm[..., 0], lm[..., 1]
        js = jnp.stack([jnp.ones_like(jj), jj, kk, ll, mm])
        mask = js & jm[None]
        t5 = jnp.broadcast_to(t[None], (5, na, nt, 7)).reshape(-1, 7)
        offsets = jnp.broadcast_to(off[:, None, None, :], (5, na, nt, 2)).reshape(-1, 2)
        mf = mask.reshape(-1)
        b = t5[:, 0].astype(jnp.int32)
        c = t5[:, 1].astype(jnp.int32)
        gij = (t5[:, 2:4] - offsets).astype(jnp.int32)
        gi = jnp.clip(gij[:, 0], 0, shape[3] - 1)
        gj = jnp.clip(gij[:, 1], 0, shape[2] - 1)
        out.append((mf, b, c, gj, gi))
    return out


def setup_inputs(seed: int = 0):
    key = jax.random.key(seed)
    ks = jax.random.split(key, 7)
    feat0 = jax.random.normal(ks[0], (8, 128, 80, 80), dtype=jnp.float32)
    feat1 = jax.random.normal(ks[1], (8, 256, 40, 40), dtype=jnp.float32)
    feat2 = jax.random.normal(ks[2], (8, 512, 20, 20), dtype=jnp.float32)
    nt = 300
    img = jax.random.randint(ks[3], (nt,), 0, 8).astype(jnp.float32)
    cls = jax.random.randint(ks[4], (nt,), 0, NC).astype(jnp.float32)
    xy = jax.random.uniform(ks[5], (nt, 2), minval=0.02, maxval=0.98, dtype=jnp.float32)
    wh = jax.random.uniform(ks[6], (nt, 2), minval=0.02, maxval=0.5, dtype=jnp.float32)
    target = jnp.concatenate([img[:, None], cls[:, None], xy, wh], axis=1)
    proto0 = jnp.zeros((NC, 128), dtype=jnp.float32)
    proto1 = jnp.zeros((NC, 256), dtype=jnp.float32)
    proto2 = jnp.zeros((NC, 512), dtype=jnp.float32)
    return {"feat0": feat0, "feat1": feat1, "feat2": feat2, "target": target, "proto0": proto0, "proto1": proto1, "proto2": proto2}


def reference(feat0, feat1, feat2, target, proto0, proto1, proto2):
    feats = [feat0, feat1, feat2]
    protos = [proto0, proto1, proto2]
    shapes = [tuple(int(s) for s in f.shape) for f in feats]
    parts = _build_targets_jax(shapes, target)
    outs = []
    for i in range(NL):
        mf, b, c, gj, gi = parts[i]
        proto = protos[i]
        fea1 = jnp.transpose(feats[i], (0, 2, 3, 1))
        fea2 = fea1[b, gj, gi]
        sig = jax.nn.sigmoid(fea2)
        for j in range(NC):
            w = mf & (c == j)
            cnt = jnp.sum(w.astype(jnp.float32))
            Pks = jnp.sum(jnp.where(w[:, None], sig, 0.0), axis=0) / jnp.maximum(cnt, 1.0)
            Gpk = proto[j]
            aw = (_cos_sim(Gpk, Pks) + 1.0) * 0.5
            proto = proto.at[j].set(jnp.where(cnt > 0, aw * Pks + (1.0 - aw) * Gpk, Gpk))
        outs.append(proto)
    return tuple(outs)

if __name__ == "__main__":
    import jax
    _d = setup_inputs()
    print(jax.jit(kernel)(*tuple(_d.values())))

</pallas_src>

<mosaic_0001>
#map = affine_map<(d0, d1) -> (0)>
module attributes {stable_mosaic.version = 14 : i64} {
  func.func @_sc21_body(%arg0: i32, %arg1: i32, %arg2: memref<4512xi32, #tpu.memory_space<hbm>>, %arg3: memref<4512xf32, #tpu.memory_space<hbm>>, %arg4: memref<4512xi32, #tpu.memory_space<hbm>>, %arg5: memref<4512xf32, #tpu.memory_space<hbm>>, %arg6: memref<1638400xf32, #tpu.memory_space<hbm>>, %arg7: memref<409600xf32, #tpu.memory_space<hbm>>, %arg8: memref<51200xf32, #tpu.memory_space<vmem>>, %arg9: memref<4512xi32, #tpu.memory_space<vmem>>, %arg10: memref<4512xf32, #tpu.memory_space<vmem>>) attributes {dimension_semantics = [#tpu.dimension_semantics<core_parallel>, #tpu.dimension_semantics<subcore_parallel>], iteration_bounds = array<i64: 2, 16>, scalar_prefetch = 0 : i64, scratch_operands = 3 : i64, tpu.core_type = #tpu.core_type<sc_vector_subcore>, window_params = [{transform_indices = #map}, {transform_indices = #map}, {transform_indices = #map}, {transform_indices = #map}, {transform_indices = #map}, {transform_indices = #map}]} {
    %mul3A = arith.constant 2 : i32
    %mul3A_0 = arith.muli %arg1, %mul3A : i32
    %add3A = arith.addi %mul3A_0, %arg0 : i32
    "tpu.region"() ({
      %run_scoped3A = tpu.sem_alloc : memref<!tpu.dma_semaphore, #tpu.memory_space<semaphore_mem>>
      tpu.enqueue_dma source(%arg2 : memref<4512xi32, #tpu.memory_space<hbm>>) target(%arg9 : memref<4512xi32, #tpu.memory_space<vmem>>) target_semaphore(%run_scoped3A : memref<!tpu.dma_semaphore, #tpu.memory_space<semaphore_mem>>)
      tpu.wait_dma2 semaphore(%run_scoped3A : memref<!tpu.dma_semaphore, #tpu.memory_space<semaphore_mem>>) src(%arg2 : memref<4512xi32, #tpu.memory_space<hbm>>) dst(%arg9 : memref<4512xi32, #tpu.memory_space<vmem>>)
      tpu.yield
    }) : () -> ()
    "tpu.region"() ({
      %run_scoped3A = tpu.sem_alloc : memref<!tpu.dma_semaphore, #tpu.memory_space<semaphore_mem>>
      tpu.enqueue_dma source(%arg3 : memref<4512xf32, #tpu.memory_space<hbm>>) target(%arg10 : memref<4512xf32, #tpu.memory_space<vmem>>) target_semaphore(%run_scoped3A : memref<!tpu.dma_semaphore, #tpu.memory_space<semaphore_mem>>)
      tpu.wait_dma2 semaphore(%run_scoped3A : memref<!tpu.dma_semaphore, #tpu.memory_space<semaphore_mem>>) src(%arg3 : memref<4512xf32, #tpu.memory_space<hbm>>) dst(%arg10 : memref<4512xf32, #tpu.memory_space<vmem>>)
      tpu.yield
    }) : () -> ()
    %add3A_1 = arith.constant 0 : i32
    %add3A_2 = arith.addi %add3A, %add3A_1 : i32
    %mul3A_3 = arith.constant 51200 : i32
    %mul3A_4 = arith.muli %add3A_2, %mul3A_3 : i32
    %scan3A = arith.constant 0 : i32
    %scan3A_5 = arith.constant 0 : i32
    %scan3A_6 = arith.constant 3200 : i32
    %scan3A_7 = arith.addi %scan3A_5, %scan3A_6 : i32
    %scan3A_8 = arith.constant 8 : i32
    %scan3A_9 = scf.for %scan3A_120 = %scan3A_5 to %scan3A_7 step %scan3A_8 iter_args(%scan3A_121 = %scan3A) -> (i32)  : i32 {
      %broadcast_in_dim3A_122 = arith.constant 0.000000e+00 : f32
      %broadcast_in_dim3A_123 = vector.broadcast %broadcast_in_dim3A_122 : f32 to vector<16xf32>
      %mul3A_124 = arith.constant 16 : i32
      %mul3A_125 = arith.muli %scan3A_120, %mul3A_124 : i32
      %swap3A = arith.index_cast %mul3A_125 : i32 to index
      %swap3A_126 = tpu.vector_load %arg8[%swap3A] {strides = array<i32>} : memref<51200xf32, #tpu.memory_space<vmem>>, vector<16xf32>,
      tpu.vector_store %arg8[%swap3A], %broadcast_in_dim3A_123 {strides = array<i32>} : memref<51200xf32, #tpu.memory_space<vmem>>, vector<16xf32>,
      %scan3A_127 = arith.constant 0 : i32
      %scan3A_128 = arith.constant 1 : i32
      %scan3A_129 = arith.addi %scan3A_120, %scan3A_128 : i32
      %broadcast_in_dim3A_130 = arith.constant 0.000000e+00 : f32
      %broadcast_in_dim3A_131 = vector.broadcast %broadcast_in_dim3A_130 : f32 to vector<16xf32>
      %mul3A_132 = arith.constant 16 : i32
      %mul3A_133 = arith.muli %scan3A_129, %mul3A_132 : i32
      %swap3A_134 = arith.index_cast %mul3A_133 : i32 to index
      %swap3A_135 = tpu.vector_load %arg8[%swap3A_134] {strides = array<i32>} : memref<51200xf32, #tpu.memory_space<vmem>>, vector<16xf32>,
      tpu.vector_store %arg8[%swap3A_134], %broadcast_in_dim3A_131 {strides = array<i32>} : memref<51200xf32, #tpu.memory_space<vmem>>, vector<16xf32>,
      %scan3A_136 = arith.constant 0 : i32
      %scan3A_137 = arith.constant 2 : i32
      %scan3A_138 = arith.addi %scan3A_120, %scan3A_137 : i32
      %broadcast_in_dim3A_139 = arith.constant 0.000000e+00 : f32
      %broadcast_in_dim3A_140 = vector.broadcast %broadcast_in_dim3A_139 : f32 to vector<16xf32>
      %mul3A_141 = arith.constant 16 : i32
      %mul3A_142 = arith.muli %scan3A_138, %mul3A_141 : i32
      %swap3A_143 = arith.index_cast %mul3A_142 : i32 to index
      %swap3A_144 = tpu.vector_load %arg8[%swap3A_143] {strides = array<i32>} : memref<51200xf32, #tpu.memory_space<vmem>>, vector<16xf32>,
      tpu.vector_store %arg8[%swap3A_143], %broadcast_in_dim3A_140 {strides = array<i32>} : memref<51200xf32, #tpu.memory_space<vmem>>, vector<16xf32>,
      %scan3A_145 = arith.constant 0 : i32
      %scan3A_146 = arith.constant 3 : i32
      %scan3A_147 = arith.addi %scan3A_120, %scan3A_146 : i32
      %broadcast_in_dim3A_148 = arith.constant 0.000000e+00 : f32
      %broadcast_in_dim3A_149 = vector.broadcast %broadcast_in_dim3A_148 : f32 to vector<16xf32>
      %mul3A_150 = arith.constant 16 : i32
      %mul3A_151 = arith.muli %scan3A_147, %mul3A_150 : i32
      %swap3A_152 = arith.index_cast %mul3A_151 : i32 to index
      %swap3A_153 = tpu.vector_load %arg8[%swap3A_152] {strides = array<i32>} : memref<51200xf32, #tpu.memory_space<vmem>>, vector<16xf32>,
      tpu.vector_store %arg8[%swap3A_152], %broadcast_in_dim3A_149 {strides = array<i32>} : memref<51200xf32, #tpu.memory_space<vmem>>, vector<16xf32>,
      %scan3A_154 = arith.constant 0 : i32
      %scan3A_155 = arith.constant 4 : i32
      %scan3A_156 = arith.addi %scan3A_120, %scan3A_155 : i32
      %broadcast_in_dim3A_157 = arith.constant 0.000000e+00 : f32
      %broadcast_in_dim3A_158 = vector.broadcast %broadcast_in_dim3A_157 : f32 to vector<16xf32>
      %mul3A_159 = arith.constant 16 : i32
      %mul3A_160 = arith.muli %scan3A_156, %mul3A_159 : i32
      %swap3A_161 = arith.index_cast %mul3A_160 : i32 to index
      %swap3A_162 = tpu.vector_load %arg8[%swap3A_161] {strides = array<i32>} : memref<51200xf32, #tpu.memory_space<vmem>>, vector<16xf32>,
      tpu.vector_store %arg8[%swap3A_161], %broadcast_in_dim3A_158 {strides = array<i32>} : memref<51200xf32, #tpu.memory_space<vmem>>, vector<16xf32>,
      %scan3A_163 = arith.constant 0 : i32
      %scan3A_164 = arith.constant 5 : i32
      %scan3A_165 = arith.addi %scan3A_120, %scan3A_164 : i32
      %broadcast_in_dim3A_166 = arith.constant 0.000000e+00 : f32
      %broadcast_in_dim3A_167 = vector.broadcast %broadcast_in_dim3A_166 : f32 to vector<16xf32>
      %mul3A_168 = arith.constant 16 : i32
      %mul3A_169 = arith.muli %scan3A_165, %mul3A_168 : i32
      %swap3A_170 = arith.index_cast %mul3A_169 : i32 to index
      %swap3A_171 = tpu.vector_load %arg8[%swap3A_170] {strides = array<i32>} : memref<51200xf32, #tpu.memory_space<vmem>>, vector<16xf32>,
      tpu.vector_store %arg8[%swap3A_170], %broadcast_in_dim3A_167 {strides = array<i32>} : memref<51200xf32, #tpu.memory_space<vmem>>, vector<16xf32>,
      %scan3A_172 = arith.constant 0 : i32
      %scan3A_173 = arith.constant 6 : i32
      %scan3A_174 = arith.addi %scan3A_120, %scan3A_173 : i32
      %broadcast_in_dim3A_175 = arith.constant 0.000000e+00 : f32
      %broadcast_in_dim3A_176 = vector.broadcast %broadcast_in_dim3A_175 : f32 to vector<16xf32>
      %mul3A_177 = arith.constant 16 : i32
      %mul3A_178 = arith.muli %scan3A_174, %mul3A_177 : i32
      %swap3A_179 = arith.index_cast %mul3A_178 : i32 to index
      %swap3A_180 = tpu.vector_load %arg8[%swap3A_179] {strides = array<i32>} : memref<51200xf32, #tpu.memory_space<vmem>>, vector<16xf32>,
      tpu.vector_store %arg8[%swap3A_179], %broadcast_in_dim3A_176 {strides = array<i32>} : memref<51200xf32, #tpu.memory_space<vmem>>, vector<16xf32>,
      %scan3A_181 = arith.constant 0 : i32
      %scan3A_182 = arith.constant 7 : i32
      %scan3A_183 = arith.addi %scan3A_120, %scan3A_182 : i32
      %broadcast_in_dim3A_184 = arith.constant 0.000000e+00 : f32
      %broadcast_in_dim3A_185 = vector.broadcast %broadcast_in_dim3A_184 : f32 to vector<16xf32>
      %mul3A_186 = arith.constant 16 : i32
      %mul3A_187 = arith.muli %scan3A_183, %mul3A_186 : i32
      %swap3A_188 = arith.index_cast %mul3A_187 : i32 to index
      %swap3A_189 = tpu.vector_load %arg8[%swap3A_188] {strides = array<i32>} : memref<51200xf32, #tpu.memory_space<vmem>>, vector<16xf32>,
      tpu.vector_store %arg8[%swap3A_188], %broadcast_in_dim3A_185 {strides = array<i32>} : memref<51200xf32, #tpu.memory_space<vmem>>, vector<16xf32>,
      %scan3A_190 = arith.constant 0 : i32
      scf.yield %scan3A_190 : i32
    }
    %scan3A_10 = arith.constant 3200 : i32
    %scan3A_11 = arith.constant 0 : i32
    %scan3A_12 = arith.constant 0 : i32
    %scan3A_13 = arith.constant 280 : i32
    %scan3A_14 = arith.addi %scan3A_12, %scan3A_13 : i32
    %scan3A_15 = arith.constant 4 : i32
    %scan3A_16 = scf.for %scan3A_120 = %scan3A_12 to %scan3A_14 step %scan3A_15 iter_args(%scan3A_121 = %scan3A_11) -> (i32)  : i32 {
      %mul3A_122 = arith.constant 16 : i32
      %mul3A_123 = arith.muli %scan3A_120, %mul3A_122 : i32
      %get3A_124 = arith.index_cast %mul3A_123 : i32 to index
      %get3A_125 = tpu.vector_load %arg9[%get3A_124] {strides = array<i32>} : memref<4512xi32, #tpu.memory_space<vmem>>, vector<16xi32>,
      %mul3A_126 = arith.constant 16 : i32
      %mul3A_127 = arith.muli %scan3A_120, %mul3A_126 : i32
      %get3A_128 = arith.index_cast %mul3A_127 : i32 to index
      %get3A_129 = tpu.vector_load %arg10[%get3A_128] {strides = array<i32>} : memref<4512xf32, #tpu.memory_space<vmem>>, vector<16xf32>,
      %sub3A_130 = vector.broadcast %mul3A_4 : i32 to vector<16xi32>
      %sub3A_131 = arith.subi %get3A_125, %sub3A_130 : vector<16xi32>
      %ge3A_132 = arith.constant 0 : i32
      %ge3A_133 = vector.broadcast %ge3A_132 : i32 to vector<16xi32>
      %ge3A_134 = arith.cmpi sge, %sub3A_131, %ge3A_133 : vector<16xi32>
      %lt3A_135 = arith.constant 51200 : i32
      %lt3A_136 = vector.broadcast %lt3A_135 : i32 to vector<16xi32>
      %lt3A_137 = arith.cmpi slt, %sub3A_131, %lt3A_136 : vector<16xi32>
      %and3A_138 = arith.andi %ge3A_134, %lt3A_137 : vector<16xi1>
      %jit3A_139 = arith.constant 0 : i32
      %broadcast_in_dim3A_140 = vector.broadcast %jit3A_139 : i32 to vector<16xi32>
      %select_n3A_141 = arith.select %and3A_138, %sub3A_131, %broadcast_in_dim3A_140 : vector<16xi1>, vector<16xi32>
      tpu.vector_store_idx %arg8[%select_n3A_141], %get3A_129 masked %and3A_138 {add = true} : memref<51200xf32, #tpu.memory_space<vmem>>[vector<16xi32>], vector<16xf32>, vector<16xi1>
      %scan3A_142 = arith.constant 0 : i32
      %scan3A_143 = arith.constant 1 : i32
      %scan3A_144 = arith.addi %scan3A_120, %scan3A_143 : i32
      %mul3A_145 = arith.constant 16 : i32
      %mul3A_146 = arith.muli %scan3A_144, %mul3A_145 : i32
      %get3A_147 = arith.index_cast %mul3A_146 : i32 to index
      %get3A_148 = tpu.vector_load %arg9[%get3A_147] {strides = array<i32>} : memref<4512xi32, #tpu.memory_space<vmem>>, vector<16xi32>,
      %mul3A_149 = arith.constant 16 : i32
      %mul3A_150 = arith.muli %scan3A_144, %mul3A_149 : i32
      %get3A_151 = arith.index_cast %mul3A_150 : i32 to index
      %get3A_152 = tpu.vector_load %arg10[%get3A_151] {strides = array<i32>} : memref<4512xf32, #tpu.memory_space<vmem>>, vector<16xf32>,
      %sub3A_153 = vector.broadcast %mul3A_4 : i32 to vector<16xi32>
      %sub3A_154 = arith.subi %get3A_148, %sub3A_153 : vector<16xi32>
      %ge3A_155 = arith.constant 0 : i32
      %ge3A_156 = vector.broadcast %ge3A_155 : i32 to vector<16xi32>
      %ge3A_157 = arith.cmpi sge, %sub3A_154, %ge3A_156 : vector<16xi32>
      %lt3A_158 = arith.constant 51200 : i32
      %lt3A_159 = vector.broadcast %lt3A_158 : i32 to vector<16xi32>
      %lt3A_160 = arith.cmpi slt, %sub3A_154, %lt3A_159 : vector<16xi32>
      %and3A_161 = arith.andi %ge3A_157, %lt3A_160 : vector<16xi1>
      %jit3A_162 = arith.constant 0 : i32
      %broadcast_in_dim3A_163 = vector.broadcast %jit3A_162 : i32 to vector<16xi32>
      %select_n3A_164 = arith.select %and3A_161, %sub3A_154, %broadcast_in_dim3A_163 : vector<16xi1>, vector<16xi32>
      tpu.vector_store_idx %arg8[%select_n3A_164], %get3A_152 masked %and3A_161 {add = true} : memref<51200xf32, #tpu.memory_space<vmem>>[vector<16xi32>], vector<16xf32>, vector<16xi1>
      %scan3A_165 = arith.constant 0 : i32
      %scan3A_166 = arith.constant 2 : i32
      %scan3A_167 = arith.addi %scan3A_120, %scan3A_166 : i32
      %mul3A_168 = arith.constant 16 : i32
      %mul3A_169 = arith.muli %scan3A_167, %mul3A_168 : i32
      %get3A_170 = arith.index_cast %mul3A_169 : i32 to index
      %get3A_171 = tpu.vector_load %arg9[%get3A_170] {strides = array<i32>} : memref<4512xi32, #tpu.memory_space<vmem>>, vector<16xi32>,
      %mul3A_172 = arith.constant 16 : i32
      %mul3A_173 = arith.muli %scan3A_167, %mul3A_172 : i32
      %get3A_174 = arith.index_cast %mul3A_173 : i32 to index
      %get3A_175 = tpu.vector_load %arg10[%get3A_174] {strides = array<i32>} : memref<4512xf32, #tpu.memory_space<vmem>>, vector<16xf32>,
      %sub3A_176 = vector.broadcast %mul3A_4 : i32 to vector<16xi32>
      %sub3A_177 = arith.subi %get3A_171, %sub3A_176 : vector<16xi32>
      %ge3A_178 = arith.constant 0 : i32
      %ge3A_179 = vector.broadcast %ge3A_178 : i32 to vector<16xi32>
      %ge3A_180 = arith.cmpi sge, %sub3A_177, %ge3A_179 : vector<16xi32>
      %lt3A_181 = arith.constant 51200 : i32
      %lt3A_182 = vector.broadcast %lt3A_181 : i32 to vector<16xi32>
      %lt3A_183 = arith.cmpi slt, %sub3A_177, %lt3A_182 : vector<16xi32>
      %and3A_184 = arith.andi %ge3A_180, %lt3A_183 : vector<16xi1>
      %jit3A_185 = arith.constant 0 : i32
      %broadcast_in_dim3A_186 = vector.broadcast %jit3A_185 : i32 to vector<16xi32>
      %select_n3A_187 = arith.select %and3A_184, %sub3A_177, %broadcast_in_dim3A_186 : vector<16xi1>, vector<16xi32>
      tpu.vector_store_idx %arg8[%select_n3A_187], %get3A_175 masked %and3A_184 {add = true} : memref<51200xf32, #tpu.memory_space<vmem>>[vector<16xi32>], vector<16xf32>, vector<16xi1>
      %scan3A_188 = arith.constant 0 : i32
      %scan3A_189 = arith.constant 3 : i32
      %scan3A_190 = arith.addi %scan3A_120, %scan3A_189 : i32
      %mul3A_191 = arith.constant 16 : i32
      %mul3A_192 = arith.muli %scan3A_190, %mul3A_191 : i32
      %get3A_193 = arith.index_cast %mul3A_192 : i32 to index
      %get3A_194 = tpu.vector_load %arg9[%get3A_193] {strides = array<i32>} : memref<4512xi32, #tpu.memory_space<vmem>>, vector<16xi32>,
      %mul3A_195 = arith.constant 16 : i32
      %mul3A_196 = arith.muli %scan3A_190, %mul3A_195 : i32
      %get3A_197 = arith.index_cast %mul3A_196 : i32 to index
      %get3A_198 = tpu.vector_load %arg10[%get3A_197] {strides = array<i32>} : memref<4512xf32, #tpu.memory_space<vmem>>, vector<16xf32>,
      %sub3A_199 = vector.broadcast %mul3A_4 : i32 to vector<16xi32>
      %sub3A_200 = arith.subi %get3A_194, %sub3A_199 : vector<16xi32>
      %ge3A_201 = arith.constant 0 : i32
      %ge3A_202 = vector.broadcast %ge3A_201 : i32 to vector<16xi32>
      %ge3A_203 = arith.cmpi sge, %sub3A_200, %ge3A_202 : vector<16xi32>
      %lt3A_204 = arith.constant 51200 : i32
      %lt3A_205 = vector.broadcast %lt3A_204 : i32 to vector<16xi32>
      %lt3A_206 = arith.cmpi slt, %sub3A_200, %lt3A_205 : vector<16xi32>
      %and3A_207 = arith.andi %ge3A_203, %lt3A_206 : vector<16xi1>
      %jit3A_208 = arith.constant 0 : i32
      %broadcast_in_dim3A_209 = vector.broadcast %jit3A_208 : i32 to vector<16xi32>
      %select_n3A_210 = arith.select %and3A_207, %sub3A_200, %broadcast_in_dim3A_209 : vector<16xi1>, vector<16xi32>
      tpu.vector_store_idx %arg8[%select_n3A_210], %get3A_198 masked %and3A_207 {add = true} : memref<51200xf32, #tpu.memory_space<vmem>>[vector<16xi32>], vector<16xf32>, vector<16xi1>
      %scan3A_211 = arith.constant 0 : i32
      scf.yield %scan3A_211 : i32
    }
    %scan3A_17 = arith.constant 280 : i32
    %scan3A_18 = arith.addi %scan3A_12, %scan3A_17 : i32
    %mul3A_19 = arith.constant 16 : i32
    %mul3A_20 = arith.muli %scan3A_18, %mul3A_19 : i32
    %get3A = arith.index_cast %mul3A_20 : i32 to index
    %get3A_21 = tpu.vector_load %arg9[%get3A] {strides = array<i32>} : memref<4512xi32, #tpu.memory_space<vmem>>, vector<16xi32>,
    %mul3A_22 = arith.constant 16 : i32
    %mul3A_23 = arith.muli %scan3A_18, %mul3A_22 : i32
    %get3A_24 = arith.index_cast %mul3A_23 : i32 to index
    %get3A_25 = tpu.vector_load %arg10[%get3A_24] {strides = array<i32>} : memref<4512xf32, #tpu.memory_space<vmem>>, vector<16xf32>,
    %sub3A = vector.broadcast %mul3A_4 : i32 to vector<16xi32>
    %sub3A_26 = arith.subi %get3A_21, %sub3A : vector<16xi32>
    %ge3A = arith.constant 0 : i32
    %ge3A_27 = vector.broadcast %ge3A : i32 to vector<16xi32>
    %ge3A_28 = arith.cmpi sge, %sub3A_26, %ge3A_27 : vector<16xi32>
    %lt3A = arith.constant 51200 : i32
    %lt3A_29 = vector.broadcast %lt3A : i32 to vector<16xi32>
    %lt3A_30 = arith.cmpi slt, %sub3A_26, %lt3A_29 : vector<16xi32>
    %and3A = arith.andi %ge3A_28, %lt3A_30 : vector<16xi1>
    %jit3A = arith.constant 0 : i32
    %broadcast_in_dim3A = vector.broadcast %jit3A : i32 to vector<16xi32>
    %select_n3A = arith.select %and3A, %sub3A_26, %broadcast_in_dim3A : vector<16xi1>, vector<16xi32>
    tpu.vector_store_idx %arg8[%select_n3A], %get3A_25 masked %and3A {add = true} : memref<51200xf32, #tpu.memory_space<vmem>>[vector<16xi32>], vector<16xf32>, vector<16xi1>
    %scan3A_31 = arith.constant 0 : i32
    %scan3A_32 = arith.constant 281 : i32
    %scan3A_33 = arith.addi %scan3A_12, %scan3A_32 : i32
    %mul3A_34 = arith.constant 16 : i32
    %mul3A_35 = arith.muli %scan3A_33, %mul3A_34 : i32
    %get3A_36 = arith.index_cast %mul3A_35 : i32 to index
    %get3A_37 = tpu.vector_load %arg9[%get3A_36] {strides = array<i32>} : memref<4512xi32, #tpu.memory_space<vmem>>, vector<16xi32>,
    %mul3A_38 = arith.constant 16 : i32
    %mul3A_39 = arith.muli %scan3A_33, %mul3A_38 : i32
    %get3A_40 = arith.index_cast %mul3A_39 : i32 to index
    %get3A_41 = tpu.vector_load %arg10[%get3A_40] {strides = array<i32>} : memref<4512xf32, #tpu.memory_space<vmem>>, vector<16xf32>,
    %sub3A_42 = vector.broadcast %mul3A_4 : i32 to vector<16xi32>
    %sub3A_43 = arith.subi %get3A_37, %sub3A_42 : vector<16xi32>
    %ge3A_44 = arith.constant 0 : i32
    %ge3A_45 = vector.broadcast %ge3A_44 : i32 to vector<16xi32>
    %ge3A_46 = arith.cmpi sge, %sub3A_43, %ge3A_45 : vector<16xi32>
    %lt3A_47 = arith.constant 51200 : i32
    %lt3A_48 = vector.broadcast %lt3A_47 : i32 to vector<16xi32>
    %lt3A_49 = arith.cmpi slt, %sub3A_43, %lt3A_48 : vector<16xi32>
    %and3A_50 = arith.andi %ge3A_46, %lt3A_49 : vector<16xi1>
    %jit3A_51 = arith.constant 0 : i32
    %broadcast_in_dim3A_52 = vector.broadcast %jit3A_51 : i32 to vector<16xi32>
    %select_n3A_53 = arith.select %and3A_50, %sub3A_43, %broadcast_in_dim3A_52 : vector<16xi1>, vector<16xi32>
    tpu.vector_store_idx %arg8[%select_n3A_53], %get3A_41 masked %and3A_50 {add = true} : memref<51200xf32, #tpu.memory_space<vmem>>[vector<16xi32>], vector<16xf32>, vector<16xi1>
    %scan3A_54 = arith.constant 0 : i32
    %scan3A_55 = arith.constant 282 : i32
    "tpu.region"() ({
      %run_scoped3A = tpu.sem_alloc : memref<!tpu.dma_semaphore, #tpu.memory_space<semaphore_mem>>
      %dma_start3A = arith.constant 0 : i32
      %dma_start3A_120 = tpu.memref_slice %arg8[%dma_start3A] : memref<51200xf32, #tpu.memory_space<vmem>> -> memref<51200xf32, #tpu.memory_space<vmem>>
      %dma_start3A_121 = tpu.memref_slice %arg6[%mul3A_4] : memref<1638400xf32, #tpu.memory_space<hbm>> -> memref<51200xf32, #tpu.memory_space<hbm>>
      %dma_start3A_122 = tpu.memref_slice %arg6[%mul3A_4] : memref<1638400xf32, #tpu.memory_space<hbm>> -> memref<51200xf32, #tpu.memory_space<hbm>>
      %dma_start3A_123 = arith.constant 0 : i32
      %dma_start3A_124 = tpu.memref_slice %arg8[%dma_start3A_123] : memref<51200xf32, #tpu.memory_space<vmem>> -> memref<51200xf32, #tpu.memory_space<vmem>>
      tpu.enqueue_dma source(%dma_start3A_124 : memref<51200xf32, #tpu.memory_space<vmem>>) target(%dma_start3A_122 : memref<51200xf32, #tpu.memory_space<hbm>>) target_semaphore(%run_scoped3A : memref<!tpu.dma_semaphore, #tpu.memory_space<semaphore_mem>>)
      %dma_wait3A = arith.constant 0 : i32
      %dma_wait3A_125 = tpu.memref_slice %arg8[%dma_wait3A] : memref<51200xf32, #tpu.memory_space<vmem>> -> memref<51200xf32, #tpu.memory_space<vmem>>
      %dma_wait3A_126 = tpu.memref_slice %arg6[%mul3A_4] : memref<1638400xf32, #tpu.memory_space<hbm>> -> memref<51200xf32, #tpu.memory_space<hbm>>
      %dma_wait3A_127 = tpu.memref_slice %arg6[%mul3A_4] : memref<1638400xf32, #tpu.memory_space<hbm>> -> memref<51200xf32, #tpu.memory_space<hbm>>
      %dma_wait3A_128 = arith.constant 0 : i32
      %dma_wait3A_129 = tpu.memref_slice %arg8[%dma_wait3A_128] : memref<51200xf32, #tpu.memory_space<vmem>> -> memref<51200xf32, #tpu.memory_space<vmem>>
      tpu.wait_dma2 semaphore(%run_scoped3A : memref<!tpu.dma_semaphore, #tpu.memory_space<semaphore_mem>>) src(%dma_wait3A_129 : memref<51200xf32, #tpu.memory_space<vmem>>) dst(%dma_wait3A_127 : memref<51200xf32, #tpu.memory_space<hbm>>)
      tpu.yield
    }) : () -> ()
    "tpu.region"() ({
      %run_scoped3A = tpu.sem_alloc : memref<!tpu.dma_semaphore, #tpu.memory_space<semaphore_mem>>
      tpu.enqueue_dma source(%arg4 : memref<4512xi32, #tpu.memory_space<hbm>>) target(%arg9 : memref<4512xi32, #tpu.memory_space<vmem>>) target_semaphore(%run_scoped3A : memref<!tpu.dma_semaphore, #tpu.memory_space<semaphore_mem>>)
      tpu.wait_dma2 semaphore(%run_scoped3A : memref<!tpu.dma_semaphore, #tpu.memory_space<semaphore_mem>>) src(%arg4 : memref<4512xi32, #tpu.memory_space<hbm>>) dst(%arg9 : memref<4512xi32, #tpu.memory_space<vmem>>)
      tpu.yield
    }) : () -> ()
    "tpu.region"() ({
      %run_scoped3A = tpu.sem_alloc : memref<!tpu.dma_semaphore, #tpu.memory_space<semaphore_mem>>
      tpu.enqueue_dma source(%arg5 : memref<4512xf32, #tpu.memory_space<hbm>>) target(%arg10 : memref<4512xf32, #tpu.memory_space<vmem>>) target_semaphore(%run_scoped3A : memref<!tpu.dma_semaphore, #tpu.memory_space<semaphore_mem>>)
      tpu.wait_dma2 semaphore(%run_scoped3A : memref<!tpu.dma_semaphore, #tpu.memory_space<semaphore_mem>>) src(%arg5 : memref<4512xf32, #tpu.memory_space<hbm>>) dst(%arg10 : memref<4512xf32, #tpu.memory_space<vmem>>)
      tpu.yield
    }) : () -> ()
    %add3A_56 = arith.constant 0 : i32
    %add3A_57 = arith.addi %add3A, %add3A_56 : i32
    %mul3A_58 = arith.constant 12800 : i32
    %mul3A_59 = arith.muli %add3A_57, %mul3A_58 : i32
    %scan3A_60 = arith.constant 0 : i32
    %scan3A_61 = arith.constant 0 : i32
    %scan3A_62 = arith.constant 800 : i32
    %scan3A_63 = arith.addi %scan3A_61, %scan3A_62 : i32
    %scan3A_64 = arith.constant 8 : i32
    %scan3A_65 = scf.for %scan3A_120 = %scan3A_61 to %scan3A_63 step %scan3A_64 iter_args(%scan3A_121 = %scan3A_60) -> (i32)  : i32 {
      %broadcast_in_dim3A_122 = arith.constant 0.000000e+00 : f32
      %broadcast_in_dim3A_123 = vector.broadcast %broadcast_in_dim3A_122 : f32 to vector<16xf32>
      %mul3A_124 = arith.constant 16 : i32
      %mul3A_125 = arith.muli %scan3A_120, %mul3A_124 : i32
      %swap3A = arith.index_cast %mul3A_125 : i32 to index
      %swap3A_126 = tpu.vector_load %arg8[%swap3A] {strides = array<i32>} : memref<51200xf32, #tpu.memory_space<vmem>>, vector<16xf32>,
      tpu.vector_store %arg8[%swap3A], %broadcast_in_dim3A_123 {strides = array<i32>} : memref<51200xf32, #tpu.memory_space<vmem>>, vector<16xf32>,
      %scan3A_127 = arith.constant 0 : i32
      %scan3A_128 = arith.constant 1 : i32
      %scan3A_129 = arith.addi %scan3A_120, %scan3A_128 : i32
      %broadcast_in_dim3A_130 = arith.constant 0.000000e+00 : f32
      %broadcast_in_dim3A_131 = vector.broadcast %broadcast_in_dim3A_130 : f32 to vector<16xf32>
      %mul3A_132 = arith.constant 16 : i32
      %mul3A_133 = arith.muli %scan3A_129, %mul3A_132 : i32
      %swap3A_134 = arith.index_cast %mul3A_133 : i32 to index
      %swap3A_135 = tpu.vector_load %arg8[%swap3A_134] {strides = array<i32>} : memref<51200xf32, #tpu.memory_space<vmem>>, vector<16xf32>,
      tpu.vector_store %arg8[%swap3A_134], %broadcast_in_dim3A_131 {strides = array<i32>} : memref<51200xf32, #tpu.memory_space<vmem>>, vector<16xf32>,
      %scan3A_136 = arith.constant 0 : i32
      %scan3A_137 = arith.constant 2 : i32
      %scan3A_138 = arith.addi %scan3A_120, %scan3A_137 : i32
      %broadcast_in_dim3A_139 = arith.constant 0.000000e+00 : f32
      %broadcast_in_dim3A_140 = vector.broadcast %broadcast_in_dim3A_139 : f32 to vector<16xf32>
      %mul3A_141 = arith.constant 16 : i32
      %mul3A_142 = arith.muli %scan3A_138, %mul3A_141 : i32
      %swap3A_143 = arith.index_cast %mul3A_142 : i32 to index
      %swap3A_144 = tpu.vector_load %arg8[%swap3A_143] {strides = array<i32>} : memref<51200xf32, #tpu.memory_space<vmem>>, vector<16xf32>,
      tpu.vector_store %arg8[%swap3A_143], %broadcast_in_dim3A_140 {strides = array<i32>} : memref<51200xf32, #tpu.memory_space<vmem>>, vector<16xf32>,
      %scan3A_145 = arith.constant 0 : i32
      %scan3A_146 = arith.constant 3 : i32
      %scan3A_147 = arith.addi %scan3A_120, %scan3A_146 : i32
      %broadcast_in_dim3A_148 = arith.constant 0.000000e+00 : f32
      %broadcast_in_dim3A_149 = vector.broadcast %broadcast_in_dim3A_148 : f32 to vector<16xf32>
      %mul3A_150 = arith.constant 16 : i32
      %mul3A_151 = arith.muli %scan3A_147, %mul3A_150 : i32
      %swap3A_152 = arith.index_cast %mul3A_151 : i32 to index
      %swap3A_153 = tpu.vector_load %arg8[%swap3A_152] {strides = array<i32>} : memref<51200xf32, #tpu.memory_space<vmem>>, vector<16xf32>,
      tpu.vector_store %arg8[%swap3A_152], %broadcast_in_dim3A_149 {strides = array<i32>} : memref<51200xf32, #tpu.memory_space<vmem>>, vector<16xf32>,
      %scan3A_154 = arith.constant 0 : i32
      %scan3A_155 = arith.constant 4 : i32
      %scan3A_156 = arith.addi %scan3A_120, %scan3A_155 : i32
      %broadcast_in_dim3A_157 = arith.constant 0.000000e+00 : f32
      %broadcast_in_dim3A_158 = vector.broadcast %broadcast_in_dim3A_157 : f32 to vector<16xf32>
      %mul3A_159 = arith.constant 16 : i32
      %mul3A_160 = arith.muli %scan3A_156, %mul3A_159 : i32
      %swap3A_161 = arith.index_cast %mul3A_160 : i32 to index
      %swap3A_162 = tpu.vector_load %arg8[%swap3A_161] {strides = array<i32>} : memref<51200xf32, #tpu.memory_space<vmem>>, vector<16xf32>,
      tpu.vector_store %arg8[%swap3A_161], %broadcast_in_dim3A_158 {strides = array<i32>} : memref<51200xf32, #tpu.memory_space<vmem>>, vector<16xf32>,
      %scan3A_163 = arith.constant 0 : i32
      %scan3A_164 = arith.constant 5 : i32
      %scan3A_165 = arith.addi %scan3A_120, %scan3A_164 : i32
      %broadcast_in_dim3A_166 = arith.constant 0.000000e+00 : f32
      %broadcast_in_dim3A_167 = vector.broadcast %broadcast_in_dim3A_166 : f32 to vector<16xf32>
      %mul3A_168 = arith.constant 16 : i32
      %mul3A_169 = arith.muli %scan3A_165, %mul3A_168 : i32
      %swap3A_170 = arith.index_cast %mul3A_169 : i32 to index
      %swap3A_171 = tpu.vector_load %arg8[%swap3A_170] {strides = array<i32>} : memref<51200xf32, #tpu.memory_space<vmem>>, vector<16xf32>,
      tpu.vector_store %arg8[%swap3A_170], %broadcast_in_dim3A_167 {strides = array<i32>} : memref<51200xf32, #tpu.memory_space<vmem>>, vector<16xf32>,
      %scan3A_172 = arith.constant 0 : i32
      %scan3A_173 = arith.constant 6 : i32
      %scan3A_174 = arith.addi %scan3A_120, %scan3A_173 : i32
      %broadcast_in_dim3A_175 = arith.constant 0.000000e+00 : f32
      %broadcast_in_dim3A_176 = vector.broadcast %broadcast_in_dim3A_175 : f32 to vector<16xf32>
      %mul3A_177 = arith.constant 16 : i32
      %mul3A_178 = arith.muli %scan3A_174, %mul3A_177 : i32
      %swap3A_179 = arith.index_cast %mul3A_178 : i32 to index
      %swap3A_180 = tpu.vector_load %arg8[%swap3A_179] {strides = array<i32>} : memref<51200xf32, #tpu.memory_space<vmem>>, vector<16xf32>,
      tpu.vector_store %arg8[%swap3A_179], %broadcast_in_dim3A_176 {strides = array<i32>} : memref<51200xf32, #tpu.memory_space<vmem>>, vector<16xf32>,
      %scan3A_181 = arith.constant 0 : i32
      %scan3A_182 = arith.constant 7 : i32
      %scan3A_183 = arith.addi %scan3A_120, %scan3A_182 : i32
      %broadcast_in_dim3A_184 = arith.constant 0.000000e+00 : f32
      %broadcast_in_dim3A_185 = vector.broadcast %broadcast_in_dim3A_184 : f32 to vector<16xf32>
      %mul3A_186 = arith.constant 16 : i32
      %mul3A_187 = arith.muli %scan3A_183, %mul3A_186 : i32
      %swap3A_188 = arith.index_cast %mul3A_187 : i32 to index
      %swap3A_189 = tpu.vector_load %arg8[%swap3A_188] {strides = array<i32>} : memref<51200xf32, #tpu.memory_space<vmem>>, vector<16xf32>,
      tpu.vector_store %arg8[%swap3A_188], %broadcast_in_dim3A_185 {strides = array<i32>} : memref<51200xf32, #tpu.memory_space<vmem>>, vector<16xf32>,
      %scan3A_190 = arith.constant 0 : i32
      scf.yield %scan3A_190 : i32
    }
    %scan3A_66 = arith.constant 800 : i32
    %scan3A_67 = arith.constant 0 : i32
    %scan3A_68 = arith.constant 0 : i32
    %scan3A_69 = arith.constant 280 : i32
    %scan3A_70 = arith.addi %scan3A_68, %scan3A_69 : i32
    %scan3A_71 = arith.constant 4 : i32
    %scan3A_72 = scf.for %scan3A_120 = %scan3A_68 to %scan3A_70 step %scan3A_71 iter_args(%scan3A_121 = %scan3A_67) -> (i32)  : i32 {
      %mul3A_122 = arith.constant 16 : i32
      %mul3A_123 = arith.muli %scan3A_120, %mul3A_122 : i32
      %get3A_124 = arith.index_cast %mul3A_123 : i32 to index
      %get3A_125 = tpu.vector_load %arg9[%get3A_124] {strides = array<i32>} : memref<4512xi32, #tpu.memory_space<vmem>>, vector<16xi32>,
      %mul3A_126 = arith.constant 16 : i32
      %mul3A_127 = arith.muli %scan3A_120, %mul3A_126 : i32
      %get3A_128 = arith.index_cast %mul3A_127 : i32 to index
      %get3A_129 = tpu.vector_load %arg10[%get3A_128] {strides = array<i32>} : memref<4512xf32, #tpu.memory_space<vmem>>, vector<16xf32>,
      %sub3A_130 = vector.broadcast %mul3A_59 : i32 to vector<16xi32>
      %sub3A_131 = arith.subi %get3A_125, %sub3A_130 : vector<16xi32>
      %ge3A_132 = arith.constant 0 : i32
      %ge3A_133 = vector.broadcast %ge3A_132 : i32 to vector<16xi32>
      %ge3A_134 = arith.cmpi sge, %sub3A_131, %ge3A_133 : vector<16xi32>
      %lt3A_135 = arith.constant 12800 : i32
      %lt3A_136 = vector.broadcast %lt3A_135 : i32 to vector<16xi32>
      %lt3A_137 = arith.cmpi slt, %sub3A_131, %lt3A_136 : vector<16xi32>
      %and3A_138 = arith.andi %ge3A_134, %lt3A_137 : vector<16xi1>
      %jit3A_139 = arith.constant 0 : i32
      %broadcast_in_dim3A_140 = vector.broadcast %jit3A_139 : i32 to vector<16xi32>
      %select_n3A_141 = arith.select %and3A_138, %sub3A_131, %broadcast_in_dim3A_140 : vector<16xi1>, vector<16xi32>
      tpu.vector_store_idx %arg8[%select_n3A_141], %get3A_129 masked %and3A_138 {add = true} : memref<51200xf32, #tpu.memory_space<vmem>>[vector<16xi32>], vector<16xf32>, vector<16xi1>
      %scan3A_142 = arith.constant 0 : i32
      %scan3A_143 = arith.constant 1 : i32
      %scan3A_144 = arith.addi %scan3A_120, %scan3A_143 : i32
      %mul3A_145 = arith.constant 16 : i32
      %mul3A_146 = arith.muli %scan3A_144, %mul3A_145 : i32
      %get3A_147 = arith.index_cast %mul3A_146 : i32 to index
      %get3A_148 = tpu.vector_load %arg9[%get3A_147] {strides = array<i32>} : memref<4512xi32, #tpu.memory_space<vmem>>, vector<16xi32>,
      %mul3A_149 = arith.constant 16 : i32
      %mul3A_150 = arith.muli %scan3A_144, %mul3A_149 : i32
      %get3A_151 = arith.index_cast %mul3A_150 : i32 to index
      %get3A_152 = tpu.vector_load %arg10[%get3A_151] {strides = array<i32>} : memref<4512xf32, #tpu.memory_space<vmem>>, vector<16xf32>,
      %sub3A_153 = vector.broadcast %mul3A_59 : i32 to vector<16xi32>
      %sub3A_154 = arith.subi %get3A_148, %sub3A_153 : vector<16xi32>
      %ge3A_155 = arith.constant 0 : i32
      %ge3A_156 = vector.broadcast %ge3A_155 : i32 to vector<16xi32>
      %ge3A_157 = arith.cmpi sge, %sub3A_154, %ge3A_156 : vector<16xi32>
      %lt3A_158 = arith.constant 12800 : i32
      %lt3A_159 = vector.broadcast %lt3A_158 : i32 to vector<16xi32>
      %lt3A_160 = arith.cmpi slt, %sub3A_154, %lt3A_159 : vector<16xi32>
      %and3A_161 = arith.andi %ge3A_157, %lt3A_160 : vector<16xi1>
      %jit3A_162 = arith.constant 0 : i32
      %broadcast_in_dim3A_163 = vector.broadcast %jit3A_162 : i32 to vector<16xi32>
      %select_n3A_164 = arith.select %and3A_161, %sub3A_154, %broadcast_in_dim3A_163 : vector<16xi1>, vector<16xi32>
      tpu.vector_store_idx %arg8[%select_n3A_164], %get3A_152 masked %and3A_161 {add = true} : memref<51200xf32, #tpu.memory_space<vmem>>[vector<16xi32>], vector<16xf32>, vector<16xi1>
      %scan3A_165 = arith.constant 0 : i32
      %scan3A_166 = arith.constant 2 : i32
      %scan3A_167 = arith.addi %scan3A_120, %scan3A_166 : i32
      %mul3A_168 = arith.constant 16 : i32
      %mul3A_169 = arith.muli %scan3A_167, %mul3A_168 : i32
      %get3A_170 = arith.index_cast %mul3A_169 : i32 to index
      %get3A_171 = tpu.vector_load %arg9[%get3A_170] {strides = array<i32>} : memref<4512xi32, #tpu.memory_space<vmem>>, vector<16xi32>,
      %mul3A_172 = arith.constant 16 : i32
      %mul3A_173 = arith.muli %scan3A_167, %mul3A_172 : i32
      %get3A_174 = arith.index_cast %mul3A_173 : i32 to index
      %get3A_175 = tpu.vector_load %arg10[%get3A_174] {strides = array<i32>} : memref<4512xf32, #tpu.memory_space<vmem>>, vector<16xf32>,
      %sub3A_176 = vector.broadcast %mul3A_59 : i32 to vector<16xi32>
      %sub3A_177 = arith.subi %get3A_171, %sub3A_176 : vector<16xi32>
      %ge3A_178 = arith.constant 0 : i32
      %ge3A_179 = vector.broadcast %ge3A_178 : i32 to vector<16xi32>
      %ge3A_180 = arith.cmpi sge, %sub3A_177, %ge3A_179 : vector<16xi32>
      %lt3A_181 = arith.constant 12800 : i32
      %lt3A_182 = vector.broadcast %lt3A_181 : i32 to vector<16xi32>
      %lt3A_183 = arith.cmpi slt, %sub3A_177, %lt3A_182 : vector<16xi32>
      %and3A_184 = arith.andi %ge3A_180, %lt3A_183 : vector<16xi1>
      %jit3A_185 = arith.constant 0 : i32
      %broadcast_in_dim3A_186 = vector.broadcast %jit3A_185 : i32 to vector<16xi32>
      %select_n3A_187 = arith.select %and3A_184, %sub3A_177, %broadcast_in_dim3A_186 : vector<16xi1>, vector<16xi32>
      tpu.vector_store_idx %arg8[%select_n3A_187], %get3A_175 masked %and3A_184 {add = true} : memref<51200xf32, #tpu.memory_space<vmem>>[vector<16xi32>], vector<16xf32>, vector<16xi1>
      %scan3A_188 = arith.constant 0 : i32
      %scan3A_189 = arith.constant 3 : i32
      %scan3A_190 = arith.addi %scan3A_120, %scan3A_189 : i32
      %mul3A_191 = arith.constant 16 : i32
      %mul3A_192 = arith.muli %scan3A_190, %mul3A_191 : i32
      %get3A_193 = arith.index_cast %mul3A_192 : i32 to index
      %get3A_194 = tpu.vector_load %arg9[%get3A_193] {strides = array<i32>} : memref<4512xi32, #tpu.memory_space<vmem>>, vector<16xi32>,
      %mul3A_195 = arith.constant 16 : i32
      %mul3A_196 = arith.muli %scan3A_190, %mul3A_195 : i32
      %get3A_197 = arith.index_cast %mul3A_196 : i32 to index
      %get3A_198 = tpu.vector_load %arg10[%get3A_197] {strides = array<i32>} : memref<4512xf32, #tpu.memory_space<vmem>>, vector<16xf32>,
      %sub3A_199 = vector.broadcast %mul3A_59 : i32 to vector<16xi32>
      %sub3A_200 = arith.subi %get3A_194, %sub3A_199 : vector<16xi32>
      %ge3A_201 = arith.constant 0 : i32
      %ge3A_202 = vector.broadcast %ge3A_201 : i32 to vector<16xi32>
      %ge3A_203 = arith.cmpi sge, %sub3A_200, %ge3A_202 : vector<16xi32>
      %lt3A_204 = arith.constant 12800 : i32
      %lt3A_205 = vector.broadcast %lt3A_204 : i32 to vector<16xi32>
      %lt3A_206 = arith.cmpi slt, %sub3A_200, %lt3A_205 : vector<16xi32>
      %and3A_207 = arith.andi %ge3A_203, %lt3A_206 : vector<16xi1>
      %jit3A_208 = arith.constant 0 : i32
      %broadcast_in_dim3A_209 = vector.broadcast %jit3A_208 : i32 to vector<16xi32>
      %select_n3A_210 = arith.select %and3A_207, %sub3A_200, %broadcast_in_dim3A_209 : vector<16xi1>, vector<16xi32>
      tpu.vector_store_idx %arg8[%select_n3A_210], %get3A_198 masked %and3A_207 {add = true} : memref<51200xf32, #tpu.memory_space<vmem>>[vector<16xi32>], vector<16xf32>, vector<16xi1>
      %scan3A_211 = arith.constant 0 : i32
      scf.yield %scan3A_211 : i32
    }
    %scan3A_73 = arith.constant 280 : i32
    %scan3A_74 = arith.addi %scan3A_68, %scan3A_73 : i32
    %mul3A_75 = arith.constant 16 : i32
    %mul3A_76 = arith.muli %scan3A_74, %mul3A_75 : i32
    %get3A_77 = arith.index_cast %mul3A_76 : i32 to index
    %get3A_78 = tpu.vector_load %arg9[%get3A_77] {strides = array<i32>} : memref<4512xi32, #tpu.memory_space<vmem>>, vector<16xi32>,
    %mul3A_79 = arith.constant 16 : i32
    %mul3A_80 = arith.muli %scan3A_74, %mul3A_79 : i32
    %get3A_81 = arith.index_cast %mul3A_80 : i32 to index
    %get3A_82 = tpu.vector_load %arg10[%get3A_81] {strides = array<i32>} : memref<4512xf32, #tpu.memory_space<vmem>>, vector<16xf32>,
    %sub3A_83 = vector.broadcast %mul3A_59 : i32 to vector<16xi32>
    %sub3A_84 = arith.subi %get3A_78, %sub3A_83 : vector<16xi32>
    %ge3A_85 = arith.constant 0 : i32
    %ge3A_86 = vector.broadcast %ge3A_85 : i32 to vector<16xi32>
    %ge3A_87 = arith.cmpi sge, %sub3A_84, %ge3A_86 : vector<16xi32>
    %lt3A_88 = arith.constant 12800 : i32
    %lt3A_89 = vector.broadcast %lt3A_88 : i32 to vector<16xi32>
    %lt3A_90 = arith.cmpi slt, %sub3A_84, %lt3A_89 : vector<16xi32>
    %and3A_91 = arith.andi %ge3A_87, %lt3A_90 : vector<16xi1>
    %jit3A_92 = arith.constant 0 : i32
    %broadcast_in_dim3A_93 = vector.broadcast %jit3A_92 : i32 to vector<16xi32>
    %select_n3A_94 = arith.select %and3A_91, %sub3A_84, %broadcast_in_dim3A_93 : vector<16xi1>, vector<16xi32>
    tpu.vector_store_idx %arg8[%select_n3A_94], %get3A_82 masked %and3A_91 {add = true} : memref<51200xf32, #tpu.memory_space<vmem>>[vector<16xi32>], vector<16xf32>, vector<16xi1>
    %scan3A_95 = arith.constant 0 : i32
    %scan3A_96 = arith.constant 281 : i32
    %scan3A_97 = arith.addi %scan3A_68, %scan3A_96 : i32
    %mul3A_98 = arith.constant 16 : i32
    %mul3A_99 = arith.muli %scan3A_97, %mul3A_98 : i32
    %get3A_100 = arith.index_cast %mul3A_99 : i32 to index
    %get3A_101 = tpu.vector_load %arg9[%get3A_100] {strides = array<i32>} : memref<4512xi32, #tpu.memory_space<vmem>>, vector<16xi32>,
    %mul3A_102 = arith.constant 16 : i32
    %mul3A_103 = arith.muli %scan3A_97, %mul3A_102 : i32
    %get3A_104 = arith.index_cast %mul3A_103 : i32 to index
    %get3A_105 = tpu.vector_load %arg10[%get3A_104] {strides = array<i32>} : memref<4512xf32, #tpu.memory_space<vmem>>, vector<16xf32>,
    %sub3A_106 = vector.broadcast %mul3A_59 : i32 to vector<16xi32>
    %sub3A_107 = arith.subi %get3A_101, %sub3A_106 : vector<16xi32>
    %ge3A_108 = arith.constant 0 : i32
    %ge3A_109 = vector.broadcast %ge3A_108 : i32 to vector<16xi32>
    %ge3A_110 = arith.cmpi sge, %sub3A_107, %ge3A_109 : vector<16xi32>
    %lt3A_111 = arith.constant 12800 : i32
    %lt3A_112 = vector.broadcast %lt3A_111 : i32 to vector<16xi32>
    %lt3A_113 = arith.cmpi slt, %sub3A_107, %lt3A_112 : vector<16xi32>
    %and3A_114 = arith.andi %ge3A_110, %lt3A_113 : vector<16xi1>
    %jit3A_115 = arith.constant 0 : i32
    %broadcast_in_dim3A_116 = vector.broadcast %jit3A_115 : i32 to vector<16xi32>
    %select_n3A_117 = arith.select %and3A_114, %sub3A_107, %broadcast_in_dim3A_116 : vector<16xi1>, vector<16xi32>
    tpu.vector_store_idx %arg8[%select_n3A_117], %get3A_105 masked %and3A_114 {add = true} : memref<51200xf32, #tpu.memory_space<vmem>>[vector<16xi32>], vector<16xf32>, vector<16xi1>
    %scan3A_118 = arith.constant 0 : i32
    %scan3A_119 = arith.constant 282 : i32
    "tpu.region"() ({
      %run_scoped3A = tpu.sem_alloc : memref<!tpu.dma_semaphore, #tpu.memory_space<semaphore_mem>>
      %dma_start3A = arith.constant 0 : i32
      %dma_start3A_120 = tpu.memref_slice %arg8[%dma_start3A] : memref<51200xf32, #tpu.memory_space<vmem>> -> memref<12800xf32, #tpu.memory_space<vmem>>
      %dma_start3A_121 = tpu.memref_slice %arg7[%mul3A_59] : memref<409600xf32, #tpu.memory_space<hbm>> -> memref<12800xf32, #tpu.memory_space<hbm>>
      %dma_start3A_122 = tpu.memref_slice %arg7[%mul3A_59] : memref<409600xf32, #tpu.memory_space<hbm>> -> memref<12800xf32, #tpu.memory_space<hbm>>
      %dma_start3A_123 = arith.constant 0 : i32
      %dma_start3A_124 = tpu.memref_slice %arg8[%dma_start3A_123] : memref<51200xf32, #tpu.memory_space<vmem>> -> memref<12800xf32, #tpu.memory_space<vmem>>
      tpu.enqueue_dma source(%dma_start3A_124 : memref<12800xf32, #tpu.memory_space<vmem>>) target(%dma_start3A_122 : memref<12800xf32, #tpu.memory_space<hbm>>) target_semaphore(%run_scoped3A : memref<!tpu.dma_semaphore, #tpu.memory_space<semaphore_mem>>)
      %dma_wait3A = arith.constant 0 : i32
      %dma_wait3A_125 = tpu.memref_slice %arg8[%dma_wait3A] : memref<51200xf32, #tpu.memory_space<vmem>> -> memref<12800xf32, #tpu.memory_space<vmem>>
      %dma_wait3A_126 = tpu.memref_slice %arg7[%mul3A_59] : memref<409600xf32, #tpu.memory_space<hbm>> -> memref<12800xf32, #tpu.memory_space<hbm>>
      %dma_wait3A_127 = tpu.memref_slice %arg7[%mul3A_59] : memref<409600xf32, #tpu.memory_space<hbm>> -> memref<12800xf32, #tpu.memory_space<hbm>>
      %dma_wait3A_128 = arith.constant 0 : i32
      %dma_wait3A_129 = tpu.memref_slice %arg8[%dma_wait3A_128] : memref<51200xf32, #tpu.memory_space<vmem>> -> memref<12800xf32, #tpu.memory_space<vmem>>
      tpu.wait_dma2 semaphore(%run_scoped3A : memref<!tpu.dma_semaphore, #tpu.memory_space<semaphore_mem>>) src(%dma_wait3A_129 : memref<12800xf32, #tpu.memory_space<vmem>>) dst(%dma_wait3A_127 : memref<12800xf32, #tpu.memory_space<hbm>>)
      tpu.yield
    }) : () -> ()
    return
  }
}

#map = affine_map<(d0, d1) -> (0)>
module attributes {stable_mosaic.version = 14 : i64} {
  func.func @_sc0_body(%arg0: i32, %arg1: i32, %arg2: memref<4512xi32, #tpu.memory_space<hbm>>, %arg3: memref<4512xf32, #tpu.memory_space<hbm>>, %arg4: memref<6553600xf32, #tpu.memory_space<hbm>>, %arg5: memref<102400xf32, #tpu.memory_space<vmem>>, %arg6: memref<4512xi32, #tpu.memory_space<vmem>>, %arg7: memref<4512xf32, #tpu.memory_space<vmem>>) attributes {dimension_semantics = [#tpu.dimension_semantics<core_parallel>, #tpu.dimension_semantics<subcore_parallel>], iteration_bounds = array<i64: 2, 16>, scalar_prefetch = 0 : i64, scratch_operands = 3 : i64, tpu.core_type = #tpu.core_type<sc_vector_subcore>, window_params = [{transform_indices = #map}, {transform_indices = #map}, {transform_indices = #map}]} {
    %mul3A = arith.constant 2 : i32
    %mul3A_0 = arith.muli %arg1, %mul3A : i32
    %add3A = arith.addi %mul3A_0, %arg0 : i32
    "tpu.region"() ({
      %run_scoped3A = tpu.sem_alloc : memref<!tpu.dma_semaphore, #tpu.memory_space<semaphore_mem>>
      tpu.enqueue_dma source(%arg2 : memref<4512xi32, #tpu.memory_space<hbm>>) target(%arg6 : memref<4512xi32, #tpu.memory_space<vmem>>) target_semaphore(%run_scoped3A : memref<!tpu.dma_semaphore, #tpu.memory_space<semaphore_mem>>)
      tpu.wait_dma2 semaphore(%run_scoped3A : memref<!tpu.dma_semaphore, #tpu.memory_space<semaphore_mem>>) src(%arg2 : memref<4512xi32, #tpu.memory_space<hbm>>) dst(%arg6 : memref<4512xi32, #tpu.memory_space<vmem>>)
      tpu.yield
    }) : () -> ()
    "tpu.region"() ({
      %run_scoped3A = tpu.sem_alloc : memref<!tpu.dma_semaphore, #tpu.memory_space<semaphore_mem>>
      tpu.enqueue_dma source(%arg3 : memref<4512xf32, #tpu.memory_space<hbm>>) target(%arg7 : memref<4512xf32, #tpu.memory_space<vmem>>) target_semaphore(%run_scoped3A : memref<!tpu.dma_semaphore, #tpu.memory_space<semaphore_mem>>)
      tpu.wait_dma2 semaphore(%run_scoped3A : memref<!tpu.dma_semaphore, #tpu.memory_space<semaphore_mem>>) src(%arg3 : memref<4512xf32, #tpu.memory_space<hbm>>) dst(%arg7 : memref<4512xf32, #tpu.memory_space<vmem>>)
      tpu.yield
    }) : () -> ()
    %add3A_1 = arith.constant 0 : i32
    %add3A_2 = arith.addi %add3A, %add3A_1 : i32
    %mul3A_3 = arith.constant 102400 : i32
    %mul3A_4 = arith.muli %add3A_2, %mul3A_3 : i32
    %scan3A = arith.constant 0 : i32
    %scan3A_5 = arith.constant 0 : i32
    %scan3A_6 = arith.constant 6400 : i32
    %scan3A_7 = arith.addi %scan3A_5, %scan3A_6 : i32
    %scan3A_8 = arith.constant 8 : i32
    %scan3A_9 = scf.for %scan3A_120 = %scan3A_5 to %scan3A_7 step %scan3A_8 iter_args(%scan3A_121 = %scan3A) -> (i32)  : i32 {
      %broadcast_in_dim3A_122 = arith.constant 0.000000e+00 : f32
      %broadcast_in_dim3A_123 = vector.broadcast %broadcast_in_dim3A_122 : f32 to vector<16xf32>
      %mul3A_124 = arith.constant 16 : i32
      %mul3A_125 = arith.muli %scan3A_120, %mul3A_124 : i32
      %swap3A = arith.index_cast %mul3A_125 : i32 to index
      %swap3A_126 = tpu.vector_load %arg5[%swap3A] {strides = array<i32>} : memref<102400xf32, #tpu.memory_space<vmem>>, vector<16xf32>,
      tpu.vector_store %arg5[%swap3A], %broadcast_in_dim3A_123 {strides = array<i32>} : memref<102400xf32, #tpu.memory_space<vmem>>, vector<16xf32>,
      %scan3A_127 = arith.constant 0 : i32
      %scan3A_128 = arith.constant 1 : i32
      %scan3A_129 = arith.addi %scan3A_120, %scan3A_128 : i32
      %broadcast_in_dim3A_130 = arith.constant 0.000000e+00 : f32
      %broadcast_in_dim3A_131 = vector.broadcast %broadcast_in_dim3A_130 : f32 to vector<16xf32>
      %mul3A_132 = arith.constant 16 : i32
      %mul3A_133 = arith.muli %scan3A_129, %mul3A_132 : i32
      %swap3A_134 = arith.index_cast %mul3A_133 : i32 to index
      %swap3A_135 = tpu.vector_load %arg5[%swap3A_134] {strides = array<i32>} : memref<102400xf32, #tpu.memory_space<vmem>>, vector<16xf32>,
      tpu.vector_store %arg5[%swap3A_134], %broadcast_in_dim3A_131 {strides = array<i32>} : memref<102400xf32, #tpu.memory_space<vmem>>, vector<16xf32>,
      %scan3A_136 = arith.constant 0 : i32
      %scan3A_137 = arith.constant 2 : i32
      %scan3A_138 = arith.addi %scan3A_120, %scan3A_137 : i32
      %broadcast_in_dim3A_139 = arith.constant 0.000000e+00 : f32
      %broadcast_in_dim3A_140 = vector.broadcast %broadcast_in_dim3A_139 : f32 to vector<16xf32>
      %mul3A_141 = arith.constant 16 : i32
      %mul3A_142 = arith.muli %scan3A_138, %mul3A_141 : i32
      %swap3A_143 = arith.index_cast %mul3A_142 : i32 to index
      %swap3A_144 = tpu.vector_load %arg5[%swap3A_143] {strides = array<i32>} : memref<102400xf32, #tpu.memory_space<vmem>>, vector<16xf32>,
      tpu.vector_store %arg5[%swap3A_143], %broadcast_in_dim3A_140 {strides = array<i32>} : memref<102400xf32, #tpu.memory_space<vmem>>, vector<16xf32>,
      %scan3A_145 = arith.constant 0 : i32
      %scan3A_146 = arith.constant 3 : i32
      %scan3A_147 = arith.addi %scan3A_120, %scan3A_146 : i32
      %broadcast_in_dim3A_148 = arith.constant 0.000000e+00 : f32
      %broadcast_in_dim3A_149 = vector.broadcast %broadcast_in_dim3A_148 : f32 to vector<16xf32>
      %mul3A_150 = arith.constant 16 : i32
      %mul3A_151 = arith.muli %scan3A_147, %mul3A_150 : i32
      %swap3A_152 = arith.index_cast %mul3A_151 : i32 to index
      %swap3A_153 = tpu.vector_load %arg5[%swap3A_152] {strides = array<i32>} : memref<102400xf32, #tpu.memory_space<vmem>>, vector<16xf32>,
      tpu.vector_store %arg5[%swap3A_152], %broadcast_in_dim3A_149 {strides = array<i32>} : memref<102400xf32, #tpu.memory_space<vmem>>, vector<16xf32>,
      %scan3A_154 = arith.constant 0 : i32
      %scan3A_155 = arith.constant 4 : i32
      %scan3A_156 = arith.addi %scan3A_120, %scan3A_155 : i32
      %broadcast_in_dim3A_157 = arith.constant 0.000000e+00 : f32
      %broadcast_in_dim3A_158 = vector.broadcast %broadcast_in_dim3A_157 : f32 to vector<16xf32>
      %mul3A_159 = arith.constant 16 : i32
      %mul3A_160 = arith.muli %scan3A_156, %mul3A_159 : i32
      %swap3A_161 = arith.index_cast %mul3A_160 : i32 to index
      %swap3A_162 = tpu.vector_load %arg5[%swap3A_161] {strides = array<i32>} : memref<102400xf32, #tpu.memory_space<vmem>>, vector<16xf32>,
      tpu.vector_store %arg5[%swap3A_161], %broadcast_in_dim3A_158 {strides = array<i32>} : memref<102400xf32, #tpu.memory_space<vmem>>, vector<16xf32>,
      %scan3A_163 = arith.constant 0 : i32
      %scan3A_164 = arith.constant 5 : i32
      %scan3A_165 = arith.addi %scan3A_120, %scan3A_164 : i32
      %broadcast_in_dim3A_166 = arith.constant 0.000000e+00 : f32
      %broadcast_in_dim3A_167 = vector.broadcast %broadcast_in_dim3A_166 : f32 to vector<16xf32>
      %mul3A_168 = arith.constant 16 : i32
      %mul3A_169 = arith.muli %scan3A_165, %mul3A_168 : i32
      %swap3A_170 = arith.index_cast %mul3A_169 : i32 to index
      %swap3A_171 = tpu.vector_load %arg5[%swap3A_170] {strides = array<i32>} : memref<102400xf32, #tpu.memory_space<vmem>>, vector<16xf32>,
      tpu.vector_store %arg5[%swap3A_170], %broadcast_in_dim3A_167 {strides = array<i32>} : memref<102400xf32, #tpu.memory_space<vmem>>, vector<16xf32>,
      %scan3A_172 = arith.constant 0 : i32
      %scan3A_173 = arith.constant 6 : i32
      %scan3A_174 = arith.addi %scan3A_120, %scan3A_173 : i32
      %broadcast_in_dim3A_175 = arith.constant 0.000000e+00 : f32
      %broadcast_in_dim3A_176 = vector.broadcast %broadcast_in_dim3A_175 : f32 to vector<16xf32>
      %mul3A_177 = arith.constant 16 : i32
      %mul3A_178 = arith.muli %scan3A_174, %mul3A_177 : i32
      %swap3A_179 = arith.index_cast %mul3A_178 : i32 to index
      %swap3A_180 = tpu.vector_load %arg5[%swap3A_179] {strides = array<i32>} : memref<102400xf32, #tpu.memory_space<vmem>>, vector<16xf32>,
      tpu.vector_store %arg5[%swap3A_179], %broadcast_in_dim3A_176 {strides = array<i32>} : memref<102400xf32, #tpu.memory_space<vmem>>, vector<16xf32>,
      %scan3A_181 = arith.constant 0 : i32
      %scan3A_182 = arith.constant 7 : i32
      %scan3A_183 = arith.addi %scan3A_120, %scan3A_182 : i32
      %broadcast_in_dim3A_184 = arith.constant 0.000000e+00 : f32
      %broadcast_in_dim3A_185 = vector.broadcast %broadcast_in_dim3A_184 : f32 to vector<16xf32>
      %mul3A_186 = arith.constant 16 : i32
      %mul3A_187 = arith.muli %scan3A_183, %mul3A_186 : i32
      %swap3A_188 = arith.index_cast %mul3A_187 : i32 to index
      %swap3A_189 = tpu.vector_load %arg5[%swap3A_188] {strides = array<i32>} : memref<102400xf32, #tpu.memory_space<vmem>>, vector<16xf32>,
      tpu.vector_store %arg5[%swap3A_188], %broadcast_in_dim3A_185 {strides = array<i32>} : memref<102400xf32, #tpu.memory_space<vmem>>, vector<16xf32>,
      %scan3A_190 = arith.constant 0 : i32
      scf.yield %scan3A_190 : i32
    }
    %scan3A_10 = arith.constant 6400 : i32
    %scan3A_11 = arith.constant 0 : i32
    %scan3A_12 = arith.constant 0 : i32
    %scan3A_13 = arith.constant 280 : i32
    %scan3A_14 = arith.addi %scan3A_12, %scan3A_13 : i32
    %scan3A_15 = arith.constant 4 : i32
    %scan3A_16 = scf.for %scan3A_120 = %scan3A_12 to %scan3A_14 step %scan3A_15 iter_args(%scan3A_121 = %scan3A_11) -> (i32)  : i32 {
      %mul3A_122 = arith.constant 16 : i32
      %mul3A_123 = arith.muli %scan3A_120, %mul3A_122 : i32
      %get3A_124 = arith.index_cast %mul3A_123 : i32 to index
      %get3A_125 = tpu.vector_load %arg6[%get3A_124] {strides = array<i32>} : memref<4512xi32, #tpu.memory_space<vmem>>, vector<16xi32>,
      %mul3A_126 = arith.constant 16 : i32
      %mul3A_127 = arith.muli %scan3A_120, %mul3A_126 : i32
      %get3A_128 = arith.index_cast %mul3A_127 : i32 to index
      %get3A_129 = tpu.vector_load %arg7[%get3A_128] {strides = array<i32>} : memref<4512xf32, #tpu.memory_space<vmem>>, vector<16xf32>,
      %sub3A_130 = vector.broadcast %mul3A_4 : i32 to vector<16xi32>
      %sub3A_131 = arith.subi %get3A_125, %sub3A_130 : vector<16xi32>
      %ge3A_132 = arith.constant 0 : i32
      %ge3A_133 = vector.broadcast %ge3A_132 : i32 to vector<16xi32>
      %ge3A_134 = arith.cmpi sge, %sub3A_131, %ge3A_133 : vector<16xi32>
      %lt3A_135 = arith.constant 102400 : i32
      %lt3A_136 = vector.broadcast %lt3A_135 : i32 to vector<16xi32>
      %lt3A_137 = arith.cmpi slt, %sub3A_131, %lt3A_136 : vector<16xi32>
      %and3A_138 = arith.andi %ge3A_134, %lt3A_137 : vector<16xi1>
      %jit3A_139 = arith.constant 0 : i32
      %broadcast_in_dim3A_140 = vector.broadcast %jit3A_139 : i32 to vector<16xi32>
      %select_n3A_141 = arith.select %and3A_138, %sub3A_131, %broadcast_in_dim3A_140 : vector<16xi1>, vector<16xi32>
      tpu.vector_store_idx %arg5[%select_n3A_141], %get3A_129 masked %and3A_138 {add = true} : memref<102400xf32, #tpu.memory_space<vmem>>[vector<16xi32>], vector<16xf32>, vector<16xi1>
      %scan3A_142 = arith.constant 0 : i32
      %scan3A_143 = arith.constant 1 : i32
      %scan3A_144 = arith.addi %scan3A_120, %scan3A_143 : i32
      %mul3A_145 = arith.constant 16 : i32
      %mul3A_146 = arith.muli %scan3A_144, %mul3A_145 : i32
      %get3A_147 = arith.index_cast %mul3A_146 : i32 to index
      %get3A_148 = tpu.vector_load %arg6[%get3A_147] {strides = array<i32>} : memref<4512xi32, #tpu.memory_space<vmem>>, vector<16xi32>,
      %mul3A_149 = arith.constant 16 : i32
      %mul3A_150 = arith.muli %scan3A_144, %mul3A_149 : i32
      %get3A_151 = arith.index_cast %mul3A_150 : i32 to index
      %get3A_152 = tpu.vector_load %arg7[%get3A_151] {strides = array<i32>} : memref<4512xf32, #tpu.memory_space<vmem>>, vector<16xf32>,
      %sub3A_153 = vector.broadcast %mul3A_4 : i32 to vector<16xi32>
      %sub3A_154 = arith.subi %get3A_148, %sub3A_153 : vector<16xi32>
      %ge3A_155 = arith.constant 0 : i32
      %ge3A_156 = vector.broadcast %ge3A_155 : i32 to vector<16xi32>
      %ge3A_157 = arith.cmpi sge, %sub3A_154, %ge3A_156 : vector<16xi32>
      %lt3A_158 = arith.constant 102400 : i32
      %lt3A_159 = vector.broadcast %lt3A_158 : i32 to vector<16xi32>
      %lt3A_160 = arith.cmpi slt, %sub3A_154, %lt3A_159 : vector<16xi32>
      %and3A_161 = arith.andi %ge3A_157, %lt3A_160 : vector<16xi1>
      %jit3A_162 = arith.constant 0 : i32
      %broadcast_in_dim3A_163 = vector.broadcast %jit3A_162 : i32 to vector<16xi32>
      %select_n3A_164 = arith.select %and3A_161, %sub3A_154, %broadcast_in_dim3A_163 : vector<16xi1>, vector<16xi32>
      tpu.vector_store_idx %arg5[%select_n3A_164], %get3A_152 masked %and3A_161 {add = true} : memref<102400xf32, #tpu.memory_space<vmem>>[vector<16xi32>], vector<16xf32>, vector<16xi1>
      %scan3A_165 = arith.constant 0 : i32
      %scan3A_166 = arith.constant 2 : i32
      %scan3A_167 = arith.addi %scan3A_120, %scan3A_166 : i32
      %mul3A_168 = arith.constant 16 : i32
      %mul3A_169 = arith.muli %scan3A_167, %mul3A_168 : i32
      %get3A_170 = arith.index_cast %mul3A_169 : i32 to index
      %get3A_171 = tpu.vector_load %arg6[%get3A_170] {strides = array<i32>} : memref<4512xi32, #tpu.memory_space<vmem>>, vector<16xi32>,
      %mul3A_172 = arith.constant 16 : i32
      %mul3A_173 = arith.muli %scan3A_167, %mul3A_172 : i32
      %get3A_174 = arith.index_cast %mul3A_173 : i32 to index
      %get3A_175 = tpu.vector_load %arg7[%get3A_174] {strides = array<i32>} : memref<4512xf32, #tpu.memory_space<vmem>>, vector<16xf32>,
      %sub3A_176 = vector.broadcast %mul3A_4 : i32 to vector<16xi32>
      %sub3A_177 = arith.subi %get3A_171, %sub3A_176 : vector<16xi32>
      %ge3A_178 = arith.constant 0 : i32
      %ge3A_179 = vector.broadcast %ge3A_178 : i32 to vector<16xi32>
      %ge3A_180 = arith.cmpi sge, %sub3A_177, %ge3A_179 : vector<16xi32>
      %lt3A_181 = arith.constant 102400 : i32
      %lt3A_182 = vector.broadcast %lt3A_181 : i32 to vector<16xi32>
      %lt3A_183 = arith.cmpi slt, %sub3A_177, %lt3A_182 : vector<16xi32>
      %and3A_184 = arith.andi %ge3A_180, %lt3A_183 : vector<16xi1>
      %jit3A_185 = arith.constant 0 : i32
      %broadcast_in_dim3A_186 = vector.broadcast %jit3A_185 : i32 to vector<16xi32>
      %select_n3A_187 = arith.select %and3A_184, %sub3A_177, %broadcast_in_dim3A_186 : vector<16xi1>, vector<16xi32>
      tpu.vector_store_idx %arg5[%select_n3A_187], %get3A_175 masked %and3A_184 {add = true} : memref<102400xf32, #tpu.memory_space<vmem>>[vector<16xi32>], vector<16xf32>, vector<16xi1>
      %scan3A_188 = arith.constant 0 : i32
      %scan3A_189 = arith.constant 3 : i32
      %scan3A_190 = arith.addi %scan3A_120, %scan3A_189 : i32
      %mul3A_191 = arith.constant 16 : i32
      %mul3A_192 = arith.muli %scan3A_190, %mul3A_191 : i32
      %get3A_193 = arith.index_cast %mul3A_192 : i32 to index
      %get3A_194 = tpu.vector_load %arg6[%get3A_193] {strides = array<i32>} : memref<4512xi32, #tpu.memory_space<vmem>>, vector<16xi32>,
      %mul3A_195 = arith.constant 16 : i32
      %mul3A_196 = arith.muli %scan3A_190, %mul3A_195 : i32
      %get3A_197 = arith.index_cast %mul3A_196 : i32 to index
      %get3A_198 = tpu.vector_load %arg7[%get3A_197] {strides = array<i32>} : memref<4512xf32, #tpu.memory_space<vmem>>, vector<16xf32>,
      %sub3A_199 = vector.broadcast %mul3A_4 : i32 to vector<16xi32>
      %sub3A_200 = arith.subi %get3A_194, %sub3A_199 : vector<16xi32>
      %ge3A_201 = arith.constant 0 : i32
      %ge3A_202 = vector.broadcast %ge3A_201 : i32 to vector<16xi32>
      %ge3A_203 = arith.cmpi sge, %sub3A_200, %ge3A_202 : vector<16xi32>
      %lt3A_204 = arith.constant 102400 : i32
      %lt3A_205 = vector.broadcast %lt3A_204 : i32 to vector<16xi32>
      %lt3A_206 = arith.cmpi slt, %sub3A_200, %lt3A_205 : vector<16xi32>
      %and3A_207 = arith.andi %ge3A_203, %lt3A_206 : vector<16xi1>
      %jit3A_208 = arith.constant 0 : i32
      %broadcast_in_dim3A_209 = vector.broadcast %jit3A_208 : i32 to vector<16xi32>
      %select_n3A_210 = arith.select %and3A_207, %sub3A_200, %broadcast_in_dim3A_209 : vector<16xi1>, vector<16xi32>
      tpu.vector_store_idx %arg5[%select_n3A_210], %get3A_198 masked %and3A_207 {add = true} : memref<102400xf32, #tpu.memory_space<vmem>>[vector<16xi32>], vector<16xf32>, vector<16xi1>
      %scan3A_211 = arith.constant 0 : i32
      scf.yield %scan3A_211 : i32
    }
    %scan3A_17 = arith.constant 280 : i32
    %scan3A_18 = arith.addi %scan3A_12, %scan3A_17 : i32
    %mul3A_19 = arith.constant 16 : i32
    %mul3A_20 = arith.muli %scan3A_18, %mul3A_19 : i32
    %get3A = arith.index_cast %mul3A_20 : i32 to index
    %get3A_21 = tpu.vector_load %arg6[%get3A] {strides = array<i32>} : memref<4512xi32, #tpu.memory_space<vmem>>, vector<16xi32>,
    %mul3A_22 = arith.constant 16 : i32
    %mul3A_23 = arith.muli %scan3A_18, %mul3A_22 : i32
    %get3A_24 = arith.index_cast %mul3A_23 : i32 to index
    %get3A_25 = tpu.vector_load %arg7[%get3A_24] {strides = array<i32>} : memref<4512xf32, #tpu.memory_space<vmem>>, vector<16xf32>,
    %sub3A = vector.broadcast %mul3A_4 : i32 to vector<16xi32>
    %sub3A_26 = arith.subi %get3A_21, %sub3A : vector<16xi32>
    %ge3A = arith.constant 0 : i32
    %ge3A_27 = vector.broadcast %ge3A : i32 to vector<16xi32>
    %ge3A_28 = arith.cmpi sge, %sub3A_26, %ge3A_27 : vector<16xi32>
    %lt3A = arith.constant 102400 : i32
    %lt3A_29 = vector.broadcast %lt3A : i32 to vector<16xi32>
    %lt3A_30 = arith.cmpi slt, %sub3A_26, %lt3A_29 : vector<16xi32>
    %and3A = arith.andi %ge3A_28, %lt3A_30 : vector<16xi1>
    %jit3A = arith.constant 0 : i32
    %broadcast_in_dim3A = vector.broadcast %jit3A : i32 to vector<16xi32>
    %select_n3A = arith.select %and3A, %sub3A_26, %broadcast_in_dim3A : vector<16xi1>, vector<16xi32>
    tpu.vector_store_idx %arg5[%select_n3A], %get3A_25 masked %and3A {add = true} : memref<102400xf32, #tpu.memory_space<vmem>>[vector<16xi32>], vector<16xf32>, vector<16xi1>
    %scan3A_31 = arith.constant 0 : i32
    %scan3A_32 = arith.constant 281 : i32
    %scan3A_33 = arith.addi %scan3A_12, %scan3A_32 : i32
    %mul3A_34 = arith.constant 16 : i32
    %mul3A_35 = arith.muli %scan3A_33, %mul3A_34 : i32
    %get3A_36 = arith.index_cast %mul3A_35 : i32 to index
    %get3A_37 = tpu.vector_load %arg6[%get3A_36] {strides = array<i32>} : memref<4512xi32, #tpu.memory_space<vmem>>, vector<16xi32>,
    %mul3A_38 = arith.constant 16 : i32
    %mul3A_39 = arith.muli %scan3A_33, %mul3A_38 : i32
    %get3A_40 = arith.index_cast %mul3A_39 : i32 to index
    %get3A_41 = tpu.vector_load %arg7[%get3A_40] {strides = array<i32>} : memref<4512xf32, #tpu.memory_space<vmem>>, vector<16xf32>,
    %sub3A_42 = vector.broadcast %mul3A_4 : i32 to vector<16xi32>
    %sub3A_43 = arith.subi %get3A_37, %sub3A_42 : vector<16xi32>
    %ge3A_44 = arith.constant 0 : i32
    %ge3A_45 = vector.broadcast %ge3A_44 : i32 to vector<16xi32>
    %ge3A_46 = arith.cmpi sge, %sub3A_43, %ge3A_45 : vector<16xi32>
    %lt3A_47 = arith.constant 102400 : i32
    %lt3A_48 = vector.broadcast %lt3A_47 : i32 to vector<16xi32>
    %lt3A_49 = arith.cmpi slt, %sub3A_43, %lt3A_48 : vector<16xi32>
    %and3A_50 = arith.andi %ge3A_46, %lt3A_49 : vector<16xi1>
    %jit3A_51 = arith.constant 0 : i32
    %broadcast_in_dim3A_52 = vector.broadcast %jit3A_51 : i32 to vector<16xi32>
    %select_n3A_53 = arith.select %and3A_50, %sub3A_43, %broadcast_in_dim3A_52 : vector<16xi1>, vector<16xi32>
    tpu.vector_store_idx %arg5[%select_n3A_53], %get3A_41 masked %and3A_50 {add = true} : memref<102400xf32, #tpu.memory_space<vmem>>[vector<16xi32>], vector<16xf32>, vector<16xi1>
    %scan3A_54 = arith.constant 0 : i32
    %scan3A_55 = arith.constant 282 : i32
    "tpu.region"() ({
      %run_scoped3A = tpu.sem_alloc : memref<!tpu.dma_semaphore, #tpu.memory_space<semaphore_mem>>
      %dma_start3A = arith.constant 0 : i32
      %dma_start3A_120 = tpu.memref_slice %arg5[%dma_start3A] : memref<102400xf32, #tpu.memory_space<vmem>> -> memref<102400xf32, #tpu.memory_space<vmem>>
      %dma_start3A_121 = tpu.memref_slice %arg4[%mul3A_4] : memref<6553600xf32, #tpu.memory_space<hbm>> -> memref<102400xf32, #tpu.memory_space<hbm>>
      %dma_start3A_122 = tpu.memref_slice %arg4[%mul3A_4] : memref<6553600xf32, #tpu.memory_space<hbm>> -> memref<102400xf32, #tpu.memory_space<hbm>>
      %dma_start3A_123 = arith.constant 0 : i32
      %dma_start3A_124 = tpu.memref_slice %arg5[%dma_start3A_123] : memref<102400xf32, #tpu.memory_space<vmem>> -> memref<102400xf32, #tpu.memory_space<vmem>>
      tpu.enqueue_dma source(%dma_start3A_124 : memref<102400xf32, #tpu.memory_space<vmem>>) target(%dma_start3A_122 : memref<102400xf32, #tpu.memory_space<hbm>>) target_semaphore(%run_scoped3A : memref<!tpu.dma_semaphore, #tpu.memory_space<semaphore_mem>>)
      %dma_wait3A = arith.constant 0 : i32
      %dma_wait3A_125 = tpu.memref_slice %arg5[%dma_wait3A] : memref<102400xf32, #tpu.memory_space<vmem>> -> memref<102400xf32, #tpu.memory_space<vmem>>
      %dma_wait3A_126 = tpu.memref_slice %arg4[%mul3A_4] : memref<6553600xf32, #tpu.memory_space<hbm>> -> memref<102400xf32, #tpu.memory_space<hbm>>
      %dma_wait3A_127 = tpu.memref_slice %arg4[%mul3A_4] : memref<6553600xf32, #tpu.memory_space<hbm>> -> memref<102400xf32, #tpu.memory_space<hbm>>
      %dma_wait3A_128 = arith.constant 0 : i32
      %dma_wait3A_129 = tpu.memref_slice %arg5[%dma_wait3A_128] : memref<102400xf32, #tpu.memory_space<vmem>> -> memref<102400xf32, #tpu.memory_space<vmem>>
      tpu.wait_dma2 semaphore(%run_scoped3A : memref<!tpu.dma_semaphore, #tpu.memory_space<semaphore_mem>>) src(%dma_wait3A_129 : memref<102400xf32, #tpu.memory_space<vmem>>) dst(%dma_wait3A_127 : memref<102400xf32, #tpu.memory_space<hbm>>)
      tpu.yield
    }) : () -> ()
    %add3A_56 = arith.constant 32 : i32
    %add3A_57 = arith.addi %add3A, %add3A_56 : i32
    %mul3A_58 = arith.constant 102400 : i32
    %mul3A_59 = arith.muli %add3A_57, %mul3A_58 : i32
    %scan3A_60 = arith.constant 0 : i32
    %scan3A_61 = arith.constant 0 : i32
    %scan3A_62 = arith.constant 6400 : i32
    %scan3A_63 = arith.addi %scan3A_61, %scan3A_62 : i32
    %scan3A_64 = arith.constant 8 : i32
    %scan3A_65 = scf.for %scan3A_120 = %scan3A_61 to %scan3A_63 step %scan3A_64 iter_args(%scan3A_121 = %scan3A_60) -> (i32)  : i32 {
      %broadcast_in_dim3A_122 = arith.constant 0.000000e+00 : f32
      %broadcast_in_dim3A_123 = vector.broadcast %broadcast_in_dim3A_122 : f32 to vector<16xf32>
      %mul3A_124 = arith.constant 16 : i32
      %mul3A_125 = arith.muli %scan3A_120, %mul3A_124 : i32
      %swap3A = arith.index_cast %mul3A_125 : i32 to index
      %swap3A_126 = tpu.vector_load %arg5[%swap3A] {strides = array<i32>} : memref<102400xf32, #tpu.memory_space<vmem>>, vector<16xf32>,
      tpu.vector_store %arg5[%swap3A], %broadcast_in_dim3A_123 {strides = array<i32>} : memref<102400xf32, #tpu.memory_space<vmem>>, vector<16xf32>,
      %scan3A_127 = arith.constant 0 : i32
      %scan3A_128 = arith.constant 1 : i32
      %scan3A_129 = arith.addi %scan3A_120, %scan3A_128 : i32
      %broadcast_in_dim3A_130 = arith.constant 0.000000e+00 : f32
      %broadcast_in_dim3A_131 = vector.broadcast %broadcast_in_dim3A_130 : f32 to vector<16xf32>
      %mul3A_132 = arith.constant 16 : i32
      %mul3A_133 = arith.muli %scan3A_129, %mul3A_132 : i32
      %swap3A_134 = arith.index_cast %mul3A_133 : i32 to index
      %swap3A_135 = tpu.vector_load %arg5[%swap3A_134] {strides = array<i32>} : memref<102400xf32, #tpu.memory_space<vmem>>, vector<16xf32>,
      tpu.vector_store %arg5[%swap3A_134], %broadcast_in_dim3A_131 {strides = array<i32>} : memref<102400xf32, #tpu.memory_space<vmem>>, vector<16xf32>,
      %scan3A_136 = arith.constant 0 : i32
      %scan3A_137 = arith.constant 2 : i32
      %scan3A_138 = arith.addi %scan3A_120, %scan3A_137 : i32
      %broadcast_in_dim3A_139 = arith.constant 0.000000e+00 : f32
      %broadcast_in_dim3A_140 = vector.broadcast %broadcast_in_dim3A_139 : f32 to vector<16xf32>
      %mul3A_141 = arith.constant 16 : i32
      %mul3A_142 = arith.muli %scan3A_138, %mul3A_141 : i32
      %swap3A_143 = arith.index_cast %mul3A_142 : i32 to index
      %swap3A_144 = tpu.vector_load %arg5[%swap3A_143] {strides = array<i32>} : memref<102400xf32, #tpu.memory_space<vmem>>, vector<16xf32>,
      tpu.vector_store %arg5[%swap3A_143], %broadcast_in_dim3A_140 {strides = array<i32>} : memref<102400xf32, #tpu.memory_space<vmem>>, vector<16xf32>,
      %scan3A_145 = arith.constant 0 : i32
      %scan3A_146 = arith.constant 3 : i32
      %scan3A_147 = arith.addi %scan3A_120, %scan3A_146 : i32
      %broadcast_in_dim3A_148 = arith.constant 0.000000e+00 : f32
      %broadcast_in_dim3A_149 = vector.broadcast %broadcast_in_dim3A_148 : f32 to vector<16xf32>
      %mul3A_150 = arith.constant 16 : i32
      %mul3A_151 = arith.muli %scan3A_147, %mul3A_150 : i32
      %swap3A_152 = arith.index_cast %mul3A_151 : i32 to index
      %swap3A_153 = tpu.vector_load %arg5[%swap3A_152] {strides = array<i32>} : memref<102400xf32, #tpu.memory_space<vmem>>, vector<16xf32>,
      tpu.vector_store %arg5[%swap3A_152], %broadcast_in_dim3A_149 {strides = array<i32>} : memref<102400xf32, #tpu.memory_space<vmem>>, vector<16xf32>,
      %scan3A_154 = arith.constant 0 : i32
      %scan3A_155 = arith.constant 4 : i32
      %scan3A_156 = arith.addi %scan3A_120, %scan3A_155 : i32
      %broadcast_in_dim3A_157 = arith.constant 0.000000e+00 : f32
      %broadcast_in_dim3A_158 = vector.broadcast %broadcast_in_dim3A_157 : f32 to vector<16xf32>
      %mul3A_159 = arith.constant 16 : i32
      %mul3A_160 = arith.muli %scan3A_156, %mul3A_159 : i32
      %swap3A_161 = arith.index_cast %mul3A_160 : i32 to index
      %swap3A_162 = tpu.vector_load %arg5[%swap3A_161] {strides = array<i32>} : memref<102400xf32, #tpu.memory_space<vmem>>, vector<16xf32>,
      tpu.vector_store %arg5[%swap3A_161], %broadcast_in_dim3A_158 {strides = array<i32>} : memref<102400xf32, #tpu.memory_space<vmem>>, vector<16xf32>,
      %scan3A_163 = arith.constant 0 : i32
      %scan3A_164 = arith.constant 5 : i32
      %scan3A_165 = arith.addi %scan3A_120, %scan3A_164 : i32
      %broadcast_in_dim3A_166 = arith.constant 0.000000e+00 : f32
      %broadcast_in_dim3A_167 = vector.broadcast %broadcast_in_dim3A_166 : f32 to vector<16xf32>
      %mul3A_168 = arith.constant 16 : i32
      %mul3A_169 = arith.muli %scan3A_165, %mul3A_168 : i32
      %swap3A_170 = arith.index_cast %mul3A_169 : i32 to index
      %swap3A_171 = tpu.vector_load %arg5[%swap3A_170] {strides = array<i32>} : memref<102400xf32, #tpu.memory_space<vmem>>, vector<16xf32>,
      tpu.vector_store %arg5[%swap3A_170], %broadcast_in_dim3A_167 {strides = array<i32>} : memref<102400xf32, #tpu.memory_space<vmem>>, vector<16xf32>,
      %scan3A_172 = arith.constant 0 : i32
      %scan3A_173 = arith.constant 6 : i32
      %scan3A_174 = arith.addi %scan3A_120, %scan3A_173 : i32
      %broadcast_in_dim3A_175 = arith.constant 0.000000e+00 : f32
      %broadcast_in_dim3A_176 = vector.broadcast %broadcast_in_dim3A_175 : f32 to vector<16xf32>
      %mul3A_177 = arith.constant 16 : i32
      %mul3A_178 = arith.muli %scan3A_174, %mul3A_177 : i32
      %swap3A_179 = arith.index_cast %mul3A_178 : i32 to index
      %swap3A_180 = tpu.vector_load %arg5[%swap3A_179] {strides = array<i32>} : memref<102400xf32, #tpu.memory_space<vmem>>, vector<16xf32>,
      tpu.vector_store %arg5[%swap3A_179], %broadcast_in_dim3A_176 {strides = array<i32>} : memref<102400xf32, #tpu.memory_space<vmem>>, vector<16xf32>,
      %scan3A_181 = arith.constant 0 : i32
      %scan3A_182 = arith.constant 7 : i32
      %scan3A_183 = arith.addi %scan3A_120, %scan3A_182 : i32
      %broadcast_in_dim3A_184 = arith.constant 0.000000e+00 : f32
      %broadcast_in_dim3A_185 = vector.broadcast %broadcast_in_dim3A_184 : f32 to vector<16xf32>
      %mul3A_186 = arith.constant 16 : i32
      %mul3A_187 = arith.muli %scan3A_183, %mul3A_186 : i32
      %swap3A_188 = arith.index_cast %mul3A_187 : i32 to index
      %swap3A_189 = tpu.vector_load %arg5[%swap3A_188] {strides = array<i32>} : memref<102400xf32, #tpu.memory_space<vmem>>, vector<16xf32>,
      tpu.vector_store %arg5[%swap3A_188], %broadcast_in_dim3A_185 {strides = array<i32>} : memref<102400xf32, #tpu.memory_space<vmem>>, vector<16xf32>,
      %scan3A_190 = arith.constant 0 : i32
      scf.yield %scan3A_190 : i32
    }
    %scan3A_66 = arith.constant 6400 : i32
    %scan3A_67 = arith.constant 0 : i32
    %scan3A_68 = arith.constant 0 : i32
    %scan3A_69 = arith.constant 280 : i32
    %scan3A_70 = arith.addi %scan3A_68, %scan3A_69 : i32
    %scan3A_71 = arith.constant 4 : i32
    %scan3A_72 = scf.for %scan3A_120 = %scan3A_68 to %scan3A_70 step %scan3A_71 iter_args(%scan3A_121 = %scan3A_67) -> (i32)  : i32 {
      %mul3A_122 = arith.constant 16 : i32
      %mul3A_123 = arith.muli %scan3A_120, %mul3A_122 : i32
      %get3A_124 = arith.index_cast %mul3A_123 : i32 to index
      %get3A_125 = tpu.vector_load %arg6[%get3A_124] {strides = array<i32>} : memref<4512xi32, #tpu.memory_space<vmem>>, vector<16xi32>,
      %mul3A_126 = arith.constant 16 : i32
      %mul3A_127 = arith.muli %scan3A_120, %mul3A_126 : i32
      %get3A_128 = arith.index_cast %mul3A_127 : i32 to index
      %get3A_129 = tpu.vector_load %arg7[%get3A_128] {strides = array<i32>} : memref<4512xf32, #tpu.memory_space<vmem>>, vector<16xf32>,
      %sub3A_130 = vector.broadcast %mul3A_59 : i32 to vector<16xi32>
      %sub3A_131 = arith.subi %get3A_125, %sub3A_130 : vector<16xi32>
      %ge3A_132 = arith.constant 0 : i32
      %ge3A_133 = vector.broadcast %ge3A_132 : i32 to vector<16xi32>
      %ge3A_134 = arith.cmpi sge, %sub3A_131, %ge3A_133 : vector<16xi32>
      %lt3A_135 = arith.constant 102400 : i32
      %lt3A_136 = vector.broadcast %lt3A_135 : i32 to vector<16xi32>
      %lt3A_137 = arith.cmpi slt, %sub3A_131, %lt3A_136 : vector<16xi32>
      %and3A_138 = arith.andi %ge3A_134, %lt3A_137 : vector<16xi1>
      %jit3A_139 = arith.constant 0 : i32
      %broadcast_in_dim3A_140 = vector.broadcast %jit3A_139 : i32 to vector<16xi32>
      %select_n3A_141 = arith.select %and3A_138, %sub3A_131, %broadcast_in_dim3A_140 : vector<16xi1>, vector<16xi32>
      tpu.vector_store_idx %arg5[%select_n3A_141], %get3A_129 masked %and3A_138 {add = true} : memref<102400xf32, #tpu.memory_space<vmem>>[vector<16xi32>], vector<16xf32>, vector<16xi1>
      %scan3A_142 = arith.constant 0 : i32
      %scan3A_143 = arith.constant 1 : i32
      %scan3A_144 = arith.addi %scan3A_120, %scan3A_143 : i32
      %mul3A_145 = arith.constant 16 : i32
      %mul3A_146 = arith.muli %scan3A_144, %mul3A_145 : i32
      %get3A_147 = arith.index_cast %mul3A_146 : i32 to index
      %get3A_148 = tpu.vector_load %arg6[%get3A_147] {strides = array<i32>} : memref<4512xi32, #tpu.memory_space<vmem>>, vector<16xi32>,
      %mul3A_149 = arith.constant 16 : i32
      %mul3A_150 = arith.muli %scan3A_144, %mul3A_149 : i32
      %get3A_151 = arith.index_cast %mul3A_150 : i32 to index
      %get3A_152 = tpu.vector_load %arg7[%get3A_151] {strides = array<i32>} : memref<4512xf32, #tpu.memory_space<vmem>>, vector<16xf32>,
      %sub3A_153 = vector.broadcast %mul3A_59 : i32 to vector<16xi32>
      %sub3A_154 = arith.subi %get3A_148, %sub3A_153 : vector<16xi32>
      %ge3A_155 = arith.constant 0 : i32
      %ge3A_156 = vector.broadcast %ge3A_155 : i32 to vector<16xi32>
      %ge3A_157 = arith.cmpi sge, %sub3A_154, %ge3A_156 : vector<16xi32>
      %lt3A_158 = arith.constant 102400 : i32
      %lt3A_159 = vector.broadcast %lt3A_158 : i32 to vector<16xi32>
      %lt3A_160 = arith.cmpi slt, %sub3A_154, %lt3A_159 : vector<16xi32>
      %and3A_161 = arith.andi %ge3A_157, %lt3A_160 : vector<16xi1>
      %jit3A_162 = arith.constant 0 : i32
      %broadcast_in_dim3A_163 = vector.broadcast %jit3A_162 : i32 to vector<16xi32>
      %select_n3A_164 = arith.select %and3A_161, %sub3A_154, %broadcast_in_dim3A_163 : vector<16xi1>, vector<16xi32>
      tpu.vector_store_idx %arg5[%select_n3A_164], %get3A_152 masked %and3A_161 {add = true} : memref<102400xf32, #tpu.memory_space<vmem>>[vector<16xi32>], vector<16xf32>, vector<16xi1>
      %scan3A_165 = arith.constant 0 : i32
      %scan3A_166 = arith.constant 2 : i32
      %scan3A_167 = arith.addi %scan3A_120, %scan3A_166 : i32
      %mul3A_168 = arith.constant 16 : i32
      %mul3A_169 = arith.muli %scan3A_167, %mul3A_168 : i32
      %get3A_170 = arith.index_cast %mul3A_169 : i32 to index
      %get3A_171 = tpu.vector_load %arg6[%get3A_170] {strides = array<i32>} : memref<4512xi32, #tpu.memory_space<vmem>>, vector<16xi32>,
      %mul3A_172 = arith.constant 16 : i32
      %mul3A_173 = arith.muli %scan3A_167, %mul3A_172 : i32
      %get3A_174 = arith.index_cast %mul3A_173 : i32 to index
      %get3A_175 = tpu.vector_load %arg7[%get3A_174] {strides = array<i32>} : memref<4512xf32, #tpu.memory_space<vmem>>, vector<16xf32>,
      %sub3A_176 = vector.broadcast %mul3A_59 : i32 to vector<16xi32>
      %sub3A_177 = arith.subi %get3A_171, %sub3A_176 : vector<16xi32>
      %ge3A_178 = arith.constant 0 : i32
      %ge3A_179 = vector.broadcast %ge3A_178 : i32 to vector<16xi32>
      %ge3A_180 = arith.cmpi sge, %sub3A_177, %ge3A_179 : vector<16xi32>
      %lt3A_181 = arith.constant 102400 : i32
      %lt3A_182 = vector.broadcast %lt3A_181 : i32 to vector<16xi32>
      %lt3A_183 = arith.cmpi slt, %sub3A_177, %lt3A_182 : vector<16xi32>
      %and3A_184 = arith.andi %ge3A_180, %lt3A_183 : vector<16xi1>
      %jit3A_185 = arith.constant 0 : i32
      %broadcast_in_dim3A_186 = vector.broadcast %jit3A_185 : i32 to vector<16xi32>
      %select_n3A_187 = arith.select %and3A_184, %sub3A_177, %broadcast_in_dim3A_186 : vector<16xi1>, vector<16xi32>
      tpu.vector_store_idx %arg5[%select_n3A_187], %get3A_175 masked %and3A_184 {add = true} : memref<102400xf32, #tpu.memory_space<vmem>>[vector<16xi32>], vector<16xf32>, vector<16xi1>
      %scan3A_188 = arith.constant 0 : i32
      %scan3A_189 = arith.constant 3 : i32
      %scan3A_190 = arith.addi %scan3A_120, %scan3A_189 : i32
      %mul3A_191 = arith.constant 16 : i32
      %mul3A_192 = arith.muli %scan3A_190, %mul3A_191 : i32
      %get3A_193 = arith.index_cast %mul3A_192 : i32 to index
      %get3A_194 = tpu.vector_load %arg6[%get3A_193] {strides = array<i32>} : memref<4512xi32, #tpu.memory_space<vmem>>, vector<16xi32>,
      %mul3A_195 = arith.constant 16 : i32
      %mul3A_196 = arith.muli %scan3A_190, %mul3A_195 : i32
      %get3A_197 = arith.index_cast %mul3A_196 : i32 to index
      %get3A_198 = tpu.vector_load %arg7[%get3A_197] {strides = array<i32>} : memref<4512xf32, #tpu.memory_space<vmem>>, vector<16xf32>,
      %sub3A_199 = vector.broadcast %mul3A_59 : i32 to vector<16xi32>
      %sub3A_200 = arith.subi %get3A_194, %sub3A_199 : vector<16xi32>
      %ge3A_201 = arith.constant 0 : i32
      %ge3A_202 = vector.broadcast %ge3A_201 : i32 to vector<16xi32>
      %ge3A_203 = arith.cmpi sge, %sub3A_200, %ge3A_202 : vector<16xi32>
      %lt3A_204 = arith.constant 102400 : i32
      %lt3A_205 = vector.broadcast %lt3A_204 : i32 to vector<16xi32>
      %lt3A_206 = arith.cmpi slt, %sub3A_200, %lt3A_205 : vector<16xi32>
      %and3A_207 = arith.andi %ge3A_203, %lt3A_206 : vector<16xi1>
      %jit3A_208 = arith.constant 0 : i32
      %broadcast_in_dim3A_209 = vector.broadcast %jit3A_208 : i32 to vector<16xi32>
      %select_n3A_210 = arith.select %and3A_207, %sub3A_200, %broadcast_in_dim3A_209 : vector<16xi1>, vector<16xi32>
      tpu.vector_store_idx %arg5[%select_n3A_210], %get3A_198 masked %and3A_207 {add = true} : memref<102400xf32, #tpu.memory_space<vmem>>[vector<16xi32>], vector<16xf32>, vector<16xi1>
      %scan3A_211 = arith.constant 0 : i32
      scf.yield %scan3A_211 : i32
    }
    %scan3A_73 = arith.constant 280 : i32
    %scan3A_74 = arith.addi %scan3A_68, %scan3A_73 : i32
    %mul3A_75 = arith.constant 16 : i32
    %mul3A_76 = arith.muli %scan3A_74, %mul3A_75 : i32
    %get3A_77 = arith.index_cast %mul3A_76 : i32 to index
    %get3A_78 = tpu.vector_load %arg6[%get3A_77] {strides = array<i32>} : memref<4512xi32, #tpu.memory_space<vmem>>, vector<16xi32>,
    %mul3A_79 = arith.constant 16 : i32
    %mul3A_80 = arith.muli %scan3A_74, %mul3A_79 : i32
    %get3A_81 = arith.index_cast %mul3A_80 : i32 to index
    %get3A_82 = tpu.vector_load %arg7[%get3A_81] {strides = array<i32>} : memref<4512xf32, #tpu.memory_space<vmem>>, vector<16xf32>,
    %sub3A_83 = vector.broadcast %mul3A_59 : i32 to vector<16xi32>
    %sub3A_84 = arith.subi %get3A_78, %sub3A_83 : vector<16xi32>
    %ge3A_85 = arith.constant 0 : i32
    %ge3A_86 = vector.broadcast %ge3A_85 : i32 to vector<16xi32>
    %ge3A_87 = arith.cmpi sge, %sub3A_84, %ge3A_86 : vector<16xi32>
    %lt3A_88 = arith.constant 102400 : i32
    %lt3A_89 = vector.broadcast %lt3A_88 : i32 to vector<16xi32>
    %lt3A_90 = arith.cmpi slt, %sub3A_84, %lt3A_89 : vector<16xi32>
    %and3A_91 = arith.andi %ge3A_87, %lt3A_90 : vector<16xi1>
    %jit3A_92 = arith.constant 0 : i32
    %broadcast_in_dim3A_93 = vector.broadcast %jit3A_92 : i32 to vector<16xi32>
    %select_n3A_94 = arith.select %and3A_91, %sub3A_84, %broadcast_in_dim3A_93 : vector<16xi1>, vector<16xi32>
    tpu.vector_store_idx %arg5[%select_n3A_94], %get3A_82 masked %and3A_91 {add = true} : memref<102400xf32, #tpu.memory_space<vmem>>[vector<16xi32>], vector<16xf32>, vector<16xi1>
    %scan3A_95 = arith.constant 0 : i32
    %scan3A_96 = arith.constant 281 : i32
    %scan3A_97 = arith.addi %scan3A_68, %scan3A_96 : i32
    %mul3A_98 = arith.constant 16 : i32
    %mul3A_99 = arith.muli %scan3A_97, %mul3A_98 : i32
    %get3A_100 = arith.index_cast %mul3A_99 : i32 to index
    %get3A_101 = tpu.vector_load %arg6[%get3A_100] {strides = array<i32>} : memref<4512xi32, #tpu.memory_space<vmem>>, vector<16xi32>,
    %mul3A_102 = arith.constant 16 : i32
    %mul3A_103 = arith.muli %scan3A_97, %mul3A_102 : i32
    %get3A_104 = arith.index_cast %mul3A_103 : i32 to index
    %get3A_105 = tpu.vector_load %arg7[%get3A_104] {strides = array<i32>} : memref<4512xf32, #tpu.memory_space<vmem>>, vector<16xf32>,
    %sub3A_106 = vector.broadcast %mul3A_59 : i32 to vector<16xi32>
    %sub3A_107 = arith.subi %get3A_101, %sub3A_106 : vector<16xi32>
    %ge3A_108 = arith.constant 0 : i32
    %ge3A_109 = vector.broadcast %ge3A_108 : i32 to vector<16xi32>
    %ge3A_110 = arith.cmpi sge, %sub3A_107, %ge3A_109 : vector<16xi32>
    %lt3A_111 = arith.constant 102400 : i32
    %lt3A_112 = vector.broadcast %lt3A_111 : i32 to vector<16xi32>
    %lt3A_113 = arith.cmpi slt, %sub3A_107, %lt3A_112 : vector<16xi32>
    %and3A_114 = arith.andi %ge3A_110, %lt3A_113 : vector<16xi1>
    %jit3A_115 = arith.constant 0 : i32
    %broadcast_in_dim3A_116 = vector.broadcast %jit3A_115 : i32 to vector<16xi32>
    %select_n3A_117 = arith.select %and3A_114, %sub3A_107, %broadcast_in_dim3A_116 : vector<16xi1>, vector<16xi32>
    tpu.vector_store_idx %arg5[%select_n3A_117], %get3A_105 masked %and3A_114 {add = true} : memref<102400xf32, #tpu.memory_space<vmem>>[vector<16xi32>], vector<16xf32>, vector<16xi1>
    %scan3A_118 = arith.constant 0 : i32
    %scan3A_119 = arith.constant 282 : i32
    "tpu.region"() ({
      %run_scoped3A = tpu.sem_alloc : memref<!tpu.dma_semaphore, #tpu.memory_space<semaphore_mem>>
      %dma_start3A = arith.constant 0 : i32
      %dma_start3A_120 = tpu.memref_slice %arg5[%dma_start3A] : memref<102400xf32, #tpu.memory_space<vmem>> -> memref<102400xf32, #tpu.memory_space<vmem>>
      %dma_start3A_121 = tpu.memref_slice %arg4[%mul3A_59] : memref<6553600xf32, #tpu.memory_space<hbm>> -> memref<102400xf32, #tpu.memory_space<hbm>>
      %dma_start3A_122 = tpu.memref_slice %arg4[%mul3A_59] : memref<6553600xf32, #tpu.memory_space<hbm>> -> memref<102400xf32, #tpu.memory_space<hbm>>
      %dma_start3A_123 = arith.constant 0 : i32
      %dma_start3A_124 = tpu.memref_slice %arg5[%dma_start3A_123] : memref<102400xf32, #tpu.memory_space<vmem>> -> memref<102400xf32, #tpu.memory_space<vmem>>
      tpu.enqueue_dma source(%dma_start3A_124 : memref<102400xf32, #tpu.memory_space<vmem>>) target(%dma_start3A_122 : memref<102400xf32, #tpu.memory_space<hbm>>) target_semaphore(%run_scoped3A : memref<!tpu.dma_semaphore, #tpu.memory_space<semaphore_mem>>)
      %dma_wait3A = arith.constant 0 : i32
      %dma_wait3A_125 = tpu.memref_slice %arg5[%dma_wait3A] : memref<102400xf32, #tpu.memory_space<vmem>> -> memref<102400xf32, #tpu.memory_space<vmem>>
      %dma_wait3A_126 = tpu.memref_slice %arg4[%mul3A_59] : memref<6553600xf32, #tpu.memory_space<hbm>> -> memref<102400xf32, #tpu.memory_space<hbm>>
      %dma_wait3A_127 = tpu.memref_slice %arg4[%mul3A_59] : memref<6553600xf32, #tpu.memory_space<hbm>> -> memref<102400xf32, #tpu.memory_space<hbm>>
      %dma_wait3A_128 = arith.constant 0 : i32
      %dma_wait3A_129 = tpu.memref_slice %arg5[%dma_wait3A_128] : memref<102400xf32, #tpu.memory_space<vmem>> -> memref<102400xf32, #tpu.memory_space<vmem>>
      tpu.wait_dma2 semaphore(%run_scoped3A : memref<!tpu.dma_semaphore, #tpu.memory_space<semaphore_mem>>) src(%dma_wait3A_129 : memref<102400xf32, #tpu.memory_space<vmem>>) dst(%dma_wait3A_127 : memref<102400xf32, #tpu.memory_space<hbm>>)
      tpu.yield
    }) : () -> ()
    return
  }
}

module attributes {stable_mosaic.version = 14 : i64} {
  func.func @_idx_body(%arg0: memref<6x300xf32, #tpu.memory_space<vmem>>, %arg1: memref<15x300xi32, #tpu.memory_space<vmem>>, %arg2: memref<15x300xf32, #tpu.memory_space<vmem>>, %arg3: memref<15x300xi32, #tpu.memory_space<vmem>>, %arg4: memref<15x300xf32, #tpu.memory_space<vmem>>, %arg5: memref<15x300xi32, #tpu.memory_space<vmem>>, %arg6: memref<15x300xf32, #tpu.memory_space<vmem>>) attributes {dimension_semantics = [], scalar_prefetch = 0 : i64, scratch_operands = 0 : i64, tpu.core_type = #tpu.core_type<tc>} {
    %get3A = arith.constant 0 : index
    %get3A_0 = arith.constant 0 : index
    %get3A_1 = vector.load %arg0[%get3A, %get3A_0] : memref<6x300xf32, #tpu.memory_space<vmem>>, vector<6x300xf32>
    %slice3A = vector.extract_strided_slice %get3A_1 {offsets = [0, 0], sizes = [1, 300], strides = [1, 1]} : vector<6x300xf32> to vector<1x300xf32>
    %slice3A_2 = vector.extract_strided_slice %get3A_1 {offsets = [1, 0], sizes = [1, 300], strides = [1, 1]} : vector<6x300xf32> to vector<1x300xf32>
    %slice3A_3 = vector.extract_strided_slice %get3A_1 {offsets = [2, 0], sizes = [1, 300], strides = [1, 1]} : vector<6x300xf32> to vector<1x300xf32>
    %slice3A_4 = vector.extract_strided_slice %get3A_1 {offsets = [3, 0], sizes = [1, 300], strides = [1, 1]} : vector<6x300xf32> to vector<1x300xf32>
    %slice3A_5 = vector.extract_strided_slice %get3A_1 {offsets = [4, 0], sizes = [1, 300], strides = [1, 1]} : vector<6x300xf32> to vector<1x300xf32>
    %slice3A_6 = vector.extract_strided_slice %get3A_1 {offsets = [5, 0], sizes = [1, 300], strides = [1, 1]} : vector<6x300xf32> to vector<1x300xf32>
    %convert_element_type3A = arith.fptosi %slice3A : vector<1x300xf32> to vector<1x300xi32>
    %convert_element_type3A_7 = arith.fptosi %slice3A_2 : vector<1x300xf32> to vector<1x300xi32>
    %mul3A = arith.constant 8.000000e+01 : f32
    %mul3A_8 = vector.broadcast %mul3A : f32 to vector<1x300xf32>
    %mul3A_9 = arith.mulf %slice3A_3, %mul3A_8 : vector<1x300xf32>
    %mul3A_10 = arith.constant 8.000000e+01 : f32
    %mul3A_11 = vector.broadcast %mul3A_10 : f32 to vector<1x300xf32>
    %mul3A_12 = arith.mulf %slice3A_4, %mul3A_11 : vector<1x300xf32>
    %mul3A_13 = arith.constant 8.000000e+01 : f32
    %mul3A_14 = vector.broadcast %mul3A_13 : f32 to vector<1x300xf32>
    %mul3A_15 = arith.mulf %slice3A_5, %mul3A_14 : vector<1x300xf32>
    %mul3A_16 = arith.constant 8.000000e+01 : f32
    %mul3A_17 = vector.broadcast %mul3A_16 : f32 to vector<1x300xf32>
    %mul3A_18 = arith.mulf %slice3A_6, %mul3A_17 : vector<1x300xf32>
    %div3A = arith.constant 1.000000e+01 : f32
    %div3A_19 = vector.broadcast %div3A : f32 to vector<1x300xf32>
    %div3A_20 = arith.divf %mul3A_15, %div3A_19 : vector<1x300xf32>
    %div3A_21 = arith.constant 1.300000e+01 : f32
    %div3A_22 = vector.broadcast %div3A_21 : f32 to vector<1x300xf32>
    %div3A_23 = arith.divf %mul3A_18, %div3A_22 : vector<1x300xf32>
    %div3A_24 = arith.constant 1.000000e+00 : f32
    %div3A_25 = vector.broadcast %div3A_24 : f32 to vector<1x300xf32>
    %div3A_26 = arith.divf %div3A_25, %div3A_20 : vector<1x300xf32>
    %max3A = arith.maximumf %div3A_20, %div3A_26 : vector<1x300xf32>
    %div3A_27 = arith.constant 1.000000e+00 : f32
    %div3A_28 = vector.broadcast %div3A_27 : f32 to vector<1x300xf32>
    %div3A_29 = arith.divf %div3A_28, %div3A_23 : vector<1x300xf32>
    %max3A_30 = arith.maximumf %div3A_23, %div3A_29 : vector<1x300xf32>
    %max3A_31 = arith.maximumf %max3A, %max3A_30 : vector<1x300xf32>
    %lt3A = arith.constant 4.000000e+00 : f32
    %lt3A_32 = vector.broadcast %lt3A : f32 to vector<1x300xf32>
    %lt3A_33 = arith.cmpf olt, %max3A_31, %lt3A_32 : vector<1x300xf32>
    %div3A_34 = arith.constant 1.600000e+01 : f32
    %div3A_35 = vector.broadcast %div3A_34 : f32 to vector<1x300xf32>
    %div3A_36 = arith.divf %mul3A_15, %div3A_35 : vector<1x300xf32>
    %div3A_37 = arith.constant 3.000000e+01 : f32
    %div3A_38 = vector.broadcast %div3A_37 : f32 to vector<1x300xf32>
    %div3A_39 = arith.divf %mul3A_18, %div3A_38 : vector<1x300xf32>
    %div3A_40 = arith.constant 1.000000e+00 : f32
    %div3A_41 = vector.broadcast %div3A_40 : f32 to vector<1x300xf32>
    %div3A_42 = arith.divf %div3A_41, %div3A_36 : vector<1x300xf32>
    %max3A_43 = arith.maximumf %div3A_36, %div3A_42 : vector<1x300xf32>
    %div3A_44 = arith.constant 1.000000e+00 : f32
    %div3A_45 = vector.broadcast %div3A_44 : f32 to vector<1x300xf32>
    %div3A_46 = arith.divf %div3A_45, %div3A_39 : vector<1x300xf32>
    %max3A_47 = arith.maximumf %div3A_39, %div3A_46 : vector<1x300xf32>
    %max3A_48 = arith.maximumf %max3A_43, %max3A_47 : vector<1x300xf32>
    %lt3A_49 = arith.constant 4.000000e+00 : f32
    %lt3A_50 = vector.broadcast %lt3A_49 : f32 to vector<1x300xf32>
    %lt3A_51 = arith.cmpf olt, %max3A_48, %lt3A_50 : vector<1x300xf32>
    %div3A_52 = arith.constant 3.300000e+01 : f32
    %div3A_53 = vector.broadcast %div3A_52 : f32 to vector<1x300xf32>
    %div3A_54 = arith.divf %mul3A_15, %div3A_53 : vector<1x300xf32>
    %div3A_55 = arith.constant 2.300000e+01 : f32
    %div3A_56 = vector.broadcast %div3A_55 : f32 to vector<1x300xf32>
    %div3A_57 = arith.divf %mul3A_18, %div3A_56 : vector<1x300xf32>
    %div3A_58 = arith.constant 1.000000e+00 : f32
    %div3A_59 = vector.broadcast %div3A_58 : f32 to vector<1x300xf32>
    %div3A_60 = arith.divf %div3A_59, %div3A_54 : vector<1x300xf32>
    %max3A_61 = arith.maximumf %div3A_54, %div3A_60 : vector<1x300xf32>
    %div3A_62 = arith.constant 1.000000e+00 : f32
    %div3A_63 = vector.broadcast %div3A_62 : f32 to vector<1x300xf32>
    %div3A_64 = arith.divf %div3A_63, %div3A_57 : vector<1x300xf32>
    %max3A_65 = arith.maximumf %div3A_57, %div3A_64 : vector<1x300xf32>
    %max3A_66 = arith.maximumf %max3A_61, %max3A_65 : vector<1x300xf32>
    %lt3A_67 = arith.constant 4.000000e+00 : f32
    %lt3A_68 = vector.broadcast %lt3A_67 : f32 to vector<1x300xf32>
    %lt3A_69 = arith.cmpf olt, %max3A_66, %lt3A_68 : vector<1x300xf32>
    %sub3A = arith.constant 8.000000e+01 : f32
    %sub3A_70 = vector.broadcast %sub3A : f32 to vector<1x300xf32>
    %sub3A_71 = arith.subf %sub3A_70, %mul3A_9 : vector<1x300xf32>
    %sub3A_72 = arith.constant 8.000000e+01 : f32
    %sub3A_73 = vector.broadcast %sub3A_72 : f32 to vector<1x300xf32>
    %sub3A_74 = arith.subf %sub3A_73, %mul3A_12 : vector<1x300xf32>
    %jit3A = arith.constant 1.000000e+00 : f32
    %rem3A = vector.broadcast %jit3A : f32 to vector<1x300xf32>
    %rem3A_75 = arith.remf %mul3A_9, %rem3A : vector<1x300xf32>
    %ne3A = arith.constant 0.000000e+00 : f32
    %ne3A_76 = vector.broadcast %ne3A : f32 to vector<1x300xf32>
    %ne3A_77 = arith.cmpf one, %rem3A_75, %ne3A_76 : vector<1x300xf32>
    %lt3A_78 = arith.constant 0.000000e+00 : f32
    %lt3A_79 = vector.broadcast %lt3A_78 : f32 to vector<1x300xf32>
    %lt3A_80 = arith.cmpf olt, %rem3A_75, %lt3A_79 : vector<1x300xf32>
    %lt3A_81 = arith.constant 0.000000e+00 : f32
    %lt3A_82 = arith.cmpf olt, %jit3A, %lt3A_81 : f32
    %ne3A_83 = vector.broadcast %lt3A_82 : i1 to vector<1x300xi1>
    %ne3A_84 = vector.broadcast %ne3A_83 : vector<1x300xi1> to vector<1x300xi1>
    %ne3A_85 = arith.xori %lt3A_80, %ne3A_84 : vector<1x300xi1>
    %and3A = arith.andi %ne3A_85, %ne3A_77 : vector<1x300xi1>
    %add3A = vector.broadcast %jit3A : f32 to vector<1x300xf32>
    %add3A_86 = arith.addf %rem3A_75, %add3A : vector<1x300xf32>
    %select_n3A = arith.select %and3A, %add3A_86, %rem3A_75 : vector<1x300xi1>, vector<1x300xf32>
    %lt3A_87 = arith.constant 5.000000e-01 : f32
    %lt3A_88 = vector.broadcast %lt3A_87 : f32 to vector<1x300xf32>
    %lt3A_89 = arith.cmpf olt, %select_n3A, %lt3A_88 : vector<1x300xf32>
    %gt3A = arith.constant 1.000000e+00 : f32
    %gt3A_90 = vector.broadcast %gt3A : f32 to vector<1x300xf32>
    %gt3A_91 = arith.cmpf ogt, %mul3A_9, %gt3A_90 : vector<1x300xf32>
    %and3A_92 = arith.andi %lt3A_89, %gt3A_91 : vector<1x300xi1>
    %jit3A_93 = arith.constant 1.000000e+00 : f32
    %rem3A_94 = vector.broadcast %jit3A_93 : f32 to vector<1x300xf32>
    %rem3A_95 = arith.remf %mul3A_12, %rem3A_94 : vector<1x300xf32>
    %ne3A_96 = arith.constant 0.000000e+00 : f32
    %ne3A_97 = vector.broadcast %ne3A_96 : f32 to vector<1x300xf32>
    %ne3A_98 = arith.cmpf one, %rem3A_95, %ne3A_97 : vector<1x300xf32>
    %lt3A_99 = arith.constant 0.000000e+00 : f32
    %lt3A_100 = vector.broadcast %lt3A_99 : f32 to vector<1x300xf32>
    %lt3A_101 = arith.cmpf olt, %rem3A_95, %lt3A_100 : vector<1x300xf32>
    %lt3A_102 = arith.constant 0.000000e+00 : f32
    %lt3A_103 = arith.cmpf olt, %jit3A_93, %lt3A_102 : f32
    %ne3A_104 = vector.broadcast %lt3A_103 : i1 to vector<1x300xi1>
    %ne3A_105 = vector.broadcast %ne3A_104 : vector<1x300xi1> to vector<1x300xi1>
    %ne3A_106 = arith.xori %lt3A_101, %ne3A_105 : vector<1x300xi1>
    %and3A_107 = arith.andi %ne3A_106, %ne3A_98 : vector<1x300xi1>
    %add3A_108 = vector.broadcast %jit3A_93 : f32 to vector<1x300xf32>
    %add3A_109 = arith.addf %rem3A_95, %add3A_108 : vector<1x300xf32>
    %select_n3A_110 = arith.select %and3A_107, %add3A_109, %rem3A_95 : vector<1x300xi1>, vector<1x300xf32>
    %lt3A_111 = arith.constant 5.000000e-01 : f32
    %lt3A_112 = vector.broadcast %lt3A_111 : f32 to vector<1x300xf32>
    %lt3A_113 = arith.cmpf olt, %select_n3A_110, %lt3A_112 : vector<1x300xf32>
    %gt3A_114 = arith.constant 1.000000e+00 : f32
    %gt3A_115 = vector.broadcast %gt3A_114 : f32 to vector<1x300xf32>
    %gt3A_116 = arith.cmpf ogt, %mul3A_12, %gt3A_115 : vector<1x300xf32>
    %and3A_117 = arith.andi %lt3A_113, %gt3A_116 : vector<1x300xi1>
    %jit3A_118 = arith.constant 1.000000e+00 : f32
    %rem3A_119 = vector.broadcast %jit3A_118 : f32 to vector<1x300xf32>
    %rem3A_120 = arith.remf %sub3A_71, %rem3A_119 : vector<1x300xf32>
    %ne3A_121 = arith.constant 0.000000e+00 : f32
    %ne3A_122 = vector.broadcast %ne3A_121 : f32 to vector<1x300xf32>
    %ne3A_123 = arith.cmpf one, %rem3A_120, %ne3A_122 : vector<1x300xf32>
    %lt3A_124 = arith.constant 0.000000e+00 : f32
    %lt3A_125 = vector.broadcast %lt3A_124 : f32 to vector<1x300xf32>
    %lt3A_126 = arith.cmpf olt, %rem3A_120, %lt3A_125 : vector<1x300xf32>
    %lt3A_127 = arith.constant 0.000000e+00 : f32
    %lt3A_128 = arith.cmpf olt, %jit3A_118, %lt3A_127 : f32
    %ne3A_129 = vector.broadcast %lt3A_128 : i1 to vector<1x300xi1>
    %ne3A_130 = vector.broadcast %ne3A_129 : vector<1x300xi1> to vector<1x300xi1>
    %ne3A_131 = arith.xori %lt3A_126, %ne3A_130 : vector<1x300xi1>
    %and3A_132 = arith.andi %ne3A_131, %ne3A_123 : vector<1x300xi1>
    %add3A_133 = vector.broadcast %jit3A_118 : f32 to vector<1x300xf32>
    %add3A_134 = arith.addf %rem3A_120, %add3A_133 : vector<1x300xf32>
    %select_n3A_135 = arith.select %and3A_132, %add3A_134, %rem3A_120 : vector<1x300xi1>, vector<1x300xf32>
    %lt3A_136 = arith.constant 5.000000e-01 : f32
    %lt3A_137 = vector.broadcast %lt3A_136 : f32 to vector<1x300xf32>
    %lt3A_138 = arith.cmpf olt, %select_n3A_135, %lt3A_137 : vector<1x300xf32>
    %gt3A_139 = arith.constant 1.000000e+00 : f32
    %gt3A_140 = vector.broadcast %gt3A_139 : f32 to vector<1x300xf32>
    %gt3A_141 = arith.cmpf ogt, %sub3A_71, %gt3A_140 : vector<1x300xf32>
    %and3A_142 = arith.andi %lt3A_138, %gt3A_141 : vector<1x300xi1>
    %jit3A_143 = arith.constant 1.000000e+00 : f32
    %rem3A_144 = vector.broadcast %jit3A_143 : f32 to vector<1x300xf32>
    %rem3A_145 = arith.remf %sub3A_74, %rem3A_144 : vector<1x300xf32>
    %ne3A_146 = arith.constant 0.000000e+00 : f32
    %ne3A_147 = vector.broadcast %ne3A_146 : f32 to vector<1x300xf32>
    %ne3A_148 = arith.cmpf one, %rem3A_145, %ne3A_147 : vector<1x300xf32>
    %lt3A_149 = arith.constant 0.000000e+00 : f32
    %lt3A_150 = vector.broadcast %lt3A_149 : f32 to vector<1x300xf32>
    %lt3A_151 = arith.cmpf olt, %rem3A_145, %lt3A_150 : vector<1x300xf32>
    %lt3A_152 = arith.constant 0.000000e+00 : f32
    %lt3A_153 = arith.cmpf olt, %jit3A_143, %lt3A_152 : f32
    %ne3A_154 = vector.broadcast %lt3A_153 : i1 to vector<1x300xi1>
    %ne3A_155 = vector.broadcast %ne3A_154 : vector<1x300xi1> to vector<1x300xi1>
    %ne3A_156 = arith.xori %lt3A_151, %ne3A_155 : vector<1x300xi1>
    %and3A_157 = arith.andi %ne3A_156, %ne3A_148 : vector<1x300xi1>
    %add3A_158 = vector.broadcast %jit3A_143 : f32 to vector<1x300xf32>
    %add3A_159 = arith.addf %rem3A_145, %add3A_158 : vector<1x300xf32>
    %select_n3A_160 = arith.select %and3A_157, %add3A_159, %rem3A_145 : vector<1x300xi1>, vector<1x300xf32>
    %lt3A_161 = arith.constant 5.000000e-01 : f32
    %lt3A_162 = vector.broadcast %lt3A_161 : f32 to vector<1x300xf32>
    %lt3A_163 = arith.cmpf olt, %select_n3A_160, %lt3A_162 : vector<1x300xf32>
    %gt3A_164 = arith.constant 1.000000e+00 : f32
    %gt3A_165 = vector.broadcast %gt3A_164 : f32 to vector<1x300xf32>
    %gt3A_166 = arith.cmpf ogt, %sub3A_74, %gt3A_165 : vector<1x300xf32>
    %and3A_167 = arith.andi %lt3A_163, %gt3A_166 : vector<1x300xi1>
    %broadcast_in_dim3A = arith.constant true
    %broadcast_in_dim3A_168 = vector.broadcast %broadcast_in_dim3A : i1 to vector<1x300xi1>
    %sub3A_169 = arith.constant 0.000000e+00 : f32
    %sub3A_170 = vector.broadcast %sub3A_169 : f32 to vector<1x300xf32>
    %sub3A_171 = arith.subf %mul3A_9, %sub3A_170 : vector<1x300xf32>
    %convert_element_type3A_172 = arith.fptosi %sub3A_171 : vector<1x300xf32> to vector<1x300xi32>
    %jit3A_173 = arith.constant 0 : i32
    %jit3A_174 = arith.constant 79 : i32
    %max3A_175 = vector.broadcast %jit3A_173 : i32 to vector<1x300xi32>
    %max3A_176 = arith.maxsi %max3A_175, %convert_element_type3A_172 : vector<1x300xi32>
    %min3A = vector.broadcast %jit3A_174 : i32 to vector<1x300xi32>
    %min3A_177 = arith.minsi %min3A, %max3A_176 : vector<1x300xi32>
    %sub3A_178 = arith.constant 0.000000e+00 : f32
    %sub3A_179 = vector.broadcast %sub3A_178 : f32 to vector<1x300xf32>
    %sub3A_180 = arith.subf %mul3A_12, %sub3A_179 : vector<1x300xf32>
    %convert_element_type3A_181 = arith.fptosi %sub3A_180 : vector<1x300xf32> to vector<1x300xi32>
    %jit3A_182 = arith.constant 0 : i32
    %jit3A_183 = arith.constant 79 : i32
    %max3A_184 = vector.broadcast %jit3A_182 : i32 to vector<1x300xi32>
    %max3A_185 = arith.maxsi %max3A_184, %convert_element_type3A_181 : vector<1x300xi32>
    %min3A_186 = vector.broadcast %jit3A_183 : i32 to vector<1x300xi32>
    %min3A_187 = arith.minsi %min3A_186, %max3A_185 : vector<1x300xi32>
    %mul3A_188 = arith.constant 6400 : i32
    %mul3A_189 = vector.broadcast %mul3A_188 : i32 to vector<1x300xi32>
    %mul3A_190 = arith.muli %convert_element_type3A, %mul3A_189 : vector<1x300xi32>
    %mul3A_191 = arith.constant 80 : i32
    %mul3A_192 = vector.broadcast %mul3A_191 : i32 to vector<1x300xi32>
    %mul3A_193 = arith.muli %min3A_187, %mul3A_192 : vector<1x300xi32>
    %add3A_194 = arith.addi %mul3A_190, %mul3A_193 : vector<1x300xi32>
    %add3A_195 = arith.addi %add3A_194, %min3A_177 : vector<1x300xi32>
    %mul3A_196 = arith.constant 128 : i32
    %mul3A_197 = vector.broadcast %mul3A_196 : i32 to vector<1x300xi32>
    %mul3A_198 = arith.muli %add3A_195, %mul3A_197 : vector<1x300xi32>
    %add3A_199 = arith.addi %mul3A_198, %convert_element_type3A_7 : vector<1x300xi32>
    %and3A_200 = arith.andi %broadcast_in_dim3A_168, %lt3A_33 : vector<1x300xi1>
    %convert_element_type3A_201 = arith.extui %and3A_200 : vector<1x300xi1> to vector<1x300xi32>
    %convert_element_type3A_202 = arith.sitofp %convert_element_type3A_201 : vector<1x300xi32> to vector<1x300xf32>
    %and3A_203 = arith.andi %broadcast_in_dim3A_168, %lt3A_51 : vector<1x300xi1>
    %convert_element_type3A_204 = arith.extui %and3A_203 : vector<1x300xi1> to vector<1x300xi32>
    %convert_element_type3A_205 = arith.sitofp %convert_element_type3A_204 : vector<1x300xi32> to vector<1x300xf32>
    %and3A_206 = arith.andi %broadcast_in_dim3A_168, %lt3A_69 : vector<1x300xi1>
    %convert_element_type3A_207 = arith.extui %and3A_206 : vector<1x300xi1> to vector<1x300xi32>
    %convert_element_type3A_208 = arith.sitofp %convert_element_type3A_207 : vector<1x300xi32> to vector<1x300xf32>
    %sub3A_209 = arith.constant 5.000000e-01 : f32
    %sub3A_210 = vector.broadcast %sub3A_209 : f32 to vector<1x300xf32>
    %sub3A_211 = arith.subf %mul3A_9, %sub3A_210 : vector<1x300xf32>
    %convert_element_type3A_212 = arith.fptosi %sub3A_211 : vector<1x300xf32> to vector<1x300xi32>
    %jit3A_213 = arith.constant 0 : i32
    %jit3A_214 = arith.constant 79 : i32
    %max3A_215 = vector.broadcast %jit3A_213 : i32 to vector<1x300xi32>
    %max3A_216 = arith.maxsi %max3A_215, %convert_element_type3A_212 : vector<1x300xi32>
    %min3A_217 = vector.broadcast %jit3A_214 : i32 to vector<1x300xi32>
    %min3A_218 = arith.minsi %min3A_217, %max3A_216 : vector<1x300xi32>
    %sub3A_219 = arith.constant 0.000000e+00 : f32
    %sub3A_220 = vector.broadcast %sub3A_219 : f32 to vector<1x300xf32>
    %sub3A_221 = arith.subf %mul3A_12, %sub3A_220 : vector<1x300xf32>
    %convert_element_type3A_222 = arith.fptosi %sub3A_221 : vector<1x300xf32> to vector<1x300xi32>
    %jit3A_223 = arith.constant 0 : i32
    %jit3A_224 = arith.constant 79 : i32
    %max3A_225 = vector.broadcast %jit3A_223 : i32 to vector<1x300xi32>
    %max3A_226 = arith.maxsi %max3A_225, %convert_element_type3A_222 : vector<1x300xi32>
    %min3A_227 = vector.broadcast %jit3A_224 : i32 to vector<1x300xi32>
    %min3A_228 = arith.minsi %min3A_227, %max3A_226 : vector<1x300xi32>
    %mul3A_229 = arith.constant 6400 : i32
    %mul3A_230 = vector.broadcast %mul3A_229 : i32 to vector<1x300xi32>
    %mul3A_231 = arith.muli %convert_element_type3A, %mul3A_230 : vector<1x300xi32>
    %mul3A_232 = arith.constant 80 : i32
    %mul3A_233 = vector.broadcast %mul3A_232 : i32 to vector<1x300xi32>
    %mul3A_234 = arith.muli %min3A_228, %mul3A_233 : vector<1x300xi32>
    %add3A_235 = arith.addi %mul3A_231, %mul3A_234 : vector<1x300xi32>
    %add3A_236 = arith.addi %add3A_235, %min3A_218 : vector<1x300xi32>
    %mul3A_237 = arith.constant 128 : i32
    %mul3A_238 = vector.broadcast %mul3A_237 : i32 to vector<1x300xi32>
    %mul3A_239 = arith.muli %add3A_236, %mul3A_238 : vector<1x300xi32>
    %add3A_240 = arith.addi %mul3A_239, %convert_element_type3A_7 : vector<1x300xi32>
    %and3A_241 = arith.andi %and3A_92, %lt3A_33 : vector<1x300xi1>
    %convert_element_type3A_242 = arith.extui %and3A_241 : vector<1x300xi1> to vector<1x300xi32>
    %convert_element_type3A_243 = arith.sitofp %convert_element_type3A_242 : vector<1x300xi32> to vector<1x300xf32>
    %and3A_244 = arith.andi %and3A_92, %lt3A_51 : vector<1x300xi1>
    %convert_element_type3A_245 = arith.extui %and3A_244 : vector<1x300xi1> to vector<1x300xi32>
    %convert_element_type3A_246 = arith.sitofp %convert_element_type3A_245 : vector<1x300xi32> to vector<1x300xf32>
    %and3A_247 = arith.andi %and3A_92, %lt3A_69 : vector<1x300xi1>
    %convert_element_type3A_248 = arith.extui %and3A_247 : vector<1x300xi1> to vector<1x300xi32>
    %convert_element_type3A_249 = arith.sitofp %convert_element_type3A_248 : vector<1x300xi32> to vector<1x300xf32>
    %sub3A_250 = arith.constant 0.000000e+00 : f32
    %sub3A_251 = vector.broadcast %sub3A_250 : f32 to vector<1x300xf32>
    %sub3A_252 = arith.subf %mul3A_9, %sub3A_251 : vector<1x300xf32>
    %convert_element_type3A_253 = arith.fptosi %sub3A_252 : vector<1x300xf32> to vector<1x300xi32>
    %jit3A_254 = arith.constant 0 : i32
    %jit3A_255 = arith.constant 79 : i32
    %max3A_256 = vector.broadcast %jit3A_254 : i32 to vector<1x300xi32>
    %max3A_257 = arith.maxsi %max3A_256, %convert_element_type3A_253 : vector<1x300xi32>
    %min3A_258 = vector.broadcast %jit3A_255 : i32 to vector<1x300xi32>
    %min3A_259 = arith.minsi %min3A_258, %max3A_257 : vector<1x300xi32>
    %sub3A_260 = arith.constant 5.000000e-01 : f32
    %sub3A_261 = vector.broadcast %sub3A_260 : f32 to vector<1x300xf32>
    %sub3A_262 = arith.subf %mul3A_12, %sub3A_261 : vector<1x300xf32>
    %convert_element_type3A_263 = arith.fptosi %sub3A_262 : vector<1x300xf32> to vector<1x300xi32>
    %jit3A_264 = arith.constant 0 : i32
    %jit3A_265 = arith.constant 79 : i32
    %max3A_266 = vector.broadcast %jit3A_264 : i32 to vector<1x300xi32>
    %max3A_267 = arith.maxsi %max3A_266, %convert_element_type3A_263 : vector<1x300xi32>
    %min3A_268 = vector.broadcast %jit3A_265 : i32 to vector<1x300xi32>
    %min3A_269 = arith.minsi %min3A_268, %max3A_267 : vector<1x300xi32>
    %mul3A_270 = arith.constant 6400 : i32
    %mul3A_271 = vector.broadcast %mul3A_270 : i32 to vector<1x300xi32>
    %mul3A_272 = arith.muli %convert_element_type3A, %mul3A_271 : vector<1x300xi32>
    %mul3A_273 = arith.constant 80 : i32
    %mul3A_274 = vector.broadcast %mul3A_273 : i32 to vector<1x300xi32>
    %mul3A_275 = arith.muli %min3A_269, %mul3A_274 : vector<1x300xi32>
    %add3A_276 = arith.addi %mul3A_272, %mul3A_275 : vector<1x300xi32>
    %add3A_277 = arith.addi %add3A_276, %min3A_259 : vector<1x300xi32>
    %mul3A_278 = arith.constant 128 : i32
    %mul3A_279 = vector.broadcast %mul3A_278 : i32 to vector<1x300xi32>
    %mul3A_280 = arith.muli %add3A_277, %mul3A_279 : vector<1x300xi32>
    %add3A_281 = arith.addi %mul3A_280, %convert_element_type3A_7 : vector<1x300xi32>
    %and3A_282 = arith.andi %and3A_117, %lt3A_33 : vector<1x300xi1>
    %convert_element_type3A_283 = arith.extui %and3A_282 : vector<1x300xi1> to vector<1x300xi32>
    %convert_element_type3A_284 = arith.sitofp %convert_element_type3A_283 : vector<1x300xi32> to vector<1x300xf32>
    %and3A_285 = arith.andi %and3A_117, %lt3A_51 : vector<1x300xi1>
    %convert_element_type3A_286 = arith.extui %and3A_285 : vector<1x300xi1> to vector<1x300xi32>
    %convert_element_type3A_287 = arith.sitofp %convert_element_type3A_286 : vector<1x300xi32> to vector<1x300xf32>
    %and3A_288 = arith.andi %and3A_117, %lt3A_69 : vector<1x300xi1>
    %convert_element_type3A_289 = arith.extui %and3A_288 : vector<1x300xi1> to vector<1x300xi32>
    %convert_element_type3A_290 = arith.sitofp %convert_element_type3A_289 : vector<1x300xi32> to vector<1x300xf32>
    %sub3A_291 = arith.constant -5.000000e-01 : f32
    %sub3A_292 = vector.broadcast %sub3A_291 : f32 to vector<1x300xf32>
    %sub3A_293 = arith.subf %mul3A_9, %sub3A_292 : vector<1x300xf32>
    %convert_element_type3A_294 = arith.fptosi %sub3A_293 : vector<1x300xf32> to vector<1x300xi32>
    %jit3A_295 = arith.constant 0 : i32
    %jit3A_296 = arith.constant 79 : i32
    %max3A_297 = vector.broadcast %jit3A_295 : i32 to vector<1x300xi32>
    %max3A_298 = arith.maxsi %max3A_297, %convert_element_type3A_294 : vector<1x300xi32>
    %min3A_299 = vector.broadcast %jit3A_296 : i32 to vector<1x300xi32>
    %min3A_300 = arith.minsi %min3A_299, %max3A_298 : vector<1x300xi32>
    %sub3A_301 = arith.constant 0.000000e+00 : f32
    %sub3A_302 = vector.broadcast %sub3A_301 : f32 to vector<1x300xf32>
    %sub3A_303 = arith.subf %mul3A_12, %sub3A_302 : vector<1x300xf32>
    %convert_element_type3A_304 = arith.fptosi %sub3A_303 : vector<1x300xf32> to vector<1x300xi32>
    %jit3A_305 = arith.constant 0 : i32
    %jit3A_306 = arith.constant 79 : i32
    %max3A_307 = vector.broadcast %jit3A_305 : i32 to vector<1x300xi32>
    %max3A_308 = arith.maxsi %max3A_307, %convert_element_type3A_304 : vector<1x300xi32>
    %min3A_309 = vector.broadcast %jit3A_306 : i32 to vector<1x300xi32>
    %min3A_310 = arith.minsi %min3A_309, %max3A_308 : vector<1x300xi32>
    %mul3A_311 = arith.constant 6400 : i32
    %mul3A_312 = vector.broadcast %mul3A_311 : i32 to vector<1x300xi32>
    %mul3A_313 = arith.muli %convert_element_type3A, %mul3A_312 : vector<1x300xi32>
    %mul3A_314 = arith.constant 80 : i32
    %mul3A_315 = vector.broadcast %mul3A_314 : i32 to vector<1x300xi32>
    %mul3A_316 = arith.muli %min3A_310, %mul3A_315 : vector<1x300xi32>
    %add3A_317 = arith.addi %mul3A_313, %mul3A_316 : vector<1x300xi32>
    %add3A_318 = arith.addi %add3A_317, %min3A_300 : vector<1x300xi32>
    %mul3A_319 = arith.constant 128 : i32
    %mul3A_320 = vector.broadcast %mul3A_319 : i32 to vector<1x300xi32>
    %mul3A_321 = arith.muli %add3A_318, %mul3A_320 : vector<1x300xi32>
    %add3A_322 = arith.addi %mul3A_321, %convert_element_type3A_7 : vector<1x300xi32>
    %and3A_323 = arith.andi %and3A_142, %lt3A_33 : vector<1x300xi1>
    %convert_element_type3A_324 = arith.extui %and3A_323 : vector<1x300xi1> to vector<1x300xi32>
    %convert_element_type3A_325 = arith.sitofp %convert_element_type3A_324 : vector<1x300xi32> to vector<1x300xf32>
    %and3A_326 = arith.andi %and3A_142, %lt3A_51 : vector<1x300xi1>
    %convert_element_type3A_327 = arith.extui %and3A_326 : vector<1x300xi1> to vector<1x300xi32>
    %convert_element_type3A_328 = arith.sitofp %convert_element_type3A_327 : vector<1x300xi32> to vector<1x300xf32>
    %and3A_329 = arith.andi %and3A_142, %lt3A_69 : vector<1x300xi1>
    %convert_element_type3A_330 = arith.extui %and3A_329 : vector<1x300xi1> to vector<1x300xi32>
    %convert_element_type3A_331 = arith.sitofp %convert_element_type3A_330 : vector<1x300xi32> to vector<1x300xf32>
    %sub3A_332 = arith.constant 0.000000e+00 : f32
    %sub3A_333 = vector.broadcast %sub3A_332 : f32 to vector<1x300xf32>
    %sub3A_334 = arith.subf %mul3A_9, %sub3A_333 : vector<1x300xf32>
    %convert_element_type3A_335 = arith.fptosi %sub3A_334 : vector<1x300xf32> to vector<1x300xi32>
    %jit3A_336 = arith.constant 0 : i32
    %jit3A_337 = arith.constant 79 : i32
    %max3A_338 = vector.broadcast %jit3A_336 : i32 to vector<1x300xi32>
    %max3A_339 = arith.maxsi %max3A_338, %convert_element_type3A_335 : vector<1x300xi32>
    %min3A_340 = vector.broadcast %jit3A_337 : i32 to vector<1x300xi32>
    %min3A_341 = arith.minsi %min3A_340, %max3A_339 : vector<1x300xi32>
    %sub3A_342 = arith.constant -5.000000e-01 : f32
    %sub3A_343 = vector.broadcast %sub3A_342 : f32 to vector<1x300xf32>
    %sub3A_344 = arith.subf %mul3A_12, %sub3A_343 : vector<1x300xf32>
    %convert_element_type3A_345 = arith.fptosi %sub3A_344 : vector<1x300xf32> to vector<1x300xi32>
    %jit3A_346 = arith.constant 0 : i32
    %jit3A_347 = arith.constant 79 : i32
    %max3A_348 = vector.broadcast %jit3A_346 : i32 to vector<1x300xi32>
    %max3A_349 = arith.maxsi %max3A_348, %convert_element_type3A_345 : vector<1x300xi32>
    %min3A_350 = vector.broadcast %jit3A_347 : i32 to vector<1x300xi32>
    %min3A_351 = arith.minsi %min3A_350, %max3A_349 : vector<1x300xi32>
    %mul3A_352 = arith.constant 6400 : i32
    %mul3A_353 = vector.broadcast %mul3A_352 : i32 to vector<1x300xi32>
    %mul3A_354 = arith.muli %convert_element_type3A, %mul3A_353 : vector<1x300xi32>
    %mul3A_355 = arith.constant 80 : i32
    %mul3A_356 = vector.broadcast %mul3A_355 : i32 to vector<1x300xi32>
    %mul3A_357 = arith.muli %min3A_351, %mul3A_356 : vector<1x300xi32>
    %add3A_358 = arith.addi %mul3A_354, %mul3A_357 : vector<1x300xi32>
    %add3A_359 = arith.addi %add3A_358, %min3A_341 : vector<1x300xi32>
    %mul3A_360 = arith.constant 128 : i32
    %mul3A_361 = vector.broadcast %mul3A_360 : i32 to vector<1x300xi32>
    %mul3A_362 = arith.muli %add3A_359, %mul3A_361 : vector<1x300xi32>
    %add3A_363 = arith.addi %mul3A_362, %convert_element_type3A_7 : vector<1x300xi32>
    %and3A_364 = arith.andi %and3A_167, %lt3A_33 : vector<1x300xi1>
    %convert_element_type3A_365 = arith.extui %and3A_364 : vector<1x300xi1> to vector<1x300xi32>
    %convert_element_type3A_366 = arith.sitofp %convert_element_type3A_365 : vector<1x300xi32> to vector<1x300xf32>
    %and3A_367 = arith.andi %and3A_167, %lt3A_51 : vector<1x300xi1>
    %convert_element_type3A_368 = arith.extui %and3A_367 : vector<1x300xi1> to vector<1x300xi32>
    %convert_element_type3A_369 = arith.sitofp %convert_element_type3A_368 : vector<1x300xi32> to vector<1x300xf32>
    %and3A_370 = arith.andi %and3A_167, %lt3A_69 : vector<1x300xi1>
    %convert_element_type3A_371 = arith.extui %and3A_370 : vector<1x300xi1> to vector<1x300xi32>
    %convert_element_type3A_372 = arith.sitofp %convert_element_type3A_371 : vector<1x300xi32> to vector<1x300xf32>
    %concatenate3A = tpu.concatenate %add3A_199, %add3A_199, %add3A_199, %add3A_240, %add3A_240, %add3A_240, %add3A_281, %add3A_281, %add3A_281, %add3A_322, %add3A_322, %add3A_322, %add3A_363, %add3A_363, %add3A_363 in 0 : vector<1x300xi32>, vector<1x300xi32>, vector<1x300xi32>, vector<1x300xi32>, vector<1x300xi32>, vector<1x300xi32>, vector<1x300xi32>, vector<1x300xi32>, vector<1x300xi32>, vector<1x300xi32>, vector<1x300xi32>, vector<1x300xi32>, vector<1x300xi32>, vector<1x300xi32>, vector<1x300xi32> -> vector<15x300xi32>
    %swap3A = arith.constant 0 : index
    %swap3A_373 = arith.constant 0 : index
    %swap3A_374 = vector.load %arg1[%swap3A, %swap3A_373] : memref<15x300xi32, #tpu.memory_space<vmem>>, vector<15x300xi32>
    tpu.vector_store %arg1[%swap3A, %swap3A_373], %concatenate3A {strides = array<i32>} : memref<15x300xi32, #tpu.memory_space<vmem>>, vector<15x300xi32>,
    %concatenate3A_375 = tpu.concatenate %convert_element_type3A_202, %convert_element_type3A_205, %convert_element_type3A_208, %convert_element_type3A_243, %convert_element_type3A_246, %convert_element_type3A_249, %convert_element_type3A_284, %convert_element_type3A_287, %convert_element_type3A_290, %convert_element_type3A_325, %convert_element_type3A_328, %convert_element_type3A_331, %convert_element_type3A_366, %convert_element_type3A_369, %convert_element_type3A_372 in 0 : vector<1x300xf32>, vector<1x300xf32>, vector<1x300xf32>, vector<1x300xf32>, vector<1x300xf32>, vector<1x300xf32>, vector<1x300xf32>, vector<1x300xf32>, vector<1x300xf32>, vector<1x300xf32>, vector<1x300xf32>, vector<1x300xf32>, vector<1x300xf32>, vector<1x300xf32>, vector<1x300xf32> -> vector<15x300xf32>
    %swap3A_376 = arith.constant 0 : index
    %swap3A_377 = arith.constant 0 : index
    %swap3A_378 = vector.load %arg2[%swap3A_376, %swap3A_377] : memref<15x300xf32, #tpu.memory_space<vmem>>, vector<15x300xf32>
    tpu.vector_store %arg2[%swap3A_376, %swap3A_377], %concatenate3A_375 {strides = array<i32>} : memref<15x300xf32, #tpu.memory_space<vmem>>, vector<15x300xf32>,
    %mul3A_379 = arith.constant 4.000000e+01 : f32
    %mul3A_380 = vector.broadcast %mul3A_379 : f32 to vector<1x300xf32>
    %mul3A_381 = arith.mulf %slice3A_3, %mul3A_380 : vector<1x300xf32>
    %mul3A_382 = arith.constant 4.000000e+01 : f32
    %mul3A_383 = vector.broadcast %mul3A_382 : f32 to vector<1x300xf32>
    %mul3A_384 = arith.mulf %slice3A_4, %mul3A_383 : vector<1x300xf32>
    %mul3A_385 = arith.constant 4.000000e+01 : f32
    %mul3A_386 = vector.broadcast %mul3A_385 : f32 to vector<1x300xf32>
    %mul3A_387 = arith.mulf %slice3A_5, %mul3A_386 : vector<1x300xf32>
    %mul3A_388 = arith.constant 4.000000e+01 : f32
    %mul3A_389 = vector.broadcast %mul3A_388 : f32 to vector<1x300xf32>
    %mul3A_390 = arith.mulf %slice3A_6, %mul3A_389 : vector<1x300xf32>
    %div3A_391 = arith.constant 3.000000e+01 : f32
    %div3A_392 = vector.broadcast %div3A_391 : f32 to vector<1x300xf32>
    %div3A_393 = arith.divf %mul3A_387, %div3A_392 : vector<1x300xf32>
    %div3A_394 = arith.constant 6.100000e+01 : f32
    %div3A_395 = vector.broadcast %div3A_394 : f32 to vector<1x300xf32>
    %div3A_396 = arith.divf %mul3A_390, %div3A_395 : vector<1x300xf32>
    %div3A_397 = arith.constant 1.000000e+00 : f32
    %div3A_398 = vector.broadcast %div3A_397 : f32 to vector<1x300xf32>
    %div3A_399 = arith.divf %div3A_398, %div3A_393 : vector<1x300xf32>
    %max3A_400 = arith.maximumf %div3A_393, %div3A_399 : vector<1x300xf32>
    %div3A_401 = arith.constant 1.000000e+00 : f32
    %div3A_402 = vector.broadcast %div3A_401 : f32 to vector<1x300xf32>
    %div3A_403 = arith.divf %div3A_402, %div3A_396 : vector<1x300xf32>
    %max3A_404 = arith.maximumf %div3A_396, %div3A_403 : vector<1x300xf32>
    %max3A_405 = arith.maximumf %max3A_400, %max3A_404 : vector<1x300xf32>
    %lt3A_406 = arith.constant 4.000000e+00 : f32
    %lt3A_407 = vector.broadcast %lt3A_406 : f32 to vector<1x300xf32>
    %lt3A_408 = arith.cmpf olt, %max3A_405, %lt3A_407 : vector<1x300xf32>
    %div3A_409 = arith.constant 6.200000e+01 : f32
    %div3A_410 = vector.broadcast %div3A_409 : f32 to vector<1x300xf32>
    %div3A_411 = arith.divf %mul3A_387, %div3A_410 : vector<1x300xf32>
    %div3A_412 = arith.constant 4.500000e+01 : f32
    %div3A_413 = vector.broadcast %div3A_412 : f32 to vector<1x300xf32>
    %div3A_414 = arith.divf %mul3A_390, %div3A_413 : vector<1x300xf32>
    %div3A_415 = arith.constant 1.000000e+00 : f32
    %div3A_416 = vector.broadcast %div3A_415 : f32 to vector<1x300xf32>
    %div3A_417 = arith.divf %div3A_416, %div3A_411 : vector<1x300xf32>
    %max3A_418 = arith.maximumf %div3A_411, %div3A_417 : vector<1x300xf32>
    %div3A_419 = arith.constant 1.000000e+00 : f32
    %div3A_420 = vector.broadcast %div3A_419 : f32 to vector<1x300xf32>
    %div3A_421 = arith.divf %div3A_420, %div3A_414 : vector<1x300xf32>
    %max3A_422 = arith.maximumf %div3A_414, %div3A_421 : vector<1x300xf32>
    %max3A_423 = arith.maximumf %max3A_418, %max3A_422 : vector<1x300xf32>
    %lt3A_424 = arith.constant 4.000000e+00 : f32
    %lt3A_425 = vector.broadcast %lt3A_424 : f32 to vector<1x300xf32>
    %lt3A_426 = arith.cmpf olt, %max3A_423, %lt3A_425 : vector<1x300xf32>
    %div3A_427 = arith.constant 5.900000e+01 : f32
    %div3A_428 = vector.broadcast %div3A_427 : f32 to vector<1x300xf32>
    %div3A_429 = arith.divf %mul3A_387, %div3A_428 : vector<1x300xf32>
    %div3A_430 = arith.constant 1.190000e+02 : f32
    %div3A_431 = vector.broadcast %div3A_430 : f32 to vector<1x300xf32>
    %div3A_432 = arith.divf %mul3A_390, %div3A_431 : vector<1x300xf32>
    %div3A_433 = arith.constant 1.000000e+00 : f32
    %div3A_434 = vector.broadcast %div3A_433 : f32 to vector<1x300xf32>
    %div3A_435 = arith.divf %div3A_434, %div3A_429 : vector<1x300xf32>
    %max3A_436 = arith.maximumf %div3A_429, %div3A_435 : vector<1x300xf32>
    %div3A_437 = arith.constant 1.000000e+00 : f32
    %div3A_438 = vector.broadcast %div3A_437 : f32 to vector<1x300xf32>
    %div3A_439 = arith.divf %div3A_438, %div3A_432 : vector<1x300xf32>
    %max3A_440 = arith.maximumf %div3A_432, %div3A_439 : vector<1x300xf32>
    %max3A_441 = arith.maximumf %max3A_436, %max3A_440 : vector<1x300xf32>
    %lt3A_442 = arith.constant 4.000000e+00 : f32
    %lt3A_443 = vector.broadcast %lt3A_442 : f32 to vector<1x300xf32>
    %lt3A_444 = arith.cmpf olt, %max3A_441, %lt3A_443 : vector<1x300xf32>
    %sub3A_445 = arith.constant 4.000000e+01 : f32
    %sub3A_446 = vector.broadcast %sub3A_445 : f32 to vector<1x300xf32>
    %sub3A_447 = arith.subf %sub3A_446, %mul3A_381 : vector<1x300xf32>
    %sub3A_448 = arith.constant 4.000000e+01 : f32
    %sub3A_449 = vector.broadcast %sub3A_448 : f32 to vector<1x300xf32>
    %sub3A_450 = arith.subf %sub3A_449, %mul3A_384 : vector<1x300xf32>
    %jit3A_451 = arith.constant 1.000000e+00 : f32
    %rem3A_452 = vector.broadcast %jit3A_451 : f32 to vector<1x300xf32>
    %rem3A_453 = arith.remf %mul3A_381, %rem3A_452 : vector<1x300xf32>
    %ne3A_454 = arith.constant 0.000000e+00 : f32
    %ne3A_455 = vector.broadcast %ne3A_454 : f32 to vector<1x300xf32>
    %ne3A_456 = arith.cmpf one, %rem3A_453, %ne3A_455 : vector<1x300xf32>
    %lt3A_457 = arith.constant 0.000000e+00 : f32
    %lt3A_458 = vector.broadcast %lt3A_457 : f32 to vector<1x300xf32>
    %lt3A_459 = arith.cmpf olt, %rem3A_453, %lt3A_458 : vector<1x300xf32>
    %lt3A_460 = arith.constant 0.000000e+00 : f32
    %lt3A_461 = arith.cmpf olt, %jit3A_451, %lt3A_460 : f32
    %ne3A_462 = vector.broadcast %lt3A_461 : i1 to vector<1x300xi1>
    %ne3A_463 = vector.broadcast %ne3A_462 : vector<1x300xi1> to vector<1x300xi1>
    %ne3A_464 = arith.xori %lt3A_459, %ne3A_463 : vector<1x300xi1>
    %and3A_465 = arith.andi %ne3A_464, %ne3A_456 : vector<1x300xi1>
    %add3A_466 = vector.broadcast %jit3A_451 : f32 to vector<1x300xf32>
    %add3A_467 = arith.addf %rem3A_453, %add3A_466 : vector<1x300xf32>
    %select_n3A_468 = arith.select %and3A_465, %add3A_467, %rem3A_453 : vector<1x300xi1>, vector<1x300xf32>
    %lt3A_469 = arith.constant 5.000000e-01 : f32
    %lt3A_470 = vector.broadcast %lt3A_469 : f32 to vector<1x300xf32>
    %lt3A_471 = arith.cmpf olt, %select_n3A_468, %lt3A_470 : vector<1x300xf32>
    %gt3A_472 = arith.constant 1.000000e+00 : f32
    %gt3A_473 = vector.broadcast %gt3A_472 : f32 to vector<1x300xf32>
    %gt3A_474 = arith.cmpf ogt, %mul3A_381, %gt3A_473 : vector<1x300xf32>
    %and3A_475 = arith.andi %lt3A_471, %gt3A_474 : vector<1x300xi1>
    %jit3A_476 = arith.constant 1.000000e+00 : f32
    %rem3A_477 = vector.broadcast %jit3A_476 : f32 to vector<1x300xf32>
    %rem3A_478 = arith.remf %mul3A_384, %rem3A_477 : vector<1x300xf32>
    %ne3A_479 = arith.constant 0.000000e+00 : f32
    %ne3A_480 = vector.broadcast %ne3A_479 : f32 to vector<1x300xf32>
    %ne3A_481 = arith.cmpf one, %rem3A_478, %ne3A_480 : vector<1x300xf32>
    %lt3A_482 = arith.constant 0.000000e+00 : f32
    %lt3A_483 = vector.broadcast %lt3A_482 : f32 to vector<1x300xf32>
    %lt3A_484 = arith.cmpf olt, %rem3A_478, %lt3A_483 : vector<1x300xf32>
    %lt3A_485 = arith.constant 0.000000e+00 : f32
    %lt3A_486 = arith.cmpf olt, %jit3A_476, %lt3A_485 : f32
    %ne3A_487 = vector.broadcast %lt3A_486 : i1 to vector<1x300xi1>
    %ne3A_488 = vector.broadcast %ne3A_487 : vector<1x300xi1> to vector<1x300xi1>
    %ne3A_489 = arith.xori %lt3A_484, %ne3A_488 : vector<1x300xi1>
    %and3A_490 = arith.andi %ne3A_489, %ne3A_481 : vector<1x300xi1>
    %add3A_491 = vector.broadcast %jit3A_476 : f32 to vector<1x300xf32>
    %add3A_492 = arith.addf %rem3A_478, %add3A_491 : vector<1x300xf32>
    %select_n3A_493 = arith.select %and3A_490, %add3A_492, %rem3A_478 : vector<1x300xi1>, vector<1x300xf32>
    %lt3A_494 = arith.constant 5.000000e-01 : f32
    %lt3A_495 = vector.broadcast %lt3A_494 : f32 to vector<1x300xf32>
    %lt3A_496 = arith.cmpf olt, %select_n3A_493, %lt3A_495 : vector<1x300xf32>
    %gt3A_497 = arith.constant 1.000000e+00 : f32
    %gt3A_498 = vector.broadcast %gt3A_497 : f32 to vector<1x300xf32>
    %gt3A_499 = arith.cmpf ogt, %mul3A_384, %gt3A_498 : vector<1x300xf32>
    %and3A_500 = arith.andi %lt3A_496, %gt3A_499 : vector<1x300xi1>
    %jit3A_501 = arith.constant 1.000000e+00 : f32
    %rem3A_502 = vector.broadcast %jit3A_501 : f32 to vector<1x300xf32>
    %rem3A_503 = arith.remf %sub3A_447, %rem3A_502 : vector<1x300xf32>
    %ne3A_504 = arith.constant 0.000000e+00 : f32
    %ne3A_505 = vector.broadcast %ne3A_504 : f32 to vector<1x300xf32>
    %ne3A_506 = arith.cmpf one, %rem3A_503, %ne3A_505 : vector<1x300xf32>
    %lt3A_507 = arith.constant 0.000000e+00 : f32
    %lt3A_508 = vector.broadcast %lt3A_507 : f32 to vector<1x300xf32>
    %lt3A_509 = arith.cmpf olt, %rem3A_503, %lt3A_508 : vector<1x300xf32>
    %lt3A_510 = arith.constant 0.000000e+00 : f32
    %lt3A_511 = arith.cmpf olt, %jit3A_501, %lt3A_510 : f32
    %ne3A_512 = vector.broadcast %lt3A_511 : i1 to vector<1x300xi1>
    %ne3A_513 = vector.broadcast %ne3A_512 : vector<1x300xi1> to vector<1x300xi1>
    %ne3A_514 = arith.xori %lt3A_509, %ne3A_513 : vector<1x300xi1>
    %and3A_515 = arith.andi %ne3A_514, %ne3A_506 : vector<1x300xi1>
    %add3A_516 = vector.broadcast %jit3A_501 : f32 to vector<1x300xf32>
    %add3A_517 = arith.addf %rem3A_503, %add3A_516 : vector<1x300xf32>
    %select_n3A_518 = arith.select %and3A_515, %add3A_517, %rem3A_503 : vector<1x300xi1>, vector<1x300xf32>
    %lt3A_519 = arith.constant 5.000000e-01 : f32
    %lt3A_520 = vector.broadcast %lt3A_519 : f32 to vector<1x300xf32>
    %lt3A_521 = arith.cmpf olt, %select_n3A_518, %lt3A_520 : vector<1x300xf32>
    %gt3A_522 = arith.constant 1.000000e+00 : f32
    %gt3A_523 = vector.broadcast %gt3A_522 : f32 to vector<1x300xf32>
    %gt3A_524 = arith.cmpf ogt, %sub3A_447, %gt3A_523 : vector<1x300xf32>
    %and3A_525 = arith.andi %lt3A_521, %gt3A_524 : vector<1x300xi1>
    %jit3A_526 = arith.constant 1.000000e+00 : f32
    %rem3A_527 = vector.broadcast %jit3A_526 : f32 to vector<1x300xf32>
    %rem3A_528 = arith.remf %sub3A_450, %rem3A_527 : vector<1x300xf32>
    %ne3A_529 = arith.constant 0.000000e+00 : f32
    %ne3A_530 = vector.broadcast %ne3A_529 : f32 to vector<1x300xf32>
    %ne3A_531 = arith.cmpf one, %rem3A_528, %ne3A_530 : vector<1x300xf32>
    %lt3A_532 = arith.constant 0.000000e+00 : f32
    %lt3A_533 = vector.broadcast %lt3A_532 : f32 to vector<1x300xf32>
    %lt3A_534 = arith.cmpf olt, %rem3A_528, %lt3A_533 : vector<1x300xf32>
    %lt3A_535 = arith.constant 0.000000e+00 : f32
    %lt3A_536 = arith.cmpf olt, %jit3A_526, %lt3A_535 : f32
    %ne3A_537 = vector.broadcast %lt3A_536 : i1 to vector<1x300xi1>
    %ne3A_538 = vector.broadcast %ne3A_537 : vector<1x300xi1> to vector<1x300xi1>
    %ne3A_539 = arith.xori %lt3A_534, %ne3A_538 : vector<1x300xi1>
    %and3A_540 = arith.andi %ne3A_539, %ne3A_531 : vector<1x300xi1>
    %add3A_541 = vector.broadcast %jit3A_526 : f32 to vector<1x300xf32>
    %add3A_542 = arith.addf %rem3A_528, %add3A_541 : vector<1x300xf32>
    %select_n3A_543 = arith.select %and3A_540, %add3A_542, %rem3A_528 : vector<1x300xi1>, vector<1x300xf32>
    %lt3A_544 = arith.constant 5.000000e-01 : f32
    %lt3A_545 = vector.broadcast %lt3A_544 : f32 to vector<1x300xf32>
    %lt3A_546 = arith.cmpf olt, %select_n3A_543, %lt3A_545 : vector<1x300xf32>
    %gt3A_547 = arith.constant 1.000000e+00 : f32
    %gt3A_548 = vector.broadcast %gt3A_547 : f32 to vector<1x300xf32>
    %gt3A_549 = arith.cmpf ogt, %sub3A_450, %gt3A_548 : vector<1x300xf32>
    %and3A_550 = arith.andi %lt3A_546, %gt3A_549 : vector<1x300xi1>
    %broadcast_in_dim3A_551 = arith.constant true
    %broadcast_in_dim3A_552 = vector.broadcast %broadcast_in_dim3A_551 : i1 to vector<1x300xi1>
    %sub3A_553 = arith.constant 0.000000e+00 : f32
    %sub3A_554 = vector.broadcast %sub3A_553 : f32 to vector<1x300xf32>
    %sub3A_555 = arith.subf %mul3A_381, %sub3A_554 : vector<1x300xf32>
    %convert_element_type3A_556 = arith.fptosi %sub3A_555 : vector<1x300xf32> to vector<1x300xi32>
    %jit3A_557 = arith.constant 0 : i32
    %jit3A_558 = arith.constant 39 : i32
    %max3A_559 = vector.broadcast %jit3A_557 : i32 to vector<1x300xi32>
    %max3A_560 = arith.maxsi %max3A_559, %convert_element_type3A_556 : vector<1x300xi32>
    %min3A_561 = vector.broadcast %jit3A_558 : i32 to vector<1x300xi32>
    %min3A_562 = arith.minsi %min3A_561, %max3A_560 : vector<1x300xi32>
    %sub3A_563 = arith.constant 0.000000e+00 : f32
    %sub3A_564 = vector.broadcast %sub3A_563 : f32 to vector<1x300xf32>
    %sub3A_565 = arith.subf %mul3A_384, %sub3A_564 : vector<1x300xf32>
    %convert_element_type3A_566 = arith.fptosi %sub3A_565 : vector<1x300xf32> to vector<1x300xi32>
    %jit3A_567 = arith.constant 0 : i32
    %jit3A_568 = arith.constant 39 : i32
    %max3A_569 = vector.broadcast %jit3A_567 : i32 to vector<1x300xi32>
    %max3A_570 = arith.maxsi %max3A_569, %convert_element_type3A_566 : vector<1x300xi32>
    %min3A_571 = vector.broadcast %jit3A_568 : i32 to vector<1x300xi32>
    %min3A_572 = arith.minsi %min3A_571, %max3A_570 : vector<1x300xi32>
    %mul3A_573 = arith.constant 1600 : i32
    %mul3A_574 = vector.broadcast %mul3A_573 : i32 to vector<1x300xi32>
    %mul3A_575 = arith.muli %convert_element_type3A, %mul3A_574 : vector<1x300xi32>
    %mul3A_576 = arith.constant 40 : i32
    %mul3A_577 = vector.broadcast %mul3A_576 : i32 to vector<1x300xi32>
    %mul3A_578 = arith.muli %min3A_572, %mul3A_577 : vector<1x300xi32>
    %add3A_579 = arith.addi %mul3A_575, %mul3A_578 : vector<1x300xi32>
    %add3A_580 = arith.addi %add3A_579, %min3A_562 : vector<1x300xi32>
    %mul3A_581 = arith.constant 128 : i32
    %mul3A_582 = vector.broadcast %mul3A_581 : i32 to vector<1x300xi32>
    %mul3A_583 = arith.muli %add3A_580, %mul3A_582 : vector<1x300xi32>
    %add3A_584 = arith.addi %mul3A_583, %convert_element_type3A_7 : vector<1x300xi32>
    %and3A_585 = arith.andi %broadcast_in_dim3A_552, %lt3A_408 : vector<1x300xi1>
    %convert_element_type3A_586 = arith.extui %and3A_585 : vector<1x300xi1> to vector<1x300xi32>
    %convert_element_type3A_587 = arith.sitofp %convert_element_type3A_586 : vector<1x300xi32> to vector<1x300xf32>
    %and3A_588 = arith.andi %broadcast_in_dim3A_552, %lt3A_426 : vector<1x300xi1>
    %convert_element_type3A_589 = arith.extui %and3A_588 : vector<1x300xi1> to vector<1x300xi32>
    %convert_element_type3A_590 = arith.sitofp %convert_element_type3A_589 : vector<1x300xi32> to vector<1x300xf32>
    %and3A_591 = arith.andi %broadcast_in_dim3A_552, %lt3A_444 : vector<1x300xi1>
    %convert_element_type3A_592 = arith.extui %and3A_591 : vector<1x300xi1> to vector<1x300xi32>
    %convert_element_type3A_593 = arith.sitofp %convert_element_type3A_592 : vector<1x300xi32> to vector<1x300xf32>
    %sub3A_594 = arith.constant 5.000000e-01 : f32
    %sub3A_595 = vector.broadcast %sub3A_594 : f32 to vector<1x300xf32>
    %sub3A_596 = arith.subf %mul3A_381, %sub3A_595 : vector<1x300xf32>
    %convert_element_type3A_597 = arith.fptosi %sub3A_596 : vector<1x300xf32> to vector<1x300xi32>
    %jit3A_598 = arith.constant 0 : i32
    %jit3A_599 = arith.constant 39 : i32
    %max3A_600 = vector.broadcast %jit3A_598 : i32 to vector<1x300xi32>
    %max3A_601 = arith.maxsi %max3A_600, %convert_element_type3A_597 : vector<1x300xi32>
    %min3A_602 = vector.broadcast %jit3A_599 : i32 to vector<1x300xi32>
    %min3A_603 = arith.minsi %min3A_602, %max3A_601 : vector<1x300xi32>
    %sub3A_604 = arith.constant 0.000000e+00 : f32
    %sub3A_605 = vector.broadcast %sub3A_604 : f32 to vector<1x300xf32>
    %sub3A_606 = arith.subf %mul3A_384, %sub3A_605 : vector<1x300xf32>
    %convert_element_type3A_607 = arith.fptosi %sub3A_606 : vector<1x300xf32> to vector<1x300xi32>
    %jit3A_608 = arith.constant 0 : i32
    %jit3A_609 = arith.constant 39 : i32
    %max3A_610 = vector.broadcast %jit3A_608 : i32 to vector<1x300xi32>
    %max3A_611 = arith.maxsi %max3A_610, %convert_element_type3A_607 : vector<1x300xi32>
    %min3A_612 = vector.broadcast %jit3A_609 : i32 to vector<1x300xi32>
    %min3A_613 = arith.minsi %min3A_612, %max3A_611 : vector<1x300xi32>
    %mul3A_614 = arith.constant 1600 : i32
    %mul3A_615 = vector.broadcast %mul3A_614 : i32 to vector<1x300xi32>
    %mul3A_616 = arith.muli %convert_element_type3A, %mul3A_615 : vector<1x300xi32>
    %mul3A_617 = arith.constant 40 : i32
    %mul3A_618 = vector.broadcast %mul3A_617 : i32 to vector<1x300xi32>
    %mul3A_619 = arith.muli %min3A_613, %mul3A_618 : vector<1x300xi32>
    %add3A_620 = arith.addi %mul3A_616, %mul3A_619 : vector<1x300xi32>
    %add3A_621 = arith.addi %add3A_620, %min3A_603 : vector<1x300xi32>
    %mul3A_622 = arith.constant 128 : i32
    %mul3A_623 = vector.broadcast %mul3A_622 : i32 to vector<1x300xi32>
    %mul3A_624 = arith.muli %add3A_621, %mul3A_623 : vector<1x300xi32>
    %add3A_625 = arith.addi %mul3A_624, %convert_element_type3A_7 : vector<1x300xi32>
    %and3A_626 = arith.andi %and3A_475, %lt3A_408 : vector<1x300xi1>
    %convert_element_type3A_627 = arith.extui %and3A_626 : vector<1x300xi1> to vector<1x300xi32>
    %convert_element_type3A_628 = arith.sitofp %convert_element_type3A_627 : vector<1x300xi32> to vector<1x300xf32>
    %and3A_629 = arith.andi %and3A_475, %lt3A_426 : vector<1x300xi1>
    %convert_element_type3A_630 = arith.extui %and3A_629 : vector<1x300xi1> to vector<1x300xi32>
    %convert_element_type3A_631 = arith.sitofp %convert_element_type3A_630 : vector<1x300xi32> to vector<1x300xf32>
    %and3A_632 = arith.andi %and3A_475, %lt3A_444 : vector<1x300xi1>
    %convert_element_type3A_633 = arith.extui %and3A_632 : vector<1x300xi1> to vector<1x300xi32>
    %convert_element_type3A_634 = arith.sitofp %convert_element_type3A_633 : vector<1x300xi32> to vector<1x300xf32>
    %sub3A_635 = arith.constant 0.000000e+00 : f32
    %sub3A_636 = vector.broadcast %sub3A_635 : f32 to vector<1x300xf32>
    %sub3A_637 = arith.subf %mul3A_381, %sub3A_636 : vector<1x300xf32>
    %convert_element_type3A_638 = arith.fptosi %sub3A_637 : vector<1x300xf32> to vector<1x300xi32>
    %jit3A_639 = arith.constant 0 : i32
    %jit3A_640 = arith.constant 39 : i32
    %max3A_641 = vector.broadcast %jit3A_639 : i32 to vector<1x300xi32>
    %max3A_642 = arith.maxsi %max3A_641, %convert_element_type3A_638 : vector<1x300xi32>
    %min3A_643 = vector.broadcast %jit3A_640 : i32 to vector<1x300xi32>
    %min3A_644 = arith.minsi %min3A_643, %max3A_642 : vector<1x300xi32>
    %sub3A_645 = arith.constant 5.000000e-01 : f32
    %sub3A_646 = vector.broadcast %sub3A_645 : f32 to vector<1x300xf32>
    %sub3A_647 = arith.subf %mul3A_384, %sub3A_646 : vector<1x300xf32>
    %convert_element_type3A_648 = arith.fptosi %sub3A_647 : vector<1x300xf32> to vector<1x300xi32>
    %jit3A_649 = arith.constant 0 : i32
    %jit3A_650 = arith.constant 39 : i32
    %max3A_651 = vector.broadcast %jit3A_649 : i32 to vector<1x300xi32>
    %max3A_652 = arith.maxsi %max3A_651, %convert_element_type3A_648 : vector<1x300xi32>
    %min3A_653 = vector.broadcast %jit3A_650 : i32 to vector<1x300xi32>
    %min3A_654 = arith.minsi %min3A_653, %max3A_652 : vector<1x300xi32>
    %mul3A_655 = arith.constant 1600 : i32
    %mul3A_656 = vector.broadcast %mul3A_655 : i32 to vector<1x300xi32>
    %mul3A_657 = arith.muli %convert_element_type3A, %mul3A_656 : vector<1x300xi32>
    %mul3A_658 = arith.constant 40 : i32
    %mul3A_659 = vector.broadcast %mul3A_658 : i32 to vector<1x300xi32>
    %mul3A_660 = arith.muli %min3A_654, %mul3A_659 : vector<1x300xi32>
    %add3A_661 = arith.addi %mul3A_657, %mul3A_660 : vector<1x300xi32>
    %add3A_662 = arith.addi %add3A_661, %min3A_644 : vector<1x300xi32>
    %mul3A_663 = arith.constant 128 : i32
    %mul3A_664 = vector.broadcast %mul3A_663 : i32 to vector<1x300xi32>
    %mul3A_665 = arith.muli %add3A_662, %mul3A_664 : vector<1x300xi32>
    %add3A_666 = arith.addi %mul3A_665, %convert_element_type3A_7 : vector<1x300xi32>
    %and3A_667 = arith.andi %and3A_500, %lt3A_408 : vector<1x300xi1>
    %convert_element_type3A_668 = arith.extui %and3A_667 : vector<1x300xi1> to vector<1x300xi32>
    %convert_element_type3A_669 = arith.sitofp %convert_element_type3A_668 : vector<1x300xi32> to vector<1x300xf32>
    %and3A_670 = arith.andi %and3A_500, %lt3A_426 : vector<1x300xi1>
    %convert_element_type3A_671 = arith.extui %and3A_670 : vector<1x300xi1> to vector<1x300xi32>
    %convert_element_type3A_672 = arith.sitofp %convert_element_type3A_671 : vector<1x300xi32> to vector<1x300xf32>
    %and3A_673 = arith.andi %and3A_500, %lt3A_444 : vector<1x300xi1>
    %convert_element_type3A_674 = arith.extui %and3A_673 : vector<1x300xi1> to vector<1x300xi32>
    %convert_element_type3A_675 = arith.sitofp %convert_element_type3A_674 : vector<1x300xi32> to vector<1x300xf32>
    %sub3A_676 = arith.constant -5.000000e-01 : f32
    %sub3A_677 = vector.broadcast %sub3A_676 : f32 to vector<1x300xf32>
    %sub3A_678 = arith.subf %mul3A_381, %sub3A_677 : vector<1x300xf32>
    %convert_element_type3A_679 = arith.fptosi %sub3A_678 : vector<1x300xf32> to vector<1x300xi32>
    %jit3A_680 = arith.constant 0 : i32
    %jit3A_681 = arith.constant 39 : i32
    %max3A_682 = vector.broadcast %jit3A_680 : i32 to vector<1x300xi32>
    %max3A_683 = arith.maxsi %max3A_682, %convert_element_type3A_679 : vector<1x300xi32>
    %min3A_684 = vector.broadcast %jit3A_681 : i32 to vector<1x300xi32>
    %min3A_685 = arith.minsi %min3A_684, %max3A_683 : vector<1x300xi32>
    %sub3A_686 = arith.constant 0.000000e+00 : f32
    %sub3A_687 = vector.broadcast %sub3A_686 : f32 to vector<1x300xf32>
    %sub3A_688 = arith.subf %mul3A_384, %sub3A_687 : vector<1x300xf32>
    %convert_element_type3A_689 = arith.fptosi %sub3A_688 : vector<1x300xf32> to vector<1x300xi32>
    %jit3A_690 = arith.constant 0 : i32
    %jit3A_691 = arith.constant 39 : i32
    %max3A_692 = vector.broadcast %jit3A_690 : i32 to vector<1x300xi32>
    %max3A_693 = arith.maxsi %max3A_692, %convert_element_type3A_689 : vector<1x300xi32>
    %min3A_694 = vector.broadcast %jit3A_691 : i32 to vector<1x300xi32>
    %min3A_695 = arith.minsi %min3A_694, %max3A_693 : vector<1x300xi32>
    %mul3A_696 = arith.constant 1600 : i32
    %mul3A_697 = vector.broadcast %mul3A_696 : i32 to vector<1x300xi32>
    %mul3A_698 = arith.muli %convert_element_type3A, %mul3A_697 : vector<1x300xi32>
    %mul3A_699 = arith.constant 40 : i32
    %mul3A_700 = vector.broadcast %mul3A_699 : i32 to vector<1x300xi32>
    %mul3A_701 = arith.muli %min3A_695, %mul3A_700 : vector<1x300xi32>
    %add3A_702 = arith.addi %mul3A_698, %mul3A_701 : vector<1x300xi32>
    %add3A_703 = arith.addi %add3A_702, %min3A_685 : vector<1x300xi32>
    %mul3A_704 = arith.constant 128 : i32
    %mul3A_705 = vector.broadcast %mul3A_704 : i32 to vector<1x300xi32>
    %mul3A_706 = arith.muli %add3A_703, %mul3A_705 : vector<1x300xi32>
    %add3A_707 = arith.addi %mul3A_706, %convert_element_type3A_7 : vector<1x300xi32>
    %and3A_708 = arith.andi %and3A_525, %lt3A_408 : vector<1x300xi1>
    %convert_element_type3A_709 = arith.extui %and3A_708 : vector<1x300xi1> to vector<1x300xi32>
    %convert_element_type3A_710 = arith.sitofp %convert_element_type3A_709 : vector<1x300xi32> to vector<1x300xf32>
    %and3A_711 = arith.andi %and3A_525, %lt3A_426 : vector<1x300xi1>
    %convert_element_type3A_712 = arith.extui %and3A_711 : vector<1x300xi1> to vector<1x300xi32>
    %convert_element_type3A_713 = arith.sitofp %convert_element_type3A_712 : vector<1x300xi32> to vector<1x300xf32>
    %and3A_714 = arith.andi %and3A_525, %lt3A_444 : vector<1x300xi1>
    %convert_element_type3A_715 = arith.extui %and3A_714 : vector<1x300xi1> to vector<1x300xi32>
    %convert_element_type3A_716 = arith.sitofp %convert_element_type3A_715 : vector<1x300xi32> to vector<1x300xf32>
    %sub3A_717 = arith.constant 0.000000e+00 : f32
    %sub3A_718 = vector.broadcast %sub3A_717 : f32 to vector<1x300xf32>
    %sub3A_719 = arith.subf %mul3A_381, %sub3A_718 : vector<1x300xf32>
    %convert_element_type3A_720 = arith.fptosi %sub3A_719 : vector<1x300xf32> to vector<1x300xi32>
    %jit3A_721 = arith.constant 0 : i32
    %jit3A_722 = arith.constant 39 : i32
    %max3A_723 = vector.broadcast %jit3A_721 : i32 to vector<1x300xi32>
    %max3A_724 = arith.maxsi %max3A_723, %convert_element_type3A_720 : vector<1x300xi32>
    %min3A_725 = vector.broadcast %jit3A_722 : i32 to vector<1x300xi32>
    %min3A_726 = arith.minsi %min3A_725, %max3A_724 : vector<1x300xi32>
    %sub3A_727 = arith.constant -5.000000e-01 : f32
    %sub3A_728 = vector.broadcast %sub3A_727 : f32 to vector<1x300xf32>
    %sub3A_729 = arith.subf %mul3A_384, %sub3A_728 : vector<1x300xf32>
    %convert_element_type3A_730 = arith.fptosi %sub3A_729 : vector<1x300xf32> to vector<1x300xi32>
    %jit3A_731 = arith.constant 0 : i32
    %jit3A_732 = arith.constant 39 : i32
    %max3A_733 = vector.broadcast %jit3A_731 : i32 to vector<1x300xi32>
    %max3A_734 = arith.maxsi %max3A_733, %convert_element_type3A_730 : vector<1x300xi32>
    %min3A_735 = vector.broadcast %jit3A_732 : i32 to vector<1x300xi32>
    %min3A_736 = arith.minsi %min3A_735, %max3A_734 : vector<1x300xi32>
    %mul3A_737 = arith.constant 1600 : i32
    %mul3A_738 = vector.broadcast %mul3A_737 : i32 to vector<1x300xi32>
    %mul3A_739 = arith.muli %convert_element_type3A, %mul3A_738 : vector<1x300xi32>
    %mul3A_740 = arith.constant 40 : i32
    %mul3A_741 = vector.broadcast %mul3A_740 : i32 to vector<1x300xi32>
    %mul3A_742 = arith.muli %min3A_736, %mul3A_741 : vector<1x300xi32>
    %add3A_743 = arith.addi %mul3A_739, %mul3A_742 : vector<1x300xi32>
    %add3A_744 = arith.addi %add3A_743, %min3A_726 : vector<1x300xi32>
    %mul3A_745 = arith.constant 128 : i32
    %mul3A_746 = vector.broadcast %mul3A_745 : i32 to vector<1x300xi32>
    %mul3A_747 = arith.muli %add3A_744, %mul3A_746 : vector<1x300xi32>
    %add3A_748 = arith.addi %mul3A_747, %convert_element_type3A_7 : vector<1x300xi32>
    %and3A_749 = arith.andi %and3A_550, %lt3A_408 : vector<1x300xi1>
    %convert_element_type3A_750 = arith.extui %and3A_749 : vector<1x300xi1> to vector<1x300xi32>
    %convert_element_type3A_751 = arith.sitofp %convert_element_type3A_750 : vector<1x300xi32> to vector<1x300xf32>
    %and3A_752 = arith.andi %and3A_550, %lt3A_426 : vector<1x300xi1>
    %convert_element_type3A_753 = arith.extui %and3A_752 : vector<1x300xi1> to vector<1x300xi32>
    %convert_element_type3A_754 = arith.sitofp %convert_element_type3A_753 : vector<1x300xi32> to vector<1x300xf32>
    %and3A_755 = arith.andi %and3A_550, %lt3A_444 : vector<1x300xi1>
    %convert_element_type3A_756 = arith.extui %and3A_755 : vector<1x300xi1> to vector<1x300xi32>
    %convert_element_type3A_757 = arith.sitofp %convert_element_type3A_756 : vector<1x300xi32> to vector<1x300xf32>
    %concatenate3A_758 = tpu.concatenate %add3A_584, %add3A_584, %add3A_584, %add3A_625, %add3A_625, %add3A_625, %add3A_666, %add3A_666, %add3A_666, %add3A_707, %add3A_707, %add3A_707, %add3A_748, %add3A_748, %add3A_748 in 0 : vector<1x300xi32>, vector<1x300xi32>, vector<1x300xi32>, vector<1x300xi32>, vector<1x300xi32>, vector<1x300xi32>, vector<1x300xi32>, vector<1x300xi32>, vector<1x300xi32>, vector<1x300xi32>, vector<1x300xi32>, vector<1x300xi32>, vector<1x300xi32>, vector<1x300xi32>, vector<1x300xi32> -> vector<15x300xi32>
    %swap3A_759 = arith.constant 0 : index
    %swap3A_760 = arith.constant 0 : index
    %swap3A_761 = vector.load %arg3[%swap3A_759, %swap3A_760] : memref<15x300xi32, #tpu.memory_space<vmem>>, vector<15x300xi32>
    tpu.vector_store %arg3[%swap3A_759, %swap3A_760], %concatenate3A_758 {strides = array<i32>} : memref<15x300xi32, #tpu.memory_space<vmem>>, vector<15x300xi32>,
    %concatenate3A_762 = tpu.concatenate %convert_element_type3A_587, %convert_element_type3A_590, %convert_element_type3A_593, %convert_element_type3A_628, %convert_element_type3A_631, %convert_element_type3A_634, %convert_element_type3A_669, %convert_element_type3A_672, %convert_element_type3A_675, %convert_element_type3A_710, %convert_element_type3A_713, %convert_element_type3A_716, %convert_element_type3A_751, %convert_element_type3A_754, %convert_element_type3A_757 in 0 : vector<1x300xf32>, vector<1x300xf32>, vector<1x300xf32>, vector<1x300xf32>, vector<1x300xf32>, vector<1x300xf32>, vector<1x300xf32>, vector<1x300xf32>, vector<1x300xf32>, vector<1x300xf32>, vector<1x300xf32>, vector<1x300xf32>, vector<1x300xf32>, vector<1x300xf32>, vector<1x300xf32> -> vector<15x300xf32>
    %swap3A_763 = arith.constant 0 : index
    %swap3A_764 = arith.constant 0 : index
    %swap3A_765 = vector.load %arg4[%swap3A_763, %swap3A_764] : memref<15x300xf32, #tpu.memory_space<vmem>>, vector<15x300xf32>
    tpu.vector_store %arg4[%swap3A_763, %swap3A_764], %concatenate3A_762 {strides = array<i32>} : memref<15x300xf32, #tpu.memory_space<vmem>>, vector<15x300xf32>,
    %mul3A_766 = arith.constant 2.000000e+01 : f32
    %mul3A_767 = vector.broadcast %mul3A_766 : f32 to vector<1x300xf32>
    %mul3A_768 = arith.mulf %slice3A_3, %mul3A_767 : vector<1x300xf32>
    %mul3A_769 = arith.constant 2.000000e+01 : f32
    %mul3A_770 = vector.broadcast %mul3A_769 : f32 to vector<1x300xf32>
    %mul3A_771 = arith.mulf %slice3A_4, %mul3A_770 : vector<1x300xf32>
    %mul3A_772 = arith.constant 2.000000e+01 : f32
    %mul3A_773 = vector.broadcast %mul3A_772 : f32 to vector<1x300xf32>
    %mul3A_774 = arith.mulf %slice3A_5, %mul3A_773 : vector<1x300xf32>
    %mul3A_775 = arith.constant 2.000000e+01 : f32
    %mul3A_776 = vector.broadcast %mul3A_775 : f32 to vector<1x300xf32>
    %mul3A_777 = arith.mulf %slice3A_6, %mul3A_776 : vector<1x300xf32>
    %div3A_778 = arith.constant 1.160000e+02 : f32
    %div3A_779 = vector.broadcast %div3A_778 : f32 to vector<1x300xf32>
    %div3A_780 = arith.divf %mul3A_774, %div3A_779 : vector<1x300xf32>
    %div3A_781 = arith.constant 9.000000e+01 : f32
    %div3A_782 = vector.broadcast %div3A_781 : f32 to vector<1x300xf32>
    %div3A_783 = arith.divf %mul3A_777, %div3A_782 : vector<1x300xf32>
    %div3A_784 = arith.constant 1.000000e+00 : f32
    %div3A_785 = vector.broadcast %div3A_784 : f32 to vector<1x300xf32>
    %div3A_786 = arith.divf %div3A_785, %div3A_780 : vector<1x300xf32>
    %max3A_787 = arith.maximumf %div3A_780, %div3A_786 : vector<1x300xf32>
    %div3A_788 = arith.constant 1.000000e+00 : f32
    %div3A_789 = vector.broadcast %div3A_788 : f32 to vector<1x300xf32>
    %div3A_790 = arith.divf %div3A_789, %div3A_783 : vector<1x300xf32>
    %max3A_791 = arith.maximumf %div3A_783, %div3A_790 : vector<1x300xf32>
    %max3A_792 = arith.maximumf %max3A_787, %max3A_791 : vector<1x300xf32>
    %lt3A_793 = arith.constant 4.000000e+00 : f32
    %lt3A_794 = vector.broadcast %lt3A_793 : f32 to vector<1x300xf32>
    %lt3A_795 = arith.cmpf olt, %max3A_792, %lt3A_794 : vector<1x300xf32>
    %div3A_796 = arith.constant 1.560000e+02 : f32
    %div3A_797 = vector.broadcast %div3A_796 : f32 to vector<1x300xf32>
    %div3A_798 = arith.divf %mul3A_774, %div3A_797 : vector<1x300xf32>
    %div3A_799 = arith.constant 1.980000e+02 : f32
    %div3A_800 = vector.broadcast %div3A_799 : f32 to vector<1x300xf32>
    %div3A_801 = arith.divf %mul3A_777, %div3A_800 : vector<1x300xf32>
    %div3A_802 = arith.constant 1.000000e+00 : f32
    %div3A_803 = vector.broadcast %div3A_802 : f32 to vector<1x300xf32>
    %div3A_804 = arith.divf %div3A_803, %div3A_798 : vector<1x300xf32>
    %max3A_805 = arith.maximumf %div3A_798, %div3A_804 : vector<1x300xf32>
    %div3A_806 = arith.constant 1.000000e+00 : f32
    %div3A_807 = vector.broadcast %div3A_806 : f32 to vector<1x300xf32>
    %div3A_808 = arith.divf %div3A_807, %div3A_801 : vector<1x300xf32>
    %max3A_809 = arith.maximumf %div3A_801, %div3A_808 : vector<1x300xf32>
    %max3A_810 = arith.maximumf %max3A_805, %max3A_809 : vector<1x300xf32>
    %lt3A_811 = arith.constant 4.000000e+00 : f32
    %lt3A_812 = vector.broadcast %lt3A_811 : f32 to vector<1x300xf32>
    %lt3A_813 = arith.cmpf olt, %max3A_810, %lt3A_812 : vector<1x300xf32>
    %div3A_814 = arith.constant 3.730000e+02 : f32
    %div3A_815 = vector.broadcast %div3A_814 : f32 to vector<1x300xf32>
    %div3A_816 = arith.divf %mul3A_774, %div3A_815 : vector<1x300xf32>
    %div3A_817 = arith.constant 3.260000e+02 : f32
    %div3A_818 = vector.broadcast %div3A_817 : f32 to vector<1x300xf32>
    %div3A_819 = arith.divf %mul3A_777, %div3A_818 : vector<1x300xf32>
    %div3A_820 = arith.constant 1.000000e+00 : f32
    %div3A_821 = vector.broadcast %div3A_820 : f32 to vector<1x300xf32>
    %div3A_822 = arith.divf %div3A_821, %div3A_816 : vector<1x300xf32>
    %max3A_823 = arith.maximumf %div3A_816, %div3A_822 : vector<1x300xf32>
    %div3A_824 = arith.constant 1.000000e+00 : f32
    %div3A_825 = vector.broadcast %div3A_824 : f32 to vector<1x300xf32>
    %div3A_826 = arith.divf %div3A_825, %div3A_819 : vector<1x300xf32>
    %max3A_827 = arith.maximumf %div3A_819, %div3A_826 : vector<1x300xf32>
    %max3A_828 = arith.maximumf %max3A_823, %max3A_827 : vector<1x300xf32>
    %lt3A_829 = arith.constant 4.000000e+00 : f32
    %lt3A_830 = vector.broadcast %lt3A_829 : f32 to vector<1x300xf32>
    %lt3A_831 = arith.cmpf olt, %max3A_828, %lt3A_830 : vector<1x300xf32>
    %sub3A_832 = arith.constant 2.000000e+01 : f32
    %sub3A_833 = vector.broadcast %sub3A_832 : f32 to vector<1x300xf32>
    %sub3A_834 = arith.subf %sub3A_833, %mul3A_768 : vector<1x300xf32>
    %sub3A_835 = arith.constant 2.000000e+01 : f32
    %sub3A_836 = vector.broadcast %sub3A_835 : f32 to vector<1x300xf32>
    %sub3A_837 = arith.subf %sub3A_836, %mul3A_771 : vector<1x300xf32>
    %jit3A_838 = arith.constant 1.000000e+00 : f32
    %rem3A_839 = vector.broadcast %jit3A_838 : f32 to vector<1x300xf32>
    %rem3A_840 = arith.remf %mul3A_768, %rem3A_839 : vector<1x300xf32>
    %ne3A_841 = arith.constant 0.000000e+00 : f32
    %ne3A_842 = vector.broadcast %ne3A_841 : f32 to vector<1x300xf32>
    %ne3A_843 = arith.cmpf one, %rem3A_840, %ne3A_842 : vector<1x300xf32>
    %lt3A_844 = arith.constant 0.000000e+00 : f32
    %lt3A_845 = vector.broadcast %lt3A_844 : f32 to vector<1x300xf32>
    %lt3A_846 = arith.cmpf olt, %rem3A_840, %lt3A_845 : vector<1x300xf32>
    %lt3A_847 = arith.constant 0.000000e+00 : f32
    %lt3A_848 = arith.cmpf olt, %jit3A_838, %lt3A_847 : f32
    %ne3A_849 = vector.broadcast %lt3A_848 : i1 to vector<1x300xi1>
    %ne3A_850 = vector.broadcast %ne3A_849 : vector<1x300xi1> to vector<1x300xi1>
    %ne3A_851 = arith.xori %lt3A_846, %ne3A_850 : vector<1x300xi1>
    %and3A_852 = arith.andi %ne3A_851, %ne3A_843 : vector<1x300xi1>
    %add3A_853 = vector.broadcast %jit3A_838 : f32 to vector<1x300xf32>
    %add3A_854 = arith.addf %rem3A_840, %add3A_853 : vector<1x300xf32>
    %select_n3A_855 = arith.select %and3A_852, %add3A_854, %rem3A_840 : vector<1x300xi1>, vector<1x300xf32>
    %lt3A_856 = arith.constant 5.000000e-01 : f32
    %lt3A_857 = vector.broadcast %lt3A_856 : f32 to vector<1x300xf32>
    %lt3A_858 = arith.cmpf olt, %select_n3A_855, %lt3A_857 : vector<1x300xf32>
    %gt3A_859 = arith.constant 1.000000e+00 : f32
    %gt3A_860 = vector.broadcast %gt3A_859 : f32 to vector<1x300xf32>
    %gt3A_861 = arith.cmpf ogt, %mul3A_768, %gt3A_860 : vector<1x300xf32>
    %and3A_862 = arith.andi %lt3A_858, %gt3A_861 : vector<1x300xi1>
    %jit3A_863 = arith.constant 1.000000e+00 : f32
    %rem3A_864 = vector.broadcast %jit3A_863 : f32 to vector<1x300xf32>
    %rem3A_865 = arith.remf %mul3A_771, %rem3A_864 : vector<1x300xf32>
    %ne3A_866 = arith.constant 0.000000e+00 : f32
    %ne3A_867 = vector.broadcast %ne3A_866 : f32 to vector<1x300xf32>
    %ne3A_868 = arith.cmpf one, %rem3A_865, %ne3A_867 : vector<1x300xf32>
    %lt3A_869 = arith.constant 0.000000e+00 : f32
    %lt3A_870 = vector.broadcast %lt3A_869 : f32 to vector<1x300xf32>
    %lt3A_871 = arith.cmpf olt, %rem3A_865, %lt3A_870 : vector<1x300xf32>
    %lt3A_872 = arith.constant 0.000000e+00 : f32
    %lt3A_873 = arith.cmpf olt, %jit3A_863, %lt3A_872 : f32
    %ne3A_874 = vector.broadcast %lt3A_873 : i1 to vector<1x300xi1>
    %ne3A_875 = vector.broadcast %ne3A_874 : vector<1x300xi1> to vector<1x300xi1>
    %ne3A_876 = arith.xori %lt3A_871, %ne3A_875 : vector<1x300xi1>
    %and3A_877 = arith.andi %ne3A_876, %ne3A_868 : vector<1x300xi1>
    %add3A_878 = vector.broadcast %jit3A_863 : f32 to vector<1x300xf32>
    %add3A_879 = arith.addf %rem3A_865, %add3A_878 : vector<1x300xf32>
    %select_n3A_880 = arith.select %and3A_877, %add3A_879, %rem3A_865 : vector<1x300xi1>, vector<1x300xf32>
    %lt3A_881 = arith.constant 5.000000e-01 : f32
    %lt3A_882 = vector.broadcast %lt3A_881 : f32 to vector<1x300xf32>
    %lt3A_883 = arith.cmpf olt, %select_n3A_880, %lt3A_882 : vector<1x300xf32>
    %gt3A_884 = arith.constant 1.000000e+00 : f32
    %gt3A_885 = vector.broadcast %gt3A_884 : f32 to vector<1x300xf32>
    %gt3A_886 = arith.cmpf ogt, %mul3A_771, %gt3A_885 : vector<1x300xf32>
    %and3A_887 = arith.andi %lt3A_883, %gt3A_886 : vector<1x300xi1>
    %jit3A_888 = arith.constant 1.000000e+00 : f32
    %rem3A_889 = vector.broadcast %jit3A_888 : f32 to vector<1x300xf32>
    %rem3A_890 = arith.remf %sub3A_834, %rem3A_889 : vector<1x300xf32>
    %ne3A_891 = arith.constant 0.000000e+00 : f32
    %ne3A_892 = vector.broadcast %ne3A_891 : f32 to vector<1x300xf32>
    %ne3A_893 = arith.cmpf one, %rem3A_890, %ne3A_892 : vector<1x300xf32>
    %lt3A_894 = arith.constant 0.000000e+00 : f32
    %lt3A_895 = vector.broadcast %lt3A_894 : f32 to vector<1x300xf32>
    %lt3A_896 = arith.cmpf olt, %rem3A_890, %lt3A_895 : vector<1x300xf32>
    %lt3A_897 = arith.constant 0.000000e+00 : f32
    %lt3A_898 = arith.cmpf olt, %jit3A_888, %lt3A_897 : f32
    %ne3A_899 = vector.broadcast %lt3A_898 : i1 to vector<1x300xi1>
    %ne3A_900 = vector.broadcast %ne3A_899 : vector<1x300xi1> to vector<1x300xi1>
    %ne3A_901 = arith.xori %lt3A_896, %ne3A_900 : vector<1x300xi1>
    %and3A_902 = arith.andi %ne3A_901, %ne3A_893 : vector<1x300xi1>
    %add3A_903 = vector.broadcast %jit3A_888 : f32 to vector<1x300xf32>
    %add3A_904 = arith.addf %rem3A_890, %add3A_903 : vector<1x300xf32>
    %select_n3A_905 = arith.select %and3A_902, %add3A_904, %rem3A_890 : vector<1x300xi1>, vector<1x300xf32>
    %lt3A_906 = arith.constant 5.000000e-01 : f32
    %lt3A_907 = vector.broadcast %lt3A_906 : f32 to vector<1x300xf32>
    %lt3A_908 = arith.cmpf olt, %select_n3A_905, %lt3A_907 : vector<1x300xf32>
    %gt3A_909 = arith.constant 1.000000e+00 : f32
    %gt3A_910 = vector.broadcast %gt3A_909 : f32 to vector<1x300xf32>
    %gt3A_911 = arith.cmpf ogt, %sub3A_834, %gt3A_910 : vector<1x300xf32>
    %and3A_912 = arith.andi %lt3A_908, %gt3A_911 : vector<1x300xi1>
    %jit3A_913 = arith.constant 1.000000e+00 : f32
    %rem3A_914 = vector.broadcast %jit3A_913 : f32 to vector<1x300xf32>
    %rem3A_915 = arith.remf %sub3A_837, %rem3A_914 : vector<1x300xf32>
    %ne3A_916 = arith.constant 0.000000e+00 : f32
    %ne3A_917 = vector.broadcast %ne3A_916 : f32 to vector<1x300xf32>
    %ne3A_918 = arith.cmpf one, %rem3A_915, %ne3A_917 : vector<1x300xf32>
    %lt3A_919 = arith.constant 0.000000e+00 : f32
    %lt3A_920 = vector.broadcast %lt3A_919 : f32 to vector<1x300xf32>
    %lt3A_921 = arith.cmpf olt, %rem3A_915, %lt3A_920 : vector<1x300xf32>
    %lt3A_922 = arith.constant 0.000000e+00 : f32
    %lt3A_923 = arith.cmpf olt, %jit3A_913, %lt3A_922 : f32
    %ne3A_924 = vector.broadcast %lt3A_923 : i1 to vector<1x300xi1>
    %ne3A_925 = vector.broadcast %ne3A_924 : vector<1x300xi1> to vector<1x300xi1>
    %ne3A_926 = arith.xori %lt3A_921, %ne3A_925 : vector<1x300xi1>
    %and3A_927 = arith.andi %ne3A_926, %ne3A_918 : vector<1x300xi1>
    %add3A_928 = vector.broadcast %jit3A_913 : f32 to vector<1x300xf32>
    %add3A_929 = arith.addf %rem3A_915, %add3A_928 : vector<1x300xf32>
    %select_n3A_930 = arith.select %and3A_927, %add3A_929, %rem3A_915 : vector<1x300xi1>, vector<1x300xf32>
    %lt3A_931 = arith.constant 5.000000e-01 : f32
    %lt3A_932 = vector.broadcast %lt3A_931 : f32 to vector<1x300xf32>
    %lt3A_933 = arith.cmpf olt, %select_n3A_930, %lt3A_932 : vector<1x300xf32>
    %gt3A_934 = arith.constant 1.000000e+00 : f32
    %gt3A_935 = vector.broadcast %gt3A_934 : f32 to vector<1x300xf32>
    %gt3A_936 = arith.cmpf ogt, %sub3A_837, %gt3A_935 : vector<1x300xf32>
    %and3A_937 = arith.andi %lt3A_933, %gt3A_936 : vector<1x300xi1>
    %broadcast_in_dim3A_938 = arith.constant true
    %broadcast_in_dim3A_939 = vector.broadcast %broadcast_in_dim3A_938 : i1 to vector<1x300xi1>
    %sub3A_940 = arith.constant 0.000000e+00 : f32
    %sub3A_941 = vector.broadcast %sub3A_940 : f32 to vector<1x300xf32>
    %sub3A_942 = arith.subf %mul3A_768, %sub3A_941 : vector<1x300xf32>
    %convert_element_type3A_943 = arith.fptosi %sub3A_942 : vector<1x300xf32> to vector<1x300xi32>
    %jit3A_944 = arith.constant 0 : i32
    %jit3A_945 = arith.constant 19 : i32
    %max3A_946 = vector.broadcast %jit3A_944 : i32 to vector<1x300xi32>
    %max3A_947 = arith.maxsi %max3A_946, %convert_element_type3A_943 : vector<1x300xi32>
    %min3A_948 = vector.broadcast %jit3A_945 : i32 to vector<1x300xi32>
    %min3A_949 = arith.minsi %min3A_948, %max3A_947 : vector<1x300xi32>
    %sub3A_950 = arith.constant 0.000000e+00 : f32
    %sub3A_951 = vector.broadcast %sub3A_950 : f32 to vector<1x300xf32>
    %sub3A_952 = arith.subf %mul3A_771, %sub3A_951 : vector<1x300xf32>
    %convert_element_type3A_953 = arith.fptosi %sub3A_952 : vector<1x300xf32> to vector<1x300xi32>
    %jit3A_954 = arith.constant 0 : i32
    %jit3A_955 = arith.constant 19 : i32
    %max3A_956 = vector.broadcast %jit3A_954 : i32 to vector<1x300xi32>
    %max3A_957 = arith.maxsi %max3A_956, %convert_element_type3A_953 : vector<1x300xi32>
    %min3A_958 = vector.broadcast %jit3A_955 : i32 to vector<1x300xi32>
    %min3A_959 = arith.minsi %min3A_958, %max3A_957 : vector<1x300xi32>
    %mul3A_960 = arith.constant 400 : i32
    %mul3A_961 = vector.broadcast %mul3A_960 : i32 to vector<1x300xi32>
    %mul3A_962 = arith.muli %convert_element_type3A, %mul3A_961 : vector<1x300xi32>
    %mul3A_963 = arith.constant 20 : i32
    %mul3A_964 = vector.broadcast %mul3A_963 : i32 to vector<1x300xi32>
    %mul3A_965 = arith.muli %min3A_959, %mul3A_964 : vector<1x300xi32>
    %add3A_966 = arith.addi %mul3A_962, %mul3A_965 : vector<1x300xi32>
    %add3A_967 = arith.addi %add3A_966, %min3A_949 : vector<1x300xi32>
    %mul3A_968 = arith.constant 128 : i32
    %mul3A_969 = vector.broadcast %mul3A_968 : i32 to vector<1x300xi32>
    %mul3A_970 = arith.muli %add3A_967, %mul3A_969 : vector<1x300xi32>
    %add3A_971 = arith.addi %mul3A_970, %convert_element_type3A_7 : vector<1x300xi32>
    %and3A_972 = arith.andi %broadcast_in_dim3A_939, %lt3A_795 : vector<1x300xi1>
    %convert_element_type3A_973 = arith.extui %and3A_972 : vector<1x300xi1> to vector<1x300xi32>
    %convert_element_type3A_974 = arith.sitofp %convert_element_type3A_973 : vector<1x300xi32> to vector<1x300xf32>
    %and3A_975 = arith.andi %broadcast_in_dim3A_939, %lt3A_813 : vector<1x300xi1>
    %convert_element_type3A_976 = arith.extui %and3A_975 : vector<1x300xi1> to vector<1x300xi32>
    %convert_element_type3A_977 = arith.sitofp %convert_element_type3A_976 : vector<1x300xi32> to vector<1x300xf32>
    %and3A_978 = arith.andi %broadcast_in_dim3A_939, %lt3A_831 : vector<1x300xi1>
    %convert_element_type3A_979 = arith.extui %and3A_978 : vector<1x300xi1> to vector<1x300xi32>
    %convert_element_type3A_980 = arith.sitofp %convert_element_type3A_979 : vector<1x300xi32> to vector<1x300xf32>
    %sub3A_981 = arith.constant 5.000000e-01 : f32
    %sub3A_982 = vector.broadcast %sub3A_981 : f32 to vector<1x300xf32>
    %sub3A_983 = arith.subf %mul3A_768, %sub3A_982 : vector<1x300xf32>
    %convert_element_type3A_984 = arith.fptosi %sub3A_983 : vector<1x300xf32> to vector<1x300xi32>
    %jit3A_985 = arith.constant 0 : i32
    %jit3A_986 = arith.constant 19 : i32
    %max3A_987 = vector.broadcast %jit3A_985 : i32 to vector<1x300xi32>
    %max3A_988 = arith.maxsi %max3A_987, %convert_element_type3A_984 : vector<1x300xi32>
    %min3A_989 = vector.broadcast %jit3A_986 : i32 to vector<1x300xi32>
    %min3A_990 = arith.minsi %min3A_989, %max3A_988 : vector<1x300xi32>
    %sub3A_991 = arith.constant 0.000000e+00 : f32
    %sub3A_992 = vector.broadcast %sub3A_991 : f32 to vector<1x300xf32>
    %sub3A_993 = arith.subf %mul3A_771, %sub3A_992 : vector<1x300xf32>
    %convert_element_type3A_994 = arith.fptosi %sub3A_993 : vector<1x300xf32> to vector<1x300xi32>
    %jit3A_995 = arith.constant 0 : i32
    %jit3A_996 = arith.constant 19 : i32
    %max3A_997 = vector.broadcast %jit3A_995 : i32 to vector<1x300xi32>
    %max3A_998 = arith.maxsi %max3A_997, %convert_element_type3A_994 : vector<1x300xi32>
    %min3A_999 = vector.broadcast %jit3A_996 : i32 to vector<1x300xi32>
    %min3A_1000 = arith.minsi %min3A_999, %max3A_998 : vector<1x300xi32>
    %mul3A_1001 = arith.constant 400 : i32
    %mul3A_1002 = vector.broadcast %mul3A_1001 : i32 to vector<1x300xi32>
    %mul3A_1003 = arith.muli %convert_element_type3A, %mul3A_1002 : vector<1x300xi32>
    %mul3A_1004 = arith.constant 20 : i32
    %mul3A_1005 = vector.broadcast %mul3A_1004 : i32 to vector<1x300xi32>
    %mul3A_1006 = arith.muli %min3A_1000, %mul3A_1005 : vector<1x300xi32>
    %add3A_1007 = arith.addi %mul3A_1003, %mul3A_1006 : vector<1x300xi32>
    %add3A_1008 = arith.addi %add3A_1007, %min3A_990 : vector<1x300xi32>
    %mul3A_1009 = arith.constant 128 : i32
    %mul3A_1010 = vector.broadcast %mul3A_1009 : i32 to vector<1x300xi32>
    %mul3A_1011 = arith.muli %add3A_1008, %mul3A_1010 : vector<1x300xi32>
    %add3A_1012 = arith.addi %mul3A_1011, %convert_element_type3A_7 : vector<1x300xi32>
    %and3A_1013 = arith.andi %and3A_862, %lt3A_795 : vector<1x300xi1>
    %convert_element_type3A_1014 = arith.extui %and3A_1013 : vector<1x300xi1> to vector<1x300xi32>
    %convert_element_type3A_1015 = arith.sitofp %convert_element_type3A_1014 : vector<1x300xi32> to vector<1x300xf32>
    %and3A_1016 = arith.andi %and3A_862, %lt3A_813 : vector<1x300xi1>
    %convert_element_type3A_1017 = arith.extui %and3A_1016 : vector<1x300xi1> to vector<1x300xi32>
    %convert_element_type3A_1018 = arith.sitofp %convert_element_type3A_1017 : vector<1x300xi32> to vector<1x300xf32>
    %and3A_1019 = arith.andi %and3A_862, %lt3A_831 : vector<1x300xi1>
    %convert_element_type3A_1020 = arith.extui %and3A_1019 : vector<1x300xi1> to vector<1x300xi32>
    %convert_element_type3A_1021 = arith.sitofp %convert_element_type3A_1020 : vector<1x300xi32> to vector<1x300xf32>
    %sub3A_1022 = arith.constant 0.000000e+00 : f32
    %sub3A_1023 = vector.broadcast %sub3A_1022 : f32 to vector<1x300xf32>
    %sub3A_1024 = arith.subf %mul3A_768, %sub3A_1023 : vector<1x300xf32>
    %convert_element_type3A_1025 = arith.fptosi %sub3A_1024 : vector<1x300xf32> to vector<1x300xi32>
    %jit3A_1026 = arith.constant 0 : i32
    %jit3A_1027 = arith.constant 19 : i32
    %max3A_1028 = vector.broadcast %jit3A_1026 : i32 to vector<1x300xi32>
    %max3A_1029 = arith.maxsi %max3A_1028, %convert_element_type3A_1025 : vector<1x300xi32>
    %min3A_1030 = vector.broadcast %jit3A_1027 : i32 to vector<1x300xi32>
    %min3A_1031 = arith.minsi %min3A_1030, %max3A_1029 : vector<1x300xi32>
    %sub3A_1032 = arith.constant 5.000000e-01 : f32
    %sub3A_1033 = vector.broadcast %sub3A_1032 : f32 to vector<1x300xf32>
    %sub3A_1034 = arith.subf %mul3A_771, %sub3A_1033 : vector<1x300xf32>
    %convert_element_type3A_1035 = arith.fptosi %sub3A_1034 : vector<1x300xf32> to vector<1x300xi32>
    %jit3A_1036 = arith.constant 0 : i32
    %jit3A_1037 = arith.constant 19 : i32
    %max3A_1038 = vector.broadcast %jit3A_1036 : i32 to vector<1x300xi32>
    %max3A_1039 = arith.maxsi %max3A_1038, %convert_element_type3A_1035 : vector<1x300xi32>
    %min3A_1040 = vector.broadcast %jit3A_1037 : i32 to vector<1x300xi32>
    %min3A_1041 = arith.minsi %min3A_1040, %max3A_1039 : vector<1x300xi32>
    %mul3A_1042 = arith.constant 400 : i32
    %mul3A_1043 = vector.broadcast %mul3A_1042 : i32 to vector<1x300xi32>
    %mul3A_1044 = arith.muli %convert_element_type3A, %mul3A_1043 : vector<1x300xi32>
    %mul3A_1045 = arith.constant 20 : i32
    %mul3A_1046 = vector.broadcast %mul3A_1045 : i32 to vector<1x300xi32>
    %mul3A_1047 = arith.muli %min3A_1041, %mul3A_1046 : vector<1x300xi32>
    %add3A_1048 = arith.addi %mul3A_1044, %mul3A_1047 : vector<1x300xi32>
    %add3A_1049 = arith.addi %add3A_1048, %min3A_1031 : vector<1x300xi32>
    %mul3A_1050 = arith.constant 128 : i32
    %mul3A_1051 = vector.broadcast %mul3A_1050 : i32 to vector<1x300xi32>
    %mul3A_1052 = arith.muli %add3A_1049, %mul3A_1051 : vector<1x300xi32>
    %add3A_1053 = arith.addi %mul3A_1052, %convert_element_type3A_7 : vector<1x300xi32>
    %and3A_1054 = arith.andi %and3A_887, %lt3A_795 : vector<1x300xi1>
    %convert_element_type3A_1055 = arith.extui %and3A_1054 : vector<1x300xi1> to vector<1x300xi32>
    %convert_element_type3A_1056 = arith.sitofp %convert_element_type3A_1055 : vector<1x300xi32> to vector<1x300xf32>
    %and3A_1057 = arith.andi %and3A_887, %lt3A_813 : vector<1x300xi1>
    %convert_element_type3A_1058 = arith.extui %and3A_1057 : vector<1x300xi1> to vector<1x300xi32>
    %convert_element_type3A_1059 = arith.sitofp %convert_element_type3A_1058 : vector<1x300xi32> to vector<1x300xf32>
    %and3A_1060 = arith.andi %and3A_887, %lt3A_831 : vector<1x300xi1>
    %convert_element_type3A_1061 = arith.extui %and3A_1060 : vector<1x300xi1> to vector<1x300xi32>
    %convert_element_type3A_1062 = arith.sitofp %convert_element_type3A_1061 : vector<1x300xi32> to vector<1x300xf32>
    %sub3A_1063 = arith.constant -5.000000e-01 : f32
    %sub3A_1064 = vector.broadcast %sub3A_1063 : f32 to vector<1x300xf32>
    %sub3A_1065 = arith.subf %mul3A_768, %sub3A_1064 : vector<1x300xf32>
    %convert_element_type3A_1066 = arith.fptosi %sub3A_1065 : vector<1x300xf32> to vector<1x300xi32>
    %jit3A_1067 = arith.constant 0 : i32
    %jit3A_1068 = arith.constant 19 : i32
    %max3A_1069 = vector.broadcast %jit3A_1067 : i32 to vector<1x300xi32>
    %max3A_1070 = arith.maxsi %max3A_1069, %convert_element_type3A_1066 : vector<1x300xi32>
    %min3A_1071 = vector.broadcast %jit3A_1068 : i32 to vector<1x300xi32>
    %min3A_1072 = arith.minsi %min3A_1071, %max3A_1070 : vector<1x300xi32>
    %sub3A_1073 = arith.constant 0.000000e+00 : f32
    %sub3A_1074 = vector.broadcast %sub3A_1073 : f32 to vector<1x300xf32>
    %sub3A_1075 = arith.subf %mul3A_771, %sub3A_1074 : vector<1x300xf32>
    %convert_element_type3A_1076 = arith.fptosi %sub3A_1075 : vector<1x300xf32> to vector<1x300xi32>
    %jit3A_1077 = arith.constant 0 : i32
    %jit3A_1078 = arith.constant 19 : i32
    %max3A_1079 = vector.broadcast %jit3A_1077 : i32 to vector<1x300xi32>
    %max3A_1080 = arith.maxsi %max3A_1079, %convert_element_type3A_1076 : vector<1x300xi32>
    %min3A_1081 = vector.broadcast %jit3A_1078 : i32 to vector<1x300xi32>
    %min3A_1082 = arith.minsi %min3A_1081, %max3A_1080 : vector<1x300xi32>
    %mul3A_1083 = arith.constant 400 : i32
    %mul3A_1084 = vector.broadcast %mul3A_1083 : i32 to vector<1x300xi32>
    %mul3A_1085 = arith.muli %convert_element_type3A, %mul3A_1084 : vector<1x300xi32>
    %mul3A_1086 = arith.constant 20 : i32
    %mul3A_1087 = vector.broadcast %mul3A_1086 : i32 to vector<1x300xi32>
    %mul3A_1088 = arith.muli %min3A_1082, %mul3A_1087 : vector<1x300xi32>
    %add3A_1089 = arith.addi %mul3A_1085, %mul3A_1088 : vector<1x300xi32>
    %add3A_1090 = arith.addi %add3A_1089, %min3A_1072 : vector<1x300xi32>
    %mul3A_1091 = arith.constant 128 : i32
    %mul3A_1092 = vector.broadcast %mul3A_1091 : i32 to vector<1x300xi32>
    %mul3A_1093 = arith.muli %add3A_1090, %mul3A_1092 : vector<1x300xi32>
    %add3A_1094 = arith.addi %mul3A_1093, %convert_element_type3A_7 : vector<1x300xi32>
    %and3A_1095 = arith.andi %and3A_912, %lt3A_795 : vector<1x300xi1>
    %convert_element_type3A_1096 = arith.extui %and3A_1095 : vector<1x300xi1> to vector<1x300xi32>
    %convert_element_type3A_1097 = arith.sitofp %convert_element_type3A_1096 : vector<1x300xi32> to vector<1x300xf32>
    %and3A_1098 = arith.andi %and3A_912, %lt3A_813 : vector<1x300xi1>
    %convert_element_type3A_1099 = arith.extui %and3A_1098 : vector<1x300xi1> to vector<1x300xi32>
    %convert_element_type3A_1100 = arith.sitofp %convert_element_type3A_1099 : vector<1x300xi32> to vector<1x300xf32>
    %and3A_1101 = arith.andi %and3A_912, %lt3A_831 : vector<1x300xi1>
    %convert_element_type3A_1102 = arith.extui %and3A_1101 : vector<1x300xi1> to vector<1x300xi32>
    %convert_element_type3A_1103 = arith.sitofp %convert_element_type3A_1102 : vector<1x300xi32> to vector<1x300xf32>
    %sub3A_1104 = arith.constant 0.000000e+00 : f32
    %sub3A_1105 = vector.broadcast %sub3A_1104 : f32 to vector<1x300xf32>
    %sub3A_1106 = arith.subf %mul3A_768, %sub3A_1105 : vector<1x300xf32>
    %convert_element_type3A_1107 = arith.fptosi %sub3A_1106 : vector<1x300xf32> to vector<1x300xi32>
    %jit3A_1108 = arith.constant 0 : i32
    %jit3A_1109 = arith.constant 19 : i32
    %max3A_1110 = vector.broadcast %jit3A_1108 : i32 to vector<1x300xi32>
    %max3A_1111 = arith.maxsi %max3A_1110, %convert_element_type3A_1107 : vector<1x300xi32>
    %min3A_1112 = vector.broadcast %jit3A_1109 : i32 to vector<1x300xi32>
    %min3A_1113 = arith.minsi %min3A_1112, %max3A_1111 : vector<1x300xi32>
    %sub3A_1114 = arith.constant -5.000000e-01 : f32
    %sub3A_1115 = vector.broadcast %sub3A_1114 : f32 to vector<1x300xf32>
    %sub3A_1116 = arith.subf %mul3A_771, %sub3A_1115 : vector<1x300xf32>
    %convert_element_type3A_1117 = arith.fptosi %sub3A_1116 : vector<1x300xf32> to vector<1x300xi32>
    %jit3A_1118 = arith.constant 0 : i32
    %jit3A_1119 = arith.constant 19 : i32
    %max3A_1120 = vector.broadcast %jit3A_1118 : i32 to vector<1x300xi32>
    %max3A_1121 = arith.maxsi %max3A_1120, %convert_element_type3A_1117 : vector<1x300xi32>
    %min3A_1122 = vector.broadcast %jit3A_1119 : i32 to vector<1x300xi32>
    %min3A_1123 = arith.minsi %min3A_1122, %max3A_1121 : vector<1x300xi32>
    %mul3A_1124 = arith.constant 400 : i32
    %mul3A_1125 = vector.broadcast %mul3A_1124 : i32 to vector<1x300xi32>
    %mul3A_1126 = arith.muli %convert_element_type3A, %mul3A_1125 : vector<1x300xi32>
    %mul3A_1127 = arith.constant 20 : i32
    %mul3A_1128 = vector.broadcast %mul3A_1127 : i32 to vector<1x300xi32>
    %mul3A_1129 = arith.muli %min3A_1123, %mul3A_1128 : vector<1x300xi32>
    %add3A_1130 = arith.addi %mul3A_1126, %mul3A_1129 : vector<1x300xi32>
    %add3A_1131 = arith.addi %add3A_1130, %min3A_1113 : vector<1x300xi32>
    %mul3A_1132 = arith.constant 128 : i32
    %mul3A_1133 = vector.broadcast %mul3A_1132 : i32 to vector<1x300xi32>
    %mul3A_1134 = arith.muli %add3A_1131, %mul3A_1133 : vector<1x300xi32>
    %add3A_1135 = arith.addi %mul3A_1134, %convert_element_type3A_7 : vector<1x300xi32>
    %and3A_1136 = arith.andi %and3A_937, %lt3A_795 : vector<1x300xi1>
    %convert_element_type3A_1137 = arith.extui %and3A_1136 : vector<1x300xi1> to vector<1x300xi32>
    %convert_element_type3A_1138 = arith.sitofp %convert_element_type3A_1137 : vector<1x300xi32> to vector<1x300xf32>
    %and3A_1139 = arith.andi %and3A_937, %lt3A_813 : vector<1x300xi1>
    %convert_element_type3A_1140 = arith.extui %and3A_1139 : vector<1x300xi1> to vector<1x300xi32>
    %convert_element_type3A_1141 = arith.sitofp %convert_element_type3A_1140 : vector<1x300xi32> to vector<1x300xf32>
    %and3A_1142 = arith.andi %and3A_937, %lt3A_831 : vector<1x300xi1>
    %convert_element_type3A_1143 = arith.extui %and3A_1142 : vector<1x300xi1> to vector<1x300xi32>
    %convert_element_type3A_1144 = arith.sitofp %convert_element_type3A_1143 : vector<1x300xi32> to vector<1x300xf32>
    %concatenate3A_1145 = tpu.concatenate %add3A_971, %add3A_971, %add3A_971, %add3A_1012, %add3A_1012, %add3A_1012, %add3A_1053, %add3A_1053, %add3A_1053, %add3A_1094, %add3A_1094, %add3A_1094, %add3A_1135, %add3A_1135, %add3A_1135 in 0 : vector<1x300xi32>, vector<1x300xi32>, vector<1x300xi32>, vector<1x300xi32>, vector<1x300xi32>, vector<1x300xi32>, vector<1x300xi32>, vector<1x300xi32>, vector<1x300xi32>, vector<1x300xi32>, vector<1x300xi32>, vector<1x300xi32>, vector<1x300xi32>, vector<1x300xi32>, vector<1x300xi32> -> vector<15x300xi32>
    %swap3A_1146 = arith.constant 0 : index
    %swap3A_1147 = arith.constant 0 : index
    %swap3A_1148 = vector.load %arg5[%swap3A_1146, %swap3A_1147] : memref<15x300xi32, #tpu.memory_space<vmem>>, vector<15x300xi32>
    tpu.vector_store %arg5[%swap3A_1146, %swap3A_1147], %concatenate3A_1145 {strides = array<i32>} : memref<15x300xi32, #tpu.memory_space<vmem>>, vector<15x300xi32>,
    %concatenate3A_1149 = tpu.concatenate %convert_element_type3A_974, %convert_element_type3A_977, %convert_element_type3A_980, %convert_element_type3A_1015, %convert_element_type3A_1018, %convert_element_type3A_1021, %convert_element_type3A_1056, %convert_element_type3A_1059, %convert_element_type3A_1062, %convert_element_type3A_1097, %convert_element_type3A_1100, %convert_element_type3A_1103, %convert_element_type3A_1138, %convert_element_type3A_1141, %convert_element_type3A_1144 in 0 : vector<1x300xf32>, vector<1x300xf32>, vector<1x300xf32>, vector<1x300xf32>, vector<1x300xf32>, vector<1x300xf32>, vector<1x300xf32>, vector<1x300xf32>, vector<1x300xf32>, vector<1x300xf32>, vector<1x300xf32>, vector<1x300xf32>, vector<1x300xf32>, vector<1x300xf32>, vector<1x300xf32> -> vector<15x300xf32>
    %swap3A_1150 = arith.constant 0 : index
    %swap3A_1151 = arith.constant 0 : index
    %swap3A_1152 = vector.load %arg6[%swap3A_1150, %swap3A_1151] : memref<15x300xf32, #tpu.memory_space<vmem>>, vector<15x300xf32>
    tpu.vector_store %arg6[%swap3A_1150, %swap3A_1151], %concatenate3A_1149 {strides = array<i32>} : memref<15x300xf32, #tpu.memory_space<vmem>>, vector<15x300xf32>,
    return
  }
}

module attributes {stable_mosaic.version = 14 : i64} {
  func.func @_mm0_body(%arg0: i32, %arg1: memref<1x128x3200xf32, #tpu.memory_space<vmem>>, %arg2: memref<3200x128xf32, #tpu.memory_space<vmem>>, %arg3: memref<80x128xf32, #tpu.memory_space<vmem>>, %arg4: memref<80x128xf32, #tpu.memory_space<vmem>>, %arg5: memref<128x128xf32, #tpu.memory_space<vmem>>, %arg6: memref<1x128xf32, #tpu.memory_space<vmem>>) attributes {dimension_semantics = [#tpu.dimension_semantics<arbitrary>], iteration_bounds = array<i64: 16>, scalar_prefetch = 0 : i64, scratch_operands = 2 : i64, tpu.core_type = #tpu.core_type<tc>, window_params = [{transform_indices = @transform_0, window_bounds = array<i64: 1, 128, 3200>}, {transform_indices = @transform_1, window_bounds = array<i64: 3200, 128>}, {pipeline_mode = #tpu.pipeline_mode<synchronous>, transform_indices = @transform_2, window_bounds = array<i64: 80, 128>}, {pipeline_mode = #tpu.pipeline_mode<synchronous>, transform_indices = @transform_3, window_bounds = array<i64: 80, 128>}]} {
    %eq3A = arith.constant 0 : i32
    %eq3A_0 = arith.cmpi eq, %arg0, %eq3A : i32
    %convert_element_type3A = arith.extui %eq3A_0 : i1 to i32
    %cond3A = arith.constant 0 : i32
    %cond3A_1 = arith.cmpi ne, %convert_element_type3A, %cond3A : i32
    scf.if %cond3A_1 {
      %broadcast_in_dim3A_35 = arith.constant 0.000000e+00 : f32
      %broadcast_in_dim3A_36 = vector.broadcast %broadcast_in_dim3A_35 : f32 to vector<128x128xf32>
      %swap3A_37 = arith.constant 0 : index
      %swap3A_38 = arith.constant 0 : index
      %swap3A_39 = vector.load %arg5[%swap3A_37, %swap3A_38] : memref<128x128xf32, #tpu.memory_space<vmem>>, vector<128x128xf32>
      tpu.vector_store %arg5[%swap3A_37, %swap3A_38], %broadcast_in_dim3A_36 {strides = array<i32>} : memref<128x128xf32, #tpu.memory_space<vmem>>, vector<128x128xf32>,
      %broadcast_in_dim3A_40 = arith.constant 0.000000e+00 : f32
      %broadcast_in_dim3A_41 = vector.broadcast %broadcast_in_dim3A_40 : f32 to vector<1x128xf32>
      %swap3A_42 = arith.constant 0 : index
      %swap3A_43 = arith.constant 0 : index
      %swap3A_44 = vector.load %arg6[%swap3A_42, %swap3A_43] : memref<1x128xf32, #tpu.memory_space<vmem>>, vector<1x128xf32>
      tpu.vector_store %arg6[%swap3A_42, %swap3A_43], %broadcast_in_dim3A_41 {strides = array<i32>} : memref<1x128xf32, #tpu.memory_space<vmem>>, vector<1x128xf32>,
    } else {
    }
    %get3A = arith.constant 0 : index
    %get3A_2 = arith.constant 0 : index
    %get3A_3 = arith.constant 0 : index
    %get3A_4 = vector.load %arg1[%get3A, %get3A_2, %get3A_3] : memref<1x128x3200xf32, #tpu.memory_space<vmem>>, vector<1x128x3200xf32>
    %get3A_5 = vector.shape_cast %get3A_4 : vector<1x128x3200xf32> to vector<128x3200xf32>
    %logistic3A = arith.negf %get3A_5 : vector<128x3200xf32>
    %logistic3A_6 = math.exp %logistic3A : vector<128x3200xf32>
    %logistic3A_7 = arith.constant 1.000000e+00 : f32
    %logistic3A_8 = vector.broadcast %logistic3A_7 : f32 to vector<128x3200xf32>
    %logistic3A_9 = arith.addf %logistic3A_8, %logistic3A_6 : vector<128x3200xf32>
    %logistic3A_10 = arith.divf %logistic3A_8, %logistic3A_9 : vector<128x3200xf32>
    %convert_element_type3A_11 = arith.truncf %logistic3A_10 : vector<128x3200xf32> to vector<128x3200xbf16>
    %get3A_12 = arith.constant 0 : index
    %get3A_13 = arith.constant 0 : index
    %get3A_14 = vector.load %arg2[%get3A_12, %get3A_13] : memref<3200x128xf32, #tpu.memory_space<vmem>>, vector<3200x128xf32>
    %get3A_15 = arith.constant 0 : index
    %get3A_16 = arith.constant 0 : index
    %get3A_17 = vector.load %arg5[%get3A_15, %get3A_16] : memref<128x128xf32, #tpu.memory_space<vmem>>, vector<128x128xf32>
    %convert_element_type3A_18 = arith.truncf %get3A_14 : vector<3200x128xf32> to vector<3200x128xbf16>
    %dot_general3A = arith.constant dense<0.000000e+00> : vector<128x128xf32>
    %dot_general3A_19 = tpu.matmul %convert_element_type3A_11, %convert_element_type3A_18, %dot_general3A {dimension_numbers = #tpu.dot_dimension_numbers<[1], [0], [0], [1], [0, 0, 1, 1], [], []>, transpose_lhs_hint = false} : vector<128x3200xbf16>, vector<3200x128xbf16>, vector<128x128xf32> -> vector<128x128xf32>
    %add3A = arith.addf %get3A_17, %dot_general3A_19 : vector<128x128xf32>
    %swap3A = arith.constant 0 : index
    %swap3A_20 = arith.constant 0 : index
    %swap3A_21 = vector.load %arg5[%swap3A, %swap3A_20] : memref<128x128xf32, #tpu.memory_space<vmem>>, vector<128x128xf32>
    tpu.vector_store %arg5[%swap3A, %swap3A_20], %add3A {strides = array<i32>} : memref<128x128xf32, #tpu.memory_space<vmem>>, vector<128x128xf32>,
    %get3A_22 = arith.constant 0 : index
    %get3A_23 = arith.constant 0 : index
    %get3A_24 = vector.load %arg6[%get3A_22, %get3A_23] : memref<1x128xf32, #tpu.memory_space<vmem>>, vector<1x128xf32>
    %reduce_sum3A = arith.constant dense<0.000000e+00> : vector<128xf32>
    %reduce_sum3A_25 = vector.multi_reduction <add>, %get3A_14, %reduce_sum3A [0] : vector<3200x128xf32> to vector<128xf32>
    %broadcast_in_dim3A = vector.shape_cast %reduce_sum3A_25 : vector<128xf32> to vector<1x128xf32>
    %add3A_26 = arith.addf %get3A_24, %broadcast_in_dim3A : vector<1x128xf32>
    %swap3A_27 = arith.constant 0 : index
    %swap3A_28 = arith.constant 0 : index
    %swap3A_29 = vector.load %arg6[%swap3A_27, %swap3A_28] : memref<1x128xf32, #tpu.memory_space<vmem>>, vector<1x128xf32>
    tpu.vector_store %arg6[%swap3A_27, %swap3A_28], %add3A_26 {strides = array<i32>} : memref<1x128xf32, #tpu.memory_space<vmem>>, vector<1x128xf32>,
    %eq3A_30 = arith.constant 15 : i32
    %eq3A_31 = arith.cmpi eq, %arg0, %eq3A_30 : i32
    %convert_element_type3A_32 = arith.extui %eq3A_31 : i1 to i32
    %cond3A_33 = arith.constant 0 : i32
    %cond3A_34 = arith.cmpi ne, %convert_element_type3A_32, %cond3A_33 : i32
    scf.if %cond3A_34 {
      %get3A_35 = arith.constant 0 : index
      %get3A_36 = arith.constant 0 : index
      %get3A_37 = vector.load %arg6[%get3A_35, %get3A_36] : memref<1x128xf32, #tpu.memory_space<vmem>>, vector<1x128xf32>
      %slice3A = vector.extract_strided_slice %get3A_37 {offsets = [0, 0], sizes = [1, 80], strides = [1, 1]} : vector<1x128xf32> to vector<1x80xf32>
      %get3A_38 = arith.constant 0 : index
      %get3A_39 = arith.constant 0 : index
      %get3A_40 = vector.load %arg5[%get3A_38, %get3A_39] : memref<128x128xf32, #tpu.memory_space<vmem>>, vector<128x128xf32>
      %slice3A_41 = vector.extract_strided_slice %get3A_40 {offsets = [0, 0], sizes = [128, 80], strides = [1, 1]} : vector<128x128xf32> to vector<128x80xf32>
      %max3A = arith.constant 1.000000e+00 : f32
      %max3A_42 = vector.broadcast %max3A : f32 to vector<1x80xf32>
      %max3A_43 = arith.maximumf %slice3A, %max3A_42 : vector<1x80xf32>
      %div3A = vector.broadcast %max3A_43 : vector<1x80xf32> to vector<128x80xf32>
      %div3A_44 = arith.divf %slice3A_41, %div3A : vector<128x80xf32>
      %get3A_45 = arith.constant 0 : index
      %get3A_46 = arith.constant 0 : index
      %get3A_47 = vector.load %arg3[%get3A_45, %get3A_46] : memref<80x128xf32, #tpu.memory_space<vmem>>, vector<80x128xf32>
      %transpose3A = tpu.transpose %get3A_47, [1, 0] : vector<80x128xf32> -> vector<128x80xf32>
      %mul3A = arith.mulf %transpose3A, %div3A_44 : vector<128x80xf32>
      %reduce_sum3A_48 = arith.constant dense<0.000000e+00> : vector<80xf32>
      %reduce_sum3A_49 = vector.multi_reduction <add>, %mul3A, %reduce_sum3A_48 [0] : vector<128x80xf32> to vector<80xf32>
      %broadcast_in_dim3A_50 = vector.shape_cast %reduce_sum3A_49 : vector<80xf32> to vector<1x80xf32>
      %mul3A_51 = arith.mulf %transpose3A, %transpose3A : vector<128x80xf32>
      %reduce_sum3A_52 = arith.constant dense<0.000000e+00> : vector<80xf32>
      %reduce_sum3A_53 = vector.multi_reduction <add>, %mul3A_51, %reduce_sum3A_52 [0] : vector<128x80xf32> to vector<80xf32>
      %broadcast_in_dim3A_54 = vector.shape_cast %reduce_sum3A_53 : vector<80xf32> to vector<1x80xf32>
      %add3A_55 = arith.constant 9.99999996E-13 : f32
      %add3A_56 = vector.broadcast %add3A_55 : f32 to vector<1x80xf32>
      %add3A_57 = arith.addf %broadcast_in_dim3A_54, %add3A_56 : vector<1x80xf32>
      %sqrt3A = math.sqrt %add3A_57 : vector<1x80xf32>
      %max3A_58 = arith.constant 9.99999993E-9 : f32
      %max3A_59 = vector.broadcast %max3A_58 : f32 to vector<1x80xf32>
      %max3A_60 = arith.maximumf %sqrt3A, %max3A_59 : vector<1x80xf32>
      %mul3A_61 = arith.mulf %div3A_44, %div3A_44 : vector<128x80xf32>
      %reduce_sum3A_62 = arith.constant dense<0.000000e+00> : vector<80xf32>
      %reduce_sum3A_63 = vector.multi_reduction <add>, %mul3A_61, %reduce_sum3A_62 [0] : vector<128x80xf32> to vector<80xf32>
      %broadcast_in_dim3A_64 = vector.shape_cast %reduce_sum3A_63 : vector<80xf32> to vector<1x80xf32>
      %add3A_65 = arith.constant 9.99999996E-13 : f32
      %add3A_66 = vector.broadcast %add3A_65 : f32 to vector<1x80xf32>
      %add3A_67 = arith.addf %broadcast_in_dim3A_64, %add3A_66 : vector<1x80xf32>
      %sqrt3A_68 = math.sqrt %add3A_67 : vector<1x80xf32>
      %max3A_69 = arith.constant 9.99999993E-9 : f32
      %max3A_70 = vector.broadcast %max3A_69 : f32 to vector<1x80xf32>
      %max3A_71 = arith.maximumf %sqrt3A_68, %max3A_70 : vector<1x80xf32>
      %mul3A_72 = arith.mulf %max3A_60, %max3A_71 : vector<1x80xf32>
      %div3A_73 = arith.divf %broadcast_in_dim3A_50, %mul3A_72 : vector<1x80xf32>
      %add3A_74 = arith.constant 1.000000e+00 : f32
      %add3A_75 = vector.broadcast %add3A_74 : f32 to vector<1x80xf32>
      %add3A_76 = arith.addf %div3A_73, %add3A_75 : vector<1x80xf32>
      %mul3A_77 = arith.constant 5.000000e-01 : f32
      %mul3A_78 = vector.broadcast %mul3A_77 : f32 to vector<1x80xf32>
      %mul3A_79 = arith.mulf %add3A_76, %mul3A_78 : vector<1x80xf32>
      %mul3A_80 = vector.broadcast %mul3A_79 : vector<1x80xf32> to vector<128x80xf32>
      %mul3A_81 = arith.mulf %mul3A_80, %div3A_44 : vector<128x80xf32>
      %sub3A = arith.constant 1.000000e+00 : f32
      %sub3A_82 = vector.broadcast %sub3A : f32 to vector<1x80xf32>
      %sub3A_83 = arith.subf %sub3A_82, %mul3A_79 : vector<1x80xf32>
      %mul3A_84 = vector.broadcast %sub3A_83 : vector<1x80xf32> to vector<128x80xf32>
      %mul3A_85 = arith.mulf %mul3A_84, %transpose3A : vector<128x80xf32>
      %add3A_86 = arith.addf %mul3A_81, %mul3A_85 : vector<128x80xf32>
      %gt3A = arith.constant 0.000000e+00 : f32
      %gt3A_87 = vector.broadcast %gt3A : f32 to vector<1x80xf32>
      %gt3A_88 = arith.cmpf ogt, %slice3A, %gt3A_87 : vector<1x80xf32>
      %broadcast_in_dim3A_89 = vector.shape_cast %gt3A_88 : vector<1x80xi1> to vector<1x80xi1>
      %broadcast_in_dim3A_90 = vector.broadcast %broadcast_in_dim3A_89 : vector<1x80xi1> to vector<128x80xi1>
      %select_n3A = arith.select %broadcast_in_dim3A_90, %add3A_86, %transpose3A : vector<128x80xi1>, vector<128x80xf32>
      %transpose3A_91 = tpu.transpose %select_n3A, [1, 0] : vector<128x80xf32> -> vector<80x128xf32>
      %swap3A_92 = arith.constant 0 : index
      %swap3A_93 = arith.constant 0 : index
      %swap3A_94 = vector.load %arg4[%swap3A_92, %swap3A_93] : memref<80x128xf32, #tpu.memory_space<vmem>>, vector<80x128xf32>
      tpu.vector_store %arg4[%swap3A_92, %swap3A_93], %transpose3A_91 {strides = array<i32>} : memref<80x128xf32, #tpu.memory_space<vmem>>, vector<80x128xf32>,
    } else {
    }
    return
  }
  func.func @transform_0(%arg0: i32) -> (i32, i32, i32) {
    %jit3A = arith.constant 2 : i32
    %div3A = arith.divsi %arg0, %jit3A : i32
    %sign3A = arith.constant 0 : i32
    %sign3A_0 = arith.cmpi sgt, %arg0, %sign3A : i32
    %sign3A_1 = arith.extui %sign3A_0 : i1 to i32
    %sign3A_2 = arith.constant 0 : i32
    %sign3A_3 = arith.cmpi slt, %arg0, %sign3A_2 : i32
    %sign3A_4 = arith.extui %sign3A_3 : i1 to i32
    %sign3A_5 = arith.subi %sign3A_1, %sign3A_4 : i32
    %sign3A_6 = arith.constant 0 : i32
    %sign3A_7 = arith.cmpi sgt, %jit3A, %sign3A_6 : i32
    %sign3A_8 = arith.extui %sign3A_7 : i1 to i32
    %sign3A_9 = arith.constant 0 : i32
    %sign3A_10 = arith.cmpi slt, %jit3A, %sign3A_9 : i32
    %sign3A_11 = arith.extui %sign3A_10 : i1 to i32
    %sign3A_12 = arith.subi %sign3A_8, %sign3A_11 : i32
    %ne3A = arith.cmpi ne, %sign3A_5, %sign3A_12 : i32
    %rem3A = arith.remsi %arg0, %jit3A : i32
    %ne3A_13 = arith.constant 0 : i32
    %ne3A_14 = arith.cmpi ne, %rem3A, %ne3A_13 : i32
    %and3A = arith.andi %ne3A, %ne3A_14 : i1
    %sub3A = arith.constant 1 : i32
    %sub3A_15 = arith.subi %div3A, %sub3A : i32
    %select_n3A = arith.select %and3A, %sub3A_15, %div3A : i32
    %jit3A_16 = arith.constant 2 : i32
    %eq3A = arith.constant 0 : i32
    %eq3A_17 = arith.cmpi eq, %jit3A_16, %eq3A : i32
    %jit3A_18 = arith.constant 1 : i32
    %select_n3A_19 = arith.select %eq3A_17, %jit3A_18, %jit3A_16 : i32
    %rem3A_20 = arith.remsi %arg0, %select_n3A_19 : i32
    %ne3A_21 = arith.constant 0 : i32
    %ne3A_22 = arith.cmpi ne, %rem3A_20, %ne3A_21 : i32
    %lt3A = arith.constant 0 : i32
    %lt3A_23 = arith.cmpi slt, %rem3A_20, %lt3A : i32
    %lt3A_24 = arith.constant 0 : i32
    %lt3A_25 = arith.cmpi slt, %select_n3A_19, %lt3A_24 : i32
    %ne3A_26 = arith.xori %lt3A_23, %lt3A_25 : i1
    %and3A_27 = arith.andi %ne3A_26, %ne3A_22 : i1
    %add3A = arith.addi %rem3A_20, %select_n3A_19 : i32
    %select_n3A_28 = arith.select %and3A_27, %add3A, %rem3A_20 : i32
    %c0_i32 = arith.constant 0 : i32
    %c0_i32_29 = arith.constant 0 : i32
    return %select_n3A, %c0_i32, %select_n3A_28 : i32, i32, i32
  }
  func.func @transform_1(%arg0: i32) -> (i32, i32) {
    %c0_i32 = arith.constant 0 : i32
    %c0_i32_0 = arith.constant 0 : i32
    return %arg0, %c0_i32 : i32, i32
  }
  func.func @transform_2(%arg0: i32) -> (i32, i32) {
    %c0_i32 = arith.constant 0 : i32
    %c0_i32_0 = arith.constant 0 : i32
    %c0_i32_1 = arith.constant 0 : i32
    return %c0_i32, %c0_i32_0 : i32, i32
  }
  func.func @transform_3(%arg0: i32) -> (i32, i32) {
    %c0_i32 = arith.constant 0 : i32
    %c0_i32_0 = arith.constant 0 : i32
    %c0_i32_1 = arith.constant 0 : i32
    return %c0_i32, %c0_i32_0 : i32, i32
  }
}

module attributes {stable_mosaic.version = 14 : i64} {
  func.func @_mm21_body(%arg0: i32, %arg1: memref<1x256x1600xf32, #tpu.memory_space<vmem>>, %arg2: memref<1600x128xf32, #tpu.memory_space<vmem>>, %arg3: memref<1x512x400xf32, #tpu.memory_space<vmem>>, %arg4: memref<400x128xf32, #tpu.memory_space<vmem>>, %arg5: memref<80x256xf32, #tpu.memory_space<vmem>>, %arg6: memref<80x512xf32, #tpu.memory_space<vmem>>, %arg7: memref<80x256xf32, #tpu.memory_space<vmem>>, %arg8: memref<80x512xf32, #tpu.memory_space<vmem>>, %arg9: memref<256x128xf32, #tpu.memory_space<vmem>>, %arg10: memref<1x128xf32, #tpu.memory_space<vmem>>, %arg11: memref<512x128xf32, #tpu.memory_space<vmem>>, %arg12: memref<1x128xf32, #tpu.memory_space<vmem>>) attributes {dimension_semantics = [#tpu.dimension_semantics<arbitrary>], iteration_bounds = array<i64: 16>, scalar_prefetch = 0 : i64, scratch_operands = 4 : i64, tpu.core_type = #tpu.core_type<tc>, window_params = [{transform_indices = @transform_0, window_bounds = array<i64: 1, 256, 1600>}, {transform_indices = @transform_1, window_bounds = array<i64: 1600, 128>}, {transform_indices = @transform_2, window_bounds = array<i64: 1, 512, 400>}, {transform_indices = @transform_3, window_bounds = array<i64: 400, 128>}, {pipeline_mode = #tpu.pipeline_mode<synchronous>, transform_indices = @transform_4, window_bounds = array<i64: 80, 256>}, {pipeline_mode = #tpu.pipeline_mode<synchronous>, transform_indices = @transform_5, window_bounds = array<i64: 80, 512>}, {pipeline_mode = #tpu.pipeline_mode<synchronous>, transform_indices = @transform_6, window_bounds = array<i64: 80, 256>}, {pipeline_mode = #tpu.pipeline_mode<synchronous>, transform_indices = @transform_7, window_bounds = array<i64: 80, 512>}]} {
    %eq3A = arith.constant 0 : i32
    %eq3A_0 = arith.cmpi eq, %arg0, %eq3A : i32
    %convert_element_type3A = arith.extui %eq3A_0 : i1 to i32
    %cond3A = arith.constant 0 : i32
    %cond3A_1 = arith.cmpi ne, %convert_element_type3A, %cond3A : i32
    scf.if %cond3A_1 {
      %broadcast_in_dim3A = arith.constant 0.000000e+00 : f32
      %broadcast_in_dim3A_20 = vector.broadcast %broadcast_in_dim3A : f32 to vector<256x128xf32>
      %swap3A = arith.constant 0 : index
      %swap3A_21 = arith.constant 0 : index
      %swap3A_22 = vector.load %arg9[%swap3A, %swap3A_21] : memref<256x128xf32, #tpu.memory_space<vmem>>, vector<256x128xf32>
      tpu.vector_store %arg9[%swap3A, %swap3A_21], %broadcast_in_dim3A_20 {strides = array<i32>} : memref<256x128xf32, #tpu.memory_space<vmem>>, vector<256x128xf32>,
      %broadcast_in_dim3A_23 = arith.constant 0.000000e+00 : f32
      %broadcast_in_dim3A_24 = vector.broadcast %broadcast_in_dim3A_23 : f32 to vector<1x128xf32>
      %swap3A_25 = arith.constant 0 : index
      %swap3A_26 = arith.constant 0 : index
      %swap3A_27 = vector.load %arg10[%swap3A_25, %swap3A_26] : memref<1x128xf32, #tpu.memory_space<vmem>>, vector<1x128xf32>
      tpu.vector_store %arg10[%swap3A_25, %swap3A_26], %broadcast_in_dim3A_24 {strides = array<i32>} : memref<1x128xf32, #tpu.memory_space<vmem>>, vector<1x128xf32>,
      %broadcast_in_dim3A_28 = arith.constant 0.000000e+00 : f32
      %broadcast_in_dim3A_29 = vector.broadcast %broadcast_in_dim3A_28 : f32 to vector<512x128xf32>
      %swap3A_30 = arith.constant 0 : index
      %swap3A_31 = arith.constant 0 : index
      %swap3A_32 = vector.load %arg11[%swap3A_30, %swap3A_31] : memref<512x128xf32, #tpu.memory_space<vmem>>, vector<512x128xf32>
      tpu.vector_store %arg11[%swap3A_30, %swap3A_31], %broadcast_in_dim3A_29 {strides = array<i32>} : memref<512x128xf32, #tpu.memory_space<vmem>>, vector<512x128xf32>,
      %broadcast_in_dim3A_33 = arith.constant 0.000000e+00 : f32
      %broadcast_in_dim3A_34 = vector.broadcast %broadcast_in_dim3A_33 : f32 to vector<1x128xf32>
      %swap3A_35 = arith.constant 0 : index
      %swap3A_36 = arith.constant 0 : index
      %swap3A_37 = vector.load %arg12[%swap3A_35, %swap3A_36] : memref<1x128xf32, #tpu.memory_space<vmem>>, vector<1x128xf32>
      tpu.vector_store %arg12[%swap3A_35, %swap3A_36], %broadcast_in_dim3A_34 {strides = array<i32>} : memref<1x128xf32, #tpu.memory_space<vmem>>, vector<1x128xf32>,
    } else {
    }
    %lt3A = arith.constant 8 : i32
    %lt3A_2 = arith.cmpi slt, %arg0, %lt3A : i32
    %convert_element_type3A_3 = arith.extui %lt3A_2 : i1 to i32
    %cond3A_4 = arith.constant 0 : i32
    %cond3A_5 = arith.cmpi ne, %convert_element_type3A_3, %cond3A_4 : i32
    scf.if %cond3A_5 {
      %get3A = arith.constant 0 : index
      %get3A_20 = arith.constant 0 : index
      %get3A_21 = arith.constant 0 : index
      %get3A_22 = vector.load %arg1[%get3A, %get3A_20, %get3A_21] : memref<1x256x1600xf32, #tpu.memory_space<vmem>>, vector<1x256x1600xf32>
      %get3A_23 = vector.shape_cast %get3A_22 : vector<1x256x1600xf32> to vector<256x1600xf32>
      %logistic3A = arith.negf %get3A_23 : vector<256x1600xf32>
      %logistic3A_24 = math.exp %logistic3A : vector<256x1600xf32>
      %logistic3A_25 = arith.constant 1.000000e+00 : f32
      %logistic3A_26 = vector.broadcast %logistic3A_25 : f32 to vector<256x1600xf32>
      %logistic3A_27 = arith.addf %logistic3A_26, %logistic3A_24 : vector<256x1600xf32>
      %logistic3A_28 = arith.divf %logistic3A_26, %logistic3A_27 : vector<256x1600xf32>
      %convert_element_type3A_29 = arith.truncf %logistic3A_28 : vector<256x1600xf32> to vector<256x1600xbf16>
      %get3A_30 = arith.constant 0 : index
      %get3A_31 = arith.constant 0 : index
      %get3A_32 = vector.load %arg2[%get3A_30, %get3A_31] : memref<1600x128xf32, #tpu.memory_space<vmem>>, vector<1600x128xf32>
      %get3A_33 = arith.constant 0 : index
      %get3A_34 = arith.constant 0 : index
      %get3A_35 = vector.load %arg9[%get3A_33, %get3A_34] : memref<256x128xf32, #tpu.memory_space<vmem>>, vector<256x128xf32>
      %convert_element_type3A_36 = arith.truncf %get3A_32 : vector<1600x128xf32> to vector<1600x128xbf16>
      %dot_general3A = arith.constant dense<0.000000e+00> : vector<256x128xf32>
      %dot_general3A_37 = tpu.matmul %convert_element_type3A_29, %convert_element_type3A_36, %dot_general3A {dimension_numbers = #tpu.dot_dimension_numbers<[1], [0], [0], [1], [0, 0, 1, 1], [], []>, transpose_lhs_hint = false} : vector<256x1600xbf16>, vector<1600x128xbf16>, vector<256x128xf32> -> vector<256x128xf32>
      %add3A = arith.addf %get3A_35, %dot_general3A_37 : vector<256x128xf32>
      %swap3A = arith.constant 0 : index
      %swap3A_38 = arith.constant 0 : index
      %swap3A_39 = vector.load %arg9[%swap3A, %swap3A_38] : memref<256x128xf32, #tpu.memory_space<vmem>>, vector<256x128xf32>
      tpu.vector_store %arg9[%swap3A, %swap3A_38], %add3A {strides = array<i32>} : memref<256x128xf32, #tpu.memory_space<vmem>>, vector<256x128xf32>,
      %get3A_40 = arith.constant 0 : index
      %get3A_41 = arith.constant 0 : index
      %get3A_42 = vector.load %arg10[%get3A_40, %get3A_41] : memref<1x128xf32, #tpu.memory_space<vmem>>, vector<1x128xf32>
      %reduce_sum3A = arith.constant dense<0.000000e+00> : vector<128xf32>
      %reduce_sum3A_43 = vector.multi_reduction <add>, %get3A_32, %reduce_sum3A [0] : vector<1600x128xf32> to vector<128xf32>
      %broadcast_in_dim3A = vector.shape_cast %reduce_sum3A_43 : vector<128xf32> to vector<1x128xf32>
      %add3A_44 = arith.addf %get3A_42, %broadcast_in_dim3A : vector<1x128xf32>
      %swap3A_45 = arith.constant 0 : index
      %swap3A_46 = arith.constant 0 : index
      %swap3A_47 = vector.load %arg10[%swap3A_45, %swap3A_46] : memref<1x128xf32, #tpu.memory_space<vmem>>, vector<1x128xf32>
      tpu.vector_store %arg10[%swap3A_45, %swap3A_46], %add3A_44 {strides = array<i32>} : memref<1x128xf32, #tpu.memory_space<vmem>>, vector<1x128xf32>,
    } else {
    }
    %eq3A_6 = arith.constant 7 : i32
    %eq3A_7 = arith.cmpi eq, %arg0, %eq3A_6 : i32
    %convert_element_type3A_8 = arith.extui %eq3A_7 : i1 to i32
    %cond3A_9 = arith.constant 0 : i32
    %cond3A_10 = arith.cmpi ne, %convert_element_type3A_8, %cond3A_9 : i32
    scf.if %cond3A_10 {
      %get3A = arith.constant 0 : index
      %get3A_20 = arith.constant 0 : index
      %get3A_21 = vector.load %arg10[%get3A, %get3A_20] : memref<1x128xf32, #tpu.memory_space<vmem>>, vector<1x128xf32>
      %slice3A = vector.extract_strided_slice %get3A_21 {offsets = [0, 0], sizes = [1, 80], strides = [1, 1]} : vector<1x128xf32> to vector<1x80xf32>
      %get3A_22 = arith.constant 0 : index
      %get3A_23 = arith.constant 0 : index
      %get3A_24 = vector.load %arg9[%get3A_22, %get3A_23] : memref<256x128xf32, #tpu.memory_space<vmem>>, vector<256x128xf32>
      %slice3A_25 = vector.extract_strided_slice %get3A_24 {offsets = [0, 0], sizes = [256, 80], strides = [1, 1]} : vector<256x128xf32> to vector<256x80xf32>
      %max3A = arith.constant 1.000000e+00 : f32
      %max3A_26 = vector.broadcast %max3A : f32 to vector<1x80xf32>
      %max3A_27 = arith.maximumf %slice3A, %max3A_26 : vector<1x80xf32>
      %div3A = vector.broadcast %max3A_27 : vector<1x80xf32> to vector<256x80xf32>
      %div3A_28 = arith.divf %slice3A_25, %div3A : vector<256x80xf32>
      %get3A_29 = arith.constant 0 : index
      %get3A_30 = arith.constant 0 : index
      %get3A_31 = vector.load %arg5[%get3A_29, %get3A_30] : memref<80x256xf32, #tpu.memory_space<vmem>>, vector<80x256xf32>
      %transpose3A = tpu.transpose %get3A_31, [1, 0] : vector<80x256xf32> -> vector<256x80xf32>
      %mul3A = arith.mulf %transpose3A, %div3A_28 : vector<256x80xf32>
      %reduce_sum3A = arith.constant dense<0.000000e+00> : vector<80xf32>
      %reduce_sum3A_32 = vector.multi_reduction <add>, %mul3A, %reduce_sum3A [0] : vector<256x80xf32> to vector<80xf32>
      %broadcast_in_dim3A = vector.shape_cast %reduce_sum3A_32 : vector<80xf32> to vector<1x80xf32>
      %mul3A_33 = arith.mulf %transpose3A, %transpose3A : vector<256x80xf32>
      %reduce_sum3A_34 = arith.constant dense<0.000000e+00> : vector<80xf32>
      %reduce_sum3A_35 = vector.multi_reduction <add>, %mul3A_33, %reduce_sum3A_34 [0] : vector<256x80xf32> to vector<80xf32>
      %broadcast_in_dim3A_36 = vector.shape_cast %reduce_sum3A_35 : vector<80xf32> to vector<1x80xf32>
      %add3A = arith.constant 9.99999996E-13 : f32
      %add3A_37 = vector.broadcast %add3A : f32 to vector<1x80xf32>
      %add3A_38 = arith.addf %broadcast_in_dim3A_36, %add3A_37 : vector<1x80xf32>
      %sqrt3A = math.sqrt %add3A_38 : vector<1x80xf32>
      %max3A_39 = arith.constant 9.99999993E-9 : f32
      %max3A_40 = vector.broadcast %max3A_39 : f32 to vector<1x80xf32>
      %max3A_41 = arith.maximumf %sqrt3A, %max3A_40 : vector<1x80xf32>
      %mul3A_42 = arith.mulf %div3A_28, %div3A_28 : vector<256x80xf32>
      %reduce_sum3A_43 = arith.constant dense<0.000000e+00> : vector<80xf32>
      %reduce_sum3A_44 = vector.multi_reduction <add>, %mul3A_42, %reduce_sum3A_43 [0] : vector<256x80xf32> to vector<80xf32>
      %broadcast_in_dim3A_45 = vector.shape_cast %reduce_sum3A_44 : vector<80xf32> to vector<1x80xf32>
      %add3A_46 = arith.constant 9.99999996E-13 : f32
      %add3A_47 = vector.broadcast %add3A_46 : f32 to vector<1x80xf32>
      %add3A_48 = arith.addf %broadcast_in_dim3A_45, %add3A_47 : vector<1x80xf32>
      %sqrt3A_49 = math.sqrt %add3A_48 : vector<1x80xf32>
      %max3A_50 = arith.constant 9.99999993E-9 : f32
      %max3A_51 = vector.broadcast %max3A_50 : f32 to vector<1x80xf32>
      %max3A_52 = arith.maximumf %sqrt3A_49, %max3A_51 : vector<1x80xf32>
      %mul3A_53 = arith.mulf %max3A_41, %max3A_52 : vector<1x80xf32>
      %div3A_54 = arith.divf %broadcast_in_dim3A, %mul3A_53 : vector<1x80xf32>
      %add3A_55 = arith.constant 1.000000e+00 : f32
      %add3A_56 = vector.broadcast %add3A_55 : f32 to vector<1x80xf32>
      %add3A_57 = arith.addf %div3A_54, %add3A_56 : vector<1x80xf32>
      %mul3A_58 = arith.constant 5.000000e-01 : f32
      %mul3A_59 = vector.broadcast %mul3A_58 : f32 to vector<1x80xf32>
      %mul3A_60 = arith.mulf %add3A_57, %mul3A_59 : vector<1x80xf32>
      %mul3A_61 = vector.broadcast %mul3A_60 : vector<1x80xf32> to vector<256x80xf32>
      %mul3A_62 = arith.mulf %mul3A_61, %div3A_28 : vector<256x80xf32>
      %sub3A = arith.constant 1.000000e+00 : f32
      %sub3A_63 = vector.broadcast %sub3A : f32 to vector<1x80xf32>
      %sub3A_64 = arith.subf %sub3A_63, %mul3A_60 : vector<1x80xf32>
      %mul3A_65 = vector.broadcast %sub3A_64 : vector<1x80xf32> to vector<256x80xf32>
      %mul3A_66 = arith.mulf %mul3A_65, %transpose3A : vector<256x80xf32>
      %add3A_67 = arith.addf %mul3A_62, %mul3A_66 : vector<256x80xf32>
      %gt3A = arith.constant 0.000000e+00 : f32
      %gt3A_68 = vector.broadcast %gt3A : f32 to vector<1x80xf32>
      %gt3A_69 = arith.cmpf ogt, %slice3A, %gt3A_68 : vector<1x80xf32>
      %broadcast_in_dim3A_70 = vector.shape_cast %gt3A_69 : vector<1x80xi1> to vector<1x80xi1>
      %broadcast_in_dim3A_71 = vector.broadcast %broadcast_in_dim3A_70 : vector<1x80xi1> to vector<256x80xi1>
      %select_n3A = arith.select %broadcast_in_dim3A_71, %add3A_67, %transpose3A : vector<256x80xi1>, vector<256x80xf32>
      %transpose3A_72 = tpu.transpose %select_n3A, [1, 0] : vector<256x80xf32> -> vector<80x256xf32>
      %swap3A = arith.constant 0 : index
      %swap3A_73 = arith.constant 0 : index
      %swap3A_74 = vector.load %arg7[%swap3A, %swap3A_73] : memref<80x256xf32, #tpu.memory_space<vmem>>, vector<80x256xf32>
      tpu.vector_store %arg7[%swap3A, %swap3A_73], %transpose3A_72 {strides = array<i32>} : memref<80x256xf32, #tpu.memory_space<vmem>>, vector<80x256xf32>,
    } else {
    }
    %ge3A = arith.constant 8 : i32
    %ge3A_11 = arith.cmpi sge, %arg0, %ge3A : i32
    %convert_element_type3A_12 = arith.extui %ge3A_11 : i1 to i32
    %cond3A_13 = arith.constant 0 : i32
    %cond3A_14 = arith.cmpi ne, %convert_element_type3A_12, %cond3A_13 : i32
    scf.if %cond3A_14 {
      %get3A = arith.constant 0 : index
      %get3A_20 = arith.constant 0 : index
      %get3A_21 = arith.constant 0 : index
      %get3A_22 = vector.load %arg3[%get3A, %get3A_20, %get3A_21] : memref<1x512x400xf32, #tpu.memory_space<vmem>>, vector<1x512x400xf32>
      %get3A_23 = vector.shape_cast %get3A_22 : vector<1x512x400xf32> to vector<512x400xf32>
      %logistic3A = arith.negf %get3A_23 : vector<512x400xf32>
      %logistic3A_24 = math.exp %logistic3A : vector<512x400xf32>
      %logistic3A_25 = arith.constant 1.000000e+00 : f32
      %logistic3A_26 = vector.broadcast %logistic3A_25 : f32 to vector<512x400xf32>
      %logistic3A_27 = arith.addf %logistic3A_26, %logistic3A_24 : vector<512x400xf32>
      %logistic3A_28 = arith.divf %logistic3A_26, %logistic3A_27 : vector<512x400xf32>
      %convert_element_type3A_29 = arith.truncf %logistic3A_28 : vector<512x400xf32> to vector<512x400xbf16>
      %get3A_30 = arith.constant 0 : index
      %get3A_31 = arith.constant 0 : index
      %get3A_32 = vector.load %arg4[%get3A_30, %get3A_31] : memref<400x128xf32, #tpu.memory_space<vmem>>, vector<400x128xf32>
      %get3A_33 = arith.constant 0 : index
      %get3A_34 = arith.constant 0 : index
      %get3A_35 = vector.load %arg11[%get3A_33, %get3A_34] : memref<512x128xf32, #tpu.memory_space<vmem>>, vector<512x128xf32>
      %convert_element_type3A_36 = arith.truncf %get3A_32 : vector<400x128xf32> to vector<400x128xbf16>
      %dot_general3A = arith.constant dense<0.000000e+00> : vector<512x128xf32>
      %dot_general3A_37 = tpu.matmul %convert_element_type3A_29, %convert_element_type3A_36, %dot_general3A {dimension_numbers = #tpu.dot_dimension_numbers<[1], [0], [0], [1], [0, 0, 1, 1], [], []>, transpose_lhs_hint = false} : vector<512x400xbf16>, vector<400x128xbf16>, vector<512x128xf32> -> vector<512x128xf32>
      %add3A = arith.addf %get3A_35, %dot_general3A_37 : vector<512x128xf32>
      %swap3A = arith.constant 0 : index
      %swap3A_38 = arith.constant 0 : index
      %swap3A_39 = vector.load %arg11[%swap3A, %swap3A_38] : memref<512x128xf32, #tpu.memory_space<vmem>>, vector<512x128xf32>
      tpu.vector_store %arg11[%swap3A, %swap3A_38], %add3A {strides = array<i32>} : memref<512x128xf32, #tpu.memory_space<vmem>>, vector<512x128xf32>,
      %get3A_40 = arith.constant 0 : index
      %get3A_41 = arith.constant 0 : index
      %get3A_42 = vector.load %arg12[%get3A_40, %get3A_41] : memref<1x128xf32, #tpu.memory_space<vmem>>, vector<1x128xf32>
      %reduce_sum3A = arith.constant dense<0.000000e+00> : vector<128xf32>
      %reduce_sum3A_43 = vector.multi_reduction <add>, %get3A_32, %reduce_sum3A [0] : vector<400x128xf32> to vector<128xf32>
      %broadcast_in_dim3A = vector.shape_cast %reduce_sum3A_43 : vector<128xf32> to vector<1x128xf32>
      %add3A_44 = arith.addf %get3A_42, %broadcast_in_dim3A : vector<1x128xf32>
      %swap3A_45 = arith.constant 0 : index
      %swap3A_46 = arith.constant 0 : index
      %swap3A_47 = vector.load %arg12[%swap3A_45, %swap3A_46] : memref<1x128xf32, #tpu.memory_space<vmem>>, vector<1x128xf32>
      tpu.vector_store %arg12[%swap3A_45, %swap3A_46], %add3A_44 {strides = array<i32>} : memref<1x128xf32, #tpu.memory_space<vmem>>, vector<1x128xf32>,
    } else {
    }
    %eq3A_15 = arith.constant 15 : i32
    %eq3A_16 = arith.cmpi eq, %arg0, %eq3A_15 : i32
    %convert_element_type3A_17 = arith.extui %eq3A_16 : i1 to i32
    %cond3A_18 = arith.constant 0 : i32
    %cond3A_19 = arith.cmpi ne, %convert_element_type3A_17, %cond3A_18 : i32
    scf.if %cond3A_19 {
      %get3A = arith.constant 0 : index
      %get3A_20 = arith.constant 0 : index
      %get3A_21 = vector.load %arg12[%get3A, %get3A_20] : memref<1x128xf32, #tpu.memory_space<vmem>>, vector<1x128xf32>
      %slice3A = vector.extract_strided_slice %get3A_21 {offsets = [0, 0], sizes = [1, 80], strides = [1, 1]} : vector<1x128xf32> to vector<1x80xf32>
      %get3A_22 = arith.constant 0 : index
      %get3A_23 = arith.constant 0 : index
      %get3A_24 = vector.load %arg11[%get3A_22, %get3A_23] : memref<512x128xf32, #tpu.memory_space<vmem>>, vector<512x128xf32>
      %slice3A_25 = vector.extract_strided_slice %get3A_24 {offsets = [0, 0], sizes = [512, 80], strides = [1, 1]} : vector<512x128xf32> to vector<512x80xf32>
      %max3A = arith.constant 1.000000e+00 : f32
      %max3A_26 = vector.broadcast %max3A : f32 to vector<1x80xf32>
      %max3A_27 = arith.maximumf %slice3A, %max3A_26 : vector<1x80xf32>
      %div3A = vector.broadcast %max3A_27 : vector<1x80xf32> to vector<512x80xf32>
      %div3A_28 = arith.divf %slice3A_25, %div3A : vector<512x80xf32>
      %get3A_29 = arith.constant 0 : index
      %get3A_30 = arith.constant 0 : index
      %get3A_31 = vector.load %arg6[%get3A_29, %get3A_30] : memref<80x512xf32, #tpu.memory_space<vmem>>, vector<80x512xf32>
      %transpose3A = tpu.transpose %get3A_31, [1, 0] : vector<80x512xf32> -> vector<512x80xf32>
      %mul3A = arith.mulf %transpose3A, %div3A_28 : vector<512x80xf32>
      %reduce_sum3A = arith.constant dense<0.000000e+00> : vector<80xf32>
      %reduce_sum3A_32 = vector.multi_reduction <add>, %mul3A, %reduce_sum3A [0] : vector<512x80xf32> to vector<80xf32>
      %broadcast_in_dim3A = vector.shape_cast %reduce_sum3A_32 : vector<80xf32> to vector<1x80xf32>
      %mul3A_33 = arith.mulf %transpose3A, %transpose3A : vector<512x80xf32>
      %reduce_sum3A_34 = arith.constant dense<0.000000e+00> : vector<80xf32>
      %reduce_sum3A_35 = vector.multi_reduction <add>, %mul3A_33, %reduce_sum3A_34 [0] : vector<512x80xf32> to vector<80xf32>
      %broadcast_in_dim3A_36 = vector.shape_cast %reduce_sum3A_35 : vector<80xf32> to vector<1x80xf32>
      %add3A = arith.constant 9.99999996E-13 : f32
      %add3A_37 = vector.broadcast %add3A : f32 to vector<1x80xf32>
      %add3A_38 = arith.addf %broadcast_in_dim3A_36, %add3A_37 : vector<1x80xf32>
      %sqrt3A = math.sqrt %add3A_38 : vector<1x80xf32>
      %max3A_39 = arith.constant 9.99999993E-9 : f32
      %max3A_40 = vector.broadcast %max3A_39 : f32 to vector<1x80xf32>
      %max3A_41 = arith.maximumf %sqrt3A, %max3A_40 : vector<1x80xf32>
      %mul3A_42 = arith.mulf %div3A_28, %div3A_28 : vector<512x80xf32>
      %reduce_sum3A_43 = arith.constant dense<0.000000e+00> : vector<80xf32>
      %reduce_sum3A_44 = vector.multi_reduction <add>, %mul3A_42, %reduce_sum3A_43 [0] : vector<512x80xf32> to vector<80xf32>
      %broadcast_in_dim3A_45 = vector.shape_cast %reduce_sum3A_44 : vector<80xf32> to vector<1x80xf32>
      %add3A_46 = arith.constant 9.99999996E-13 : f32
      %add3A_47 = vector.broadcast %add3A_46 : f32 to vector<1x80xf32>
      %add3A_48 = arith.addf %broadcast_in_dim3A_45, %add3A_47 : vector<1x80xf32>
      %sqrt3A_49 = math.sqrt %add3A_48 : vector<1x80xf32>
      %max3A_50 = arith.constant 9.99999993E-9 : f32
      %max3A_51 = vector.broadcast %max3A_50 : f32 to vector<1x80xf32>
      %max3A_52 = arith.maximumf %sqrt3A_49, %max3A_51 : vector<1x80xf32>
      %mul3A_53 = arith.mulf %max3A_41, %max3A_52 : vector<1x80xf32>
      %div3A_54 = arith.divf %broadcast_in_dim3A, %mul3A_53 : vector<1x80xf32>
      %add3A_55 = arith.constant 1.000000e+00 : f32
      %add3A_56 = vector.broadcast %add3A_55 : f32 to vector<1x80xf32>
      %add3A_57 = arith.addf %div3A_54, %add3A_56 : vector<1x80xf32>
      %mul3A_58 = arith.constant 5.000000e-01 : f32
      %mul3A_59 = vector.broadcast %mul3A_58 : f32 to vector<1x80xf32>
      %mul3A_60 = arith.mulf %add3A_57, %mul3A_59 : vector<1x80xf32>
      %mul3A_61 = vector.broadcast %mul3A_60 : vector<1x80xf32> to vector<512x80xf32>
      %mul3A_62 = arith.mulf %mul3A_61, %div3A_28 : vector<512x80xf32>
      %sub3A = arith.constant 1.000000e+00 : f32
      %sub3A_63 = vector.broadcast %sub3A : f32 to vector<1x80xf32>
      %sub3A_64 = arith.subf %sub3A_63, %mul3A_60 : vector<1x80xf32>
      %mul3A_65 = vector.broadcast %sub3A_64 : vector<1x80xf32> to vector<512x80xf32>
      %mul3A_66 = arith.mulf %mul3A_65, %transpose3A : vector<512x80xf32>
      %add3A_67 = arith.addf %mul3A_62, %mul3A_66 : vector<512x80xf32>
      %gt3A = arith.constant 0.000000e+00 : f32
      %gt3A_68 = vector.broadcast %gt3A : f32 to vector<1x80xf32>
      %gt3A_69 = arith.cmpf ogt, %slice3A, %gt3A_68 : vector<1x80xf32>
      %broadcast_in_dim3A_70 = vector.shape_cast %gt3A_69 : vector<1x80xi1> to vector<1x80xi1>
      %broadcast_in_dim3A_71 = vector.broadcast %broadcast_in_dim3A_70 : vector<1x80xi1> to vector<512x80xi1>
      %select_n3A = arith.select %broadcast_in_dim3A_71, %add3A_67, %transpose3A : vector<512x80xi1>, vector<512x80xf32>
      %transpose3A_72 = tpu.transpose %select_n3A, [1, 0] : vector<512x80xf32> -> vector<80x512xf32>
      %swap3A = arith.constant 0 : index
      %swap3A_73 = arith.constant 0 : index
      %swap3A_74 = vector.load %arg8[%swap3A, %swap3A_73] : memref<80x512xf32, #tpu.memory_space<vmem>>, vector<80x512xf32>
      tpu.vector_store %arg8[%swap3A, %swap3A_73], %transpose3A_72 {strides = array<i32>} : memref<80x512xf32, #tpu.memory_space<vmem>>, vector<80x512xf32>,
    } else {
    }
    return
  }
  func.func @transform_0(%arg0: i32) -> (i32, i32, i32) {
    %jit3A = arith.constant 0 : i32
    %jit3A_0 = arith.constant 7 : i32
    %max3A = arith.maxsi %jit3A, %arg0 : i32
    %min3A = arith.minsi %jit3A_0, %max3A : i32
    %c0_i32 = arith.constant 0 : i32
    %c0_i32_1 = arith.constant 0 : i32
    %c0_i32_2 = arith.constant 0 : i32
    return %min3A, %c0_i32, %c0_i32_1 : i32, i32, i32
  }
  func.func @transform_1(%arg0: i32) -> (i32, i32) {
    %jit3A = arith.constant 0 : i32
    %jit3A_0 = arith.constant 7 : i32
    %max3A = arith.maxsi %jit3A, %arg0 : i32
    %min3A = arith.minsi %jit3A_0, %max3A : i32
    %c0_i32 = arith.constant 0 : i32
    %c0_i32_1 = arith.constant 0 : i32
    return %min3A, %c0_i32 : i32, i32
  }
  func.func @transform_2(%arg0: i32) -> (i32, i32, i32) {
    %sub3A = arith.constant 8 : i32
    %sub3A_0 = arith.subi %arg0, %sub3A : i32
    %jit3A = arith.constant 0 : i32
    %jit3A_1 = arith.constant 7 : i32
    %max3A = arith.maxsi %jit3A, %sub3A_0 : i32
    %min3A = arith.minsi %jit3A_1, %max3A : i32
    %c0_i32 = arith.constant 0 : i32
    %c0_i32_2 = arith.constant 0 : i32
    %c0_i32_3 = arith.constant 0 : i32
    return %min3A, %c0_i32, %c0_i32_2 : i32, i32, i32
  }
  func.func @transform_3(%arg0: i32) -> (i32, i32) {
    %sub3A = arith.constant 8 : i32
    %sub3A_0 = arith.subi %arg0, %sub3A : i32
    %jit3A = arith.constant 0 : i32
    %jit3A_1 = arith.constant 7 : i32
    %max3A = arith.maxsi %jit3A, %sub3A_0 : i32
    %min3A = arith.minsi %jit3A_1, %max3A : i32
    %c0_i32 = arith.constant 0 : i32
    %c0_i32_2 = arith.constant 0 : i32
    return %min3A, %c0_i32 : i32, i32
  }
  func.func @transform_4(%arg0: i32) -> (i32, i32) {
    %c0_i32 = arith.constant 0 : i32
    %c0_i32_0 = arith.constant 0 : i32
    %c0_i32_1 = arith.constant 0 : i32
    return %c0_i32, %c0_i32_0 : i32, i32
  }
  func.func @transform_5(%arg0: i32) -> (i32, i32) {
    %c0_i32 = arith.constant 0 : i32
    %c0_i32_0 = arith.constant 0 : i32
    %c0_i32_1 = arith.constant 0 : i32
    return %c0_i32, %c0_i32_0 : i32, i32
  }
  func.func @transform_6(%arg0: i32) -> (i32, i32) {
    %c0_i32 = arith.constant 0 : i32
    %c0_i32_0 = arith.constant 0 : i32
    %c0_i32_1 = arith.constant 0 : i32
    return %c0_i32, %c0_i32_0 : i32, i32
  }
  func.func @transform_7(%arg0: i32) -> (i32, i32) {
    %c0_i32 = arith.constant 0 : i32
    %c0_i32_0 = arith.constant 0 : i32
    %c0_i32_1 = arith.constant 0 : i32
    return %c0_i32, %c0_i32_0 : i32, i32
  }
}

</mosaic_0001>

<sc_bundles>
// kernel: kernel.10.cloned.1.call-start
scs
__scs_entry_jumppad:
0x0: {  	(pc) =	sbr.rel $0x88, $3  }
0x1: {  	(tag) =	ssettag $0x0;
	lr =	simm.s32 $0x1  }
0x2: {  	[smem:$0x3F9A] =	sst lr;
	_ =	strace $0xD0000000  }
0x3: {  	_ = 	snop  }
0x4: {  	_ = 	snop  }
0x5: {  	_ = 	snop  }
0x6: {  	_ = 	snop  }
0x7: {  	_ = 	snop  }
__scs_overlays_trampoline_lowered:
0x8: {  	[smem:$0x3FA9] =	sst s0  }
0x9: {  	[smem:$0x3FAA] =	sst s1  }
0xa: {  	[smem:$0x3FAB] =	sst s2  }
0xb: {  	[smem:$0x3FAC] =	sst s3  }
0xc: {  	[smem:$0x3FAD] =	sst s4  }
0xd: {  	[smem:$0x3FAE] =	sst s5  }
0xe: {  	[smem:$0x3FAF] =	sst s6  }
0xf: {  	[smem:$0x3FB0] =	sst s7  }
0x10: {  	[smem:$0x3FB1] =	sst s8  }
0x11: {  	[smem:$0x3FB2] =	sst s9;
	s0 =	simm.s32 @!p0 $0x0  }
0x12: {  	s1 =	sld [smem:$0x3F98];
	s0 =	simm.s32 @p0 $0x1  }
0x13: {  	[smem:$0x3FB3] =	sst s0;
	s0 =	simm.s32 @!p1 $0x0  }
0x14: {  	s2 =	sld [smem:$0x3F97];
	s0 =	simm.s32 @p1 $0x1  }
0x15: {  	[smem:$0x3FB4] =	sst s0;
	s0 =	simm.s32 @!p2 $0x0  }
0x16: {  	s3 =	sld [smem:$0x3FDB];
	s0 =	simm.s32 @p2 $0x1  }
0x17: {  	s4 =	simm.s32 $0x1BF5;
	[smem:$0x3FB6] =	sst s0  }
0x18: {  	s0 =	sld [smem:$0x3F99];
	_ =	swait.ge [sflag:s4], $0x0  }
0x19: {  	s7 =	sld [smem:$0x3F9A]  }
0x1a: {  	s8 =	sadd.s32 $0xFFFFE003, lr  }
0x1b: {  	s9 =	sadd.s32 $0xFFFFFEF7, lr;
	s5 =	simm.s32 $0xFFFFFFFF;
	p2 =	slt.u32 s8, $0xFFFFF086  }
0x1c: {  	p1 =	slt.u32 s9, $0xF7A;
	s5 =	simm.s32 @!p2 $0x0  }
0x1d: {  	s5 =	simm.s32 @p1 $0x1;
	p0 =	seq.s32 s7, s2  }
0x1e: {  	s7 =	smul.u32 @!p0 $0xF7A, s2;
	p2 =	seq.s32 @!p0 s5, $0x0  }
0x1f: {  	s9 =	smul.u32 $0xF7A, s1;
	s8 =	simm.s32 @!p0 $0x1BF5;
	p2 =	por !p2, p0  }
0x20: {  	[sflag:s8] =	ssyncset.s32 @!p0 $0xFFFFF086;
	s6 =	sadd.s32 @!p0 s3, s7;
	s7 =	simm.s32 @!p0 $0x108  }
0x21: {  	s3 =	sadd.s32 s3, s9;
	s6 =	sadd.s32 @!p0 $0x88, s6;
	s7 =	simm.s32 @p2 $0x1082  }
0x22: {  	[simem:s7], [sflag:s8] =	dma.local @!p0 [hbm:s6], $0xF7A  }
0x23: {  	s9 =	sor.u32 $0xD0000000, s2;
	s6 =	simm.s32 $0x108;
	_ =	swait.ge @!p0 [sflag:s8], $0x0  }
0x24: {  	s3 =	sadd.s32 $0x88, s3;
	s6 =	simm.s32 @!p1 $0x1082;
	[sflag:s4] =	ssyncset.s32 $0xFFFFF086  }
0x25: {  	[simem:s6], [sflag:s4] =	dma.local [hbm:s3], $0xF7A  }
0x26: {  	[smem:$0x3F9A] =	sst s1;
	(tag) =	ssettag s2;
	_ =	strace s9  }
0x27: {  	s1 =	sld [smem:$0x3FAA]  }
0x28: {  	s2 =	sld [smem:$0x3FAB]  }
0x29: {  	s4 =	sld [smem:$0x3FAD]  }
0x2a: {  	p0 =	seq.s32 s5, $0x0;
	s5 =	sld [smem:$0x3FAE]  }
0x2b: {  	s6 =	sld [smem:$0x3FAF]  }
0x2c: {  	s7 =	sld [smem:$0x3FB0]  }
0x2d: {  	s3 =	simm.s32 $0x108;
	s8 =	sld [smem:$0x3FB1]  }
0x2e: {  	s3 =	simm.s32 @!p0 $0x1082;
	s9 =	sld [smem:$0x3FB2]  }
0x2f: {  	lr =	sadd.s32 s0, s3;
	s0 =	sld [smem:$0x3FA9]  }
0x30: {  	s3 =	sld [smem:$0x3FAC]  }
0x31: {  	[smem:$0x3FB5] =	sst s10  }
0x32: {  	s10 =	sld [smem:$0x3FB3];
	_ =	sdelay $0x3  }
0x33: {  	p0 =	seq.s32 s10, $0x1;
	s10 =	sld [smem:$0x3FB5];
	_ =	sdelay $0x3  }
0x34: {  	[smem:$0x3FB5] =	sst s10  }
0x35: {  	s10 =	sld [smem:$0x3FB4];
	_ =	sdelay $0x3  }
0x36: {  	p1 =	seq.s32 s10, $0x1;
	s10 =	sld [smem:$0x3FB5];
	_ =	sdelay $0x3  }
0x37: {  	[smem:$0x3FB5] =	sst s10  }
0x38: {  	s10 =	sld [smem:$0x3FB6]  }
0x39: {  	_ = 	snop;
	(pc) =	sbr.ind lr, $3  }
0x3a: {  	_ = 	snop  }
0x3b: {  	_ = 	snop  }
0x3c: {  	p2 =	seq.s32 s10, $0x1;
	s10 =	sld [smem:$0x3FB5]  }
0x3d: {  	_ =	shalt  }
0x3e: {  	_ =	shalt  }
0x3f: {  	_ =	shalt  }
0x40: {  	_ =	shalt  }
0x41: {  	_ =	shalt  }
0x42: {  	_ =	shalt  }
0x43: {  	_ =	shalt  }
0x44: {  	_ =	shalt  }
0x45: {  	_ =	shalt  }
0x46: {  	_ =	shalt  }
0x47: {  	_ =	shalt  }
0x48: {  	_ =	shalt  }
0x49: {  	_ =	shalt  }
0x4a: {  	_ =	shalt  }
0x4b: {  	_ =	shalt  }
0x4c: {  	_ =	shalt  }
0x4d: {  	_ =	shalt  }
0x4e: {  	_ =	shalt  }
0x4f: {  	_ =	shalt  }
0x50: {  	_ =	shalt  }
0x51: {  	_ =	shalt  }
0x52: {  	_ =	shalt  }
0x53: {  	_ =	shalt  }
0x54: {  	_ =	shalt  }
0x55: {  	_ =	shalt  }
0x56: {  	_ =	shalt  }
0x57: {  	_ =	shalt  }
0x58: {  	_ =	shalt  }
0x59: {  	_ =	shalt  }
0x5a: {  	_ =	shalt  }
0x5b: {  	_ =	shalt  }
0x5c: {  	_ =	shalt  }
0x5d: {  	_ =	shalt  }
0x5e: {  	_ =	shalt  }
0x5f: {  	_ =	shalt  }
0x60: {  	_ =	shalt  }
0x61: {  	_ =	shalt  }
0x62: {  	_ =	shalt  }
0x63: {  	_ =	shalt  }
0x64: {  	_ =	shalt  }
0x65: {  	_ =	shalt  }
0x66: {  	_ =	shalt  }
0x67: {  	_ =	shalt  }
0x68: {  	_ =	shalt  }
0x69: {  	_ =	shalt  }
0x6a: {  	_ =	shalt  }
0x6b: {  	_ =	shalt  }
0x6c: {  	_ =	shalt  }
0x6d: {  	_ =	shalt  }
0x6e: {  	_ =	shalt  }
0x6f: {  	_ =	shalt  }
0x70: {  	_ =	shalt  }
0x71: {  	_ =	shalt  }
0x72: {  	_ =	shalt  }
0x73: {  	_ =	shalt  }
0x74: {  	_ =	shalt  }
0x75: {  	_ =	shalt  }
0x76: {  	_ =	shalt  }
0x77: {  	_ =	shalt  }
0x78: {  	_ =	shalt  }
0x79: {  	_ =	shalt  }
0x7a: {  	_ =	shalt  }
0x7b: {  	_ =	shalt  }
0x7c: {  	_ =	shalt  }
0x7d: {  	_ =	shalt  }
0x7e: {  	_ =	shalt  }
0x7f: {  	_ =	shalt  }
0x80: {  	_ =	shalt  }
0x81: {  	_ =	shalt  }
0x82: {  	_ =	shalt  }
0x83: {  	_ =	shalt  }
0x84: {  	_ =	shalt  }
0x85: {  	_ =	shalt  }
0x86: {  	_ =	shalt  }
0x87: {  	_ =	shalt  }
.Lfunc_end0:
.L_simem_size_0:
called_computation.1_lowered:
.L_overlay_start_0:
0x88: {  	s2 =	sld [smem:$0x3FD9]  }
0x89: {  	s3 =	sld [smem:$0x3FFE];
	_ =	sdelay $0x1  }
0x8a: {  	s1 =	srdreg.scid  }
0x8b: {  	s0 =	sand.u32 $0x1, s1  }
0x8c: {  	s14 =	sshll.u32 s0, $0xA;
	s2 =	sadd.s32 s3, s2  }
0x8d: {  	s2 =	sadd.s32 s2, s14  }
0x8e: {  	[smem:$0x3FC1] =	sst s2  }
0x8f: {  	_ = 	snop  }
0x90: {  	s2 =	sld [smem:$0x3FD0];
	_ =	sdelay $0x2  }
0x91: {  	s15 =	simm.s32 $0xB;
	s4 =	simm.s32 $0x10  }
0x92: {  	[smem:s4], [sflag:s15] =	dma.local [hbm:s2], $0x1  }
0x93: {  	_ =	swait.eq [sflag:s15], $0x1  }
0x94: {  	[sflag:s15] =	ssyncset.done $0x0  }
0x95: {  	s16 =	sld [smem:$0x10];
	[sflag:s15] =	ssyncadd.s32 $0xFFFFFFFF  }
0x96: {  	s17 =	sld [smem:$0x11];
	(tm) =	ssettm $0x1  }
0x97: {  	s18 =	sld [smem:$0x3FFB];
	_ =	sdelay $0x3  }
0x98: {  	_ =	strace s18  }
0x99: {  	s4 =	sld [smem:$0x3FFC];
	_ =	sdelay $0x3  }
0x9a: {  	_ =	strace s4  }
0x9b: {  	s4 =	sld [smem:$0x3FFD];
	_ =	sdelay $0x3  }
0x9c: {  	_ =	strace s4  }
0x9d: {  	_ =	strace $0x8FFFFFFF  }
0x9e: {  	s19 =	sld [smem:$0x3FDB];
	_ =	sdelay $0x1  }
0x9f: {  	s5 =	simm.s32 $_scs_section_size  }
0xa0: {  	s6 =	simm.s32 $_size__tile_overlayer_lowered;
	s7 =	simm.s32 $_tile_overlayer_lowered  }
0xa1: {  	s22 =	simm.s32 $0x1BFF;
	s21 =	sshll.u32 s7, $0x1;
	s4 =	sadd.s32 s5, s19  }
0xa2: {  	s8 =	simm.s32 $0x0;
	s20 =	sshll.u32 s6, $0x1;
	s6 =	sadd.s32 s21, s4  }
0xa3: {  	[timem:s8], [sflag:s22] =	dma.local [hbm:s6], s20  }
0xa4: {  	_ =	swait.ge [sflag:s22], s20  }
0xa5: {  	s5 =	ssub.s32 $0x0, s20;
	[sflag:s22] =	ssyncset.done $0x0  }
0xa6: {  	[sflag:s22] =	ssyncadd.s32 s5;
	_ =	sdelay $0x1  }
0xa7: {  	s23 =	simm.s32 $0x1B8B  }
0xa8: {  	_ =	swait.ge [sflag:s23], $0x1  }
0xa9: {  	[sflag:s23] =	ssyncset.done $0x0  }
0xaa: {  	s25 =	simm.s32 $0x1B8E;
	s24 =	sld [smem:$0x3FFE];
	[sflag:s23] =	ssyncadd.s32 $0xFFFFFFFF  }
0xab: {  	s26 =	simm.s32 $execute0_lowered;
	[smem:$0x3FD2] =	sst s25  }
0xac: {  	s6 =	sshll.u32 s26, $0x1;
	_ =	strace $0x80000046;
	[dreg:$0x1] =	wrdreg $0xFFFFFFFF  }
0xad: {  	s28 =	simm.s32 $_size_execute0_lowered;
	s4 =	sadd.s32 s4, s6;
	[dreg:$0x0] =	wrdreg $0x0  }
0xae: {  	s6 =	sshll.u32 s28, $0x1;
	[dreg:$0x2] =	wrdreg s4  }
0xaf: {  	[dreg:$0x3] =	wrdreg s6  }
0xb0: {  	[dreg:$0x4] =	wrdreg $0xC0  }
0xb1: {  	_ =	task [dreg:s8], $0x5FFFF  }
0xb2: {  	[dreg:$0x1] =	wrdreg $0xFFFFFFFF  }
0xb3: {  	[dreg:$0x0] =	wrdreg $0x60  }
0xb4: {  	[dreg:$0x2] =	wrdreg s16  }
0xb5: {  	[dreg:$0x3] =	wrdreg s17  }
0xb6: {  	[dreg:$0x4] =	wrdreg s24  }
0xb7: {  	[dreg:$0x5] =	wrdreg $0xA  }
0xb8: {  	_ =	task.clear_ibuf [dreg:s8], $0x6FFFF;
	_ =	strace $0x90000046  }
0xb9: {  	s29 =	simm.s32 $0xA;
	_ =	strace $0x80000048  }
0xba: {  	_ =	swait.ge [sflag:s29], $0x1  }
0xbb: {  	[sflag:s29] =	ssyncadd.s32 $0xFFFFFFFF  }
0xbc: {  	_ =	strace $0x90000048  }
0xbd: {  	_ =	sfence  }
0xbe: {  	s30 =	sld [smem:$0x0];
	_ =	sdelay $0x2  }
0xbf: {  	s31 =	sshll.u32 s1, $0xD;
	s1 =	sshrl.u32 s1, $0x2  }
0xc0: {  	s3 =	sand.u32 $0x4000, s31;
	s1 =	sadd.s32 s1, s30  }
0xc1: {  	s0 =	sor.u32 s3, s0;
	s1 =	sshll.u32 s1, $0x11  }
0xc2: {  	s0 =	sor.u32 s1, s0  }
0xc3: {  	s0 =	sadd.s32 $0x8F2B, s0  }
0xc4: {  	[sflag:s0] =	ssyncadd.remote.s32 $0x1  }
0xc5: {  	_ =	sfence.sel $0xFFFF  }
0xc6: {  	[dreg:$0x0] =	wrdreg $0xFFFFFFFF;
	(pc) =	sbr.abs _section_cstart, $3  }
0xc7: {  	[dreg:$0x1] =	wrdreg $0xFFFFFFFF  }
0xc8: {  	_ =	task.clear_ibuf [dreg:s8], $0x2FFFF;
	_ =	strace $0x9FFFFFFF  }
0xc9: {  	(tm) =	ssettm $0x7FFFFFFF  }
tec
execute0_lowered:
.L_overlay_start_1:
0x0: {  	(tag) =	ssettag $0x1  }
0x1: {  	s1 =	rddreg [dreg:$0x0]  }
0x2: {  	s2 =	srdreg.scid;
	s0 =	stileid.u32  }
0x3: {  	s3 =	rddreg [dreg:$0x1];
	s6 =	sand.u32 $0x1, s2;
	s7 =	sshll.u32 s0, $0x1  }
0x4: {  	s5 =	rddreg [dreg:$0x2];
	s4 =	simm.s32 $0x0;
	s7 =	sor.u32 s6, s7  }
0x5: {  	s2 =	rddreg [dreg:$0x3];
	s30 =	ssub.s32 $0x2, s6;
	s9 =	smul.u32 $0x19000, s7  }
0x6: {  	[smem:$0x7FF] =	sst s4;
	s29 =	sadd.s32 $0x3A00, s5;
	s6 =	sshrl.u32 s30, $0x1  }
0x7: {  	_ =	strace $0x80000047;
	s11 =	ssub.s32 s30, s6;
	s8 =	sshrl.u32 s9, $0x3  }
0x8: {  	s10 =	sadd.s32 $0x320000, s9;
	s7 =	smax.u32 s11, $0x1;
	v0 =	vmov s9;
	s9 =	simm.s32 $0x1  }
0x9: {  	s11 =	simm.s32 $0x0;
	s5 =	sadd.s32 s29, s8;
	s31 =	sshrl.u32 s10, $0x3  }
0xa: {  	v2 =	vimm.f32 $0.0e+00;
	s8 =	simm.s32 $0x19000;
	v1 =	vmov s10;
	s10 =	simm.s32 $0x1A200;
	s6 =	sadd.s32 s29, s31  }
.LBB2_1:
0xb: {  	[tilespmem:s8], [sflag:$0x1] =	stream.linear.gather [hbm4b:s1+s4], $0x1200, $0x38;
	[tilespmem:$0x1B400] =	vst v63  }
0xc: {  	_ =	swait.ge [sflag:s9], $0x1200  }
0xd: {  	[sflag:s9] =	ssyncset.done $0x0  }
0xe: {  	[sflag:s9] =	ssyncadd.s32 $0xFFFFEE00  }
0xf: {  	[tilespmem:s10], [sflag:$0x1] =	stream.linear.gather [hbm4b:s3+s4], $0x1200, $0x38;
	[tilespmem:$0x1B400] =	vst v63  }
0x10: {  	_ =	swait.ge [sflag:s9], $0x1200  }
0x11: {  	[sflag:s9] =	ssyncset.done $0x0  }
0x12: {  	s15 =	simm.s32 $0x40;
	[sflag:s9] =	ssyncadd.s32 $0xFFFFEE00  }
0x13: {  	[tilespmem:s15+$0xFFFFFFC0] =	vst v2  }
0x14: {  	[tilespmem:s15+$0x30] =	vst v2  }
0x15: {  	[tilespmem:s15+$0x20] =	vst v2  }
0x16: {  	[tilespmem:s15+$0x10] =	vst v2  }
0x17: {  	[tilespmem:s15+$0x0] =	vst v2  }
0x18: {  	[tilespmem:s15+$0xFFFFFFF0] =	vst v2  }
0x19: {  	s16 =	simm.s32 $0x0;
	s12 =	simm.s32 $0x1A220;
	s13 =	simm.s32 $0x19020;
	[tilespmem:s15+$0xFFFFFFE0] =	vst v2  }
.LBB2_2:
0x1a: {  	s16 =	sadd.s32 $0x8, s16;
	[tilespmem:s15+$0xFFFFFFD0] =	vst v2;
	s15 =	sadd.s32 $0x80, s15;
	s14 =	simm.s32 $0xFFFFFFFC  }
0x1b: {  	[tilespmem:s15+$0xFFFFFFC0] =	vst v2;
	p0 =	slt.u32 s16, $0x18F8  }
0x1c: {  	[tilespmem:s15+$0x30] =	vst v2  }
.Ltmp0:
0x1d: {  	[tilespmem:s15+$0x20] =	vst v2;
	(pc) =	sbr.rel @p0 .LBB2_2-.Ltmp0, $4  }
0x1e: {  	[tilespmem:s15+$0x10] =	vst v2  }
0x1f: {  	[tilespmem:s15+$0x0] =	vst v2  }
0x20: {  	[tilespmem:s15+$0xFFFFFFF0] =	vst v2  }
0x21: {  	[tilespmem:s15+$0xFFFFFFE0] =	vst v2  }
0x22: {  	[tilespmem:s15+$0xFFFFFFD0] =	vst v2  }
.LBB2_4:
0x23: {  	v3 =	vld [tilespmem:s13+$0xFFFFFFE0];
	_ =	sdelay $0x4  }
0x24: {  	v3 =	vsub.s32 v3, v0  }
0x25: {  	vm0 =	vlt.u32 v3, $0x19000  }
0x26: {  	v4 =	vld [tilespmem:s12+$0xFFFFFFE0];
	v3 =	vnsel vm0, $0x0, v3;
	_ =	sdelay $0x4  }
0x27: {  	[tilespmem:v3+s4+$0x0] =	vst.idx.add.f32.msk vm0, v4  }
0x28: {  	v3 =	vld [tilespmem:s13+$0xFFFFFFF0];
	_ =	sdelay $0x4  }
0x29: {  	v3 =	vsub.s32 v3, v0  }
0x2a: {  	vm13 =	vlt.u32 v3, $0x19000  }
0x2b: {  	v4 =	vld [tilespmem:s12+$0xFFFFFFF0];
	v3 =	vnsel vm13, $0x0, v3;
	_ =	sdelay $0x4  }
0x2c: {  	[tilespmem:v3+s4+$0x0] =	vst.idx.add.f32.msk vm13, v4  }
0x2d: {  	v3 =	vld [tilespmem:s13+$0x0];
	_ =	sdelay $0x4  }
0x2e: {  	v3 =	vsub.s32 v3, v0  }
0x2f: {  	vm14 =	vlt.u32 v3, $0x19000  }
0x30: {  	v4 =	vld [tilespmem:s12+$0x0];
	v3 =	vnsel vm14, $0x0, v3;
	_ =	sdelay $0x4  }
0x31: {  	[tilespmem:v3+s4+$0x0] =	vst.idx.add.f32.msk vm14, v4  }
0x32: {  	v3 =	vld [tilespmem:s13+$0x10];
	_ =	sdelay $0x4  }
0x33: {  	v3 =	vsub.s32 v3, v0  }
0x34: {  	s14 =	sadd.s32 $0x4, s14;
	vm15 =	vlt.u32 v3, $0x19000  }
0x35: {  	p0 =	slt.u32 s14, $0x114;
	v4 =	vld [tilespmem:s12+$0x10];
	v3 =	vnsel vm15, $0x0, v3  }
.Ltmp1:
0x36: {  	_ = 	snop;
	(pc) =	sbr.rel @p0 .LBB2_4-.Ltmp1, $2  }
0x37: {  	_ =	sdelay $0x2  }
0x38: {  	s12 =	sadd.s32 $0x40, s12;
	s13 =	sadd.s32 $0x40, s13;
	[tilespmem:v3+s4+$0x0] =	vst.idx.add.f32.msk vm15, v4  }
0x39: {  	v3 =	vld [tilespmem:$0x1A180];
	_ =	sdelay $0x4  }
0x3a: {  	v3 =	vsub.s32 v3, v0  }
0x3b: {  	vm0 =	vlt.u32 v3, $0x19000  }
0x3c: {  	v4 =	vld [tilespmem:$0x1B380];
	v3 =	vnsel vm0, $0x0, v3;
	_ =	sdelay $0x4  }
0x3d: {  	[tilespmem:v3+s4+$0x0] =	vst.idx.add.f32.msk vm0, v4  }
0x3e: {  	v3 =	vld [tilespmem:$0x1A190];
	_ =	sdelay $0x4  }
0x3f: {  	v3 =	vsub.s32 v3, v0  }
0x40: {  	vm15 =	vlt.u32 v3, $0x19000  }
0x41: {  	v4 =	vld [tilespmem:$0x1B390];
	v3 =	vnsel vm15, $0x0, v3;
	_ =	sdelay $0x4  }
0x42: {  	[tilespmem:v3+s4+$0x0] =	vst.idx.add.f32.msk vm15, v4  }
0x43: {  	[hbm4b:s5+s4] =	stream.linear.scatter [tilespmem:s4], [sflag:$0x1], $0x19000, $0x38;
	[tilespmem:$0x1B400] =	vst v63  }
0x44: {  	_ =	swait.ge [sflag:s9], $0x19000  }
0x45: {  	[sflag:s9] =	ssyncset.done $0x0  }
0x46: {  	s14 =	simm.s32 $0x40;
	[sflag:s9] =	ssyncadd.s32 $0xFFFE7000  }
0x47: {  	[tilespmem:s14+$0xFFFFFFC0] =	vst v2  }
0x48: {  	[tilespmem:s14+$0x30] =	vst v2  }
0x49: {  	[tilespmem:s14+$0x20] =	vst v2  }
0x4a: {  	[tilespmem:s14+$0x10] =	vst v2  }
0x4b: {  	[tilespmem:s14+$0x0] =	vst v2  }
0x4c: {  	[tilespmem:s14+$0xFFFFFFF0] =	vst v2  }
0x4d: {  	s15 =	simm.s32 $0x0;
	[tilespmem:s14+$0xFFFFFFE0] =	vst v2  }
.LBB2_6:
0x4e: {  	s15 =	sadd.s32 $0x8, s15;
	[tilespmem:s14+$0xFFFFFFD0] =	vst v2;
	s14 =	sadd.s32 $0x80, s14  }
0x4f: {  	[tilespmem:s14+$0xFFFFFFC0] =	vst v2;
	p0 =	slt.u32 s15, $0x18F8  }
0x50: {  	[tilespmem:s14+$0x30] =	vst v2  }
.Ltmp2:
0x51: {  	[tilespmem:s14+$0x20] =	vst v2;
	(pc) =	sbr.rel @p0 .LBB2_6-.Ltmp2, $4  }
0x52: {  	[tilespmem:s14+$0x10] =	vst v2  }
0x53: {  	[tilespmem:s14+$0x0] =	vst v2  }
0x54: {  	[tilespmem:s14+$0xFFFFFFF0] =	vst v2  }
0x55: {  	s12 =	simm.s32 $0x1A220;
	s13 =	simm.s32 $0x19020;
	[tilespmem:s14+$0xFFFFFFE0] =	vst v2  }
0x56: {  	[tilespmem:s14+$0xFFFFFFD0] =	vst v2;
	s14 =	simm.s32 $0xFFFFFFFC  }
.LBB2_8:
0x57: {  	v3 =	vld [tilespmem:s13+$0xFFFFFFE0];
	_ =	sdelay $0x4  }
0x58: {  	v3 =	vsub.s32 v3, v1  }
0x59: {  	vm0 =	vlt.u32 v3, $0x19000  }
0x5a: {  	v4 =	vld [tilespmem:s12+$0xFFFFFFE0];
	v3 =	vnsel vm0, $0x0, v3;
	_ =	sdelay $0x4  }
0x5b: {  	[tilespmem:v3+s4+$0x0] =	vst.idx.add.f32.msk vm0, v4  }
0x5c: {  	v3 =	vld [tilespmem:s13+$0xFFFFFFF0];
	_ =	sdelay $0x4  }
0x5d: {  	v3 =	vsub.s32 v3, v1  }
0x5e: {  	vm13 =	vlt.u32 v3, $0x19000  }
0x5f: {  	v4 =	vld [tilespmem:s12+$0xFFFFFFF0];
	v3 =	vnsel vm13, $0x0, v3;
	_ =	sdelay $0x4  }
0x60: {  	[tilespmem:v3+s4+$0x0] =	vst.idx.add.f32.msk vm13, v4  }
0x61: {  	v3 =	vld [tilespmem:s13+$0x0];
	_ =	sdelay $0x4  }
0x62: {  	v3 =	vsub.s32 v3, v1  }
0x63: {  	vm14 =	vlt.u32 v3, $0x19000  }
0x64: {  	v4 =	vld [tilespmem:s12+$0x0];
	v3 =	vnsel vm14, $0x0, v3;
	_ =	sdelay $0x4  }
0x65: {  	[tilespmem:v3+s4+$0x0] =	vst.idx.add.f32.msk vm14, v4  }
0x66: {  	v3 =	vld [tilespmem:s13+$0x10];
	_ =	sdelay $0x4  }
0x67: {  	v3 =	vsub.s32 v3, v1  }
0x68: {  	s14 =	sadd.s32 $0x4, s14;
	vm15 =	vlt.u32 v3, $0x19000  }
0x69: {  	p0 =	slt.u32 s14, $0x114;
	v4 =	vld [tilespmem:s12+$0x10];
	v3 =	vnsel vm15, $0x0, v3  }
.Ltmp3:
0x6a: {  	_ = 	snop;
	(pc) =	sbr.rel @p0 .LBB2_8-.Ltmp3, $2  }
0x6b: {  	_ =	sdelay $0x2  }
0x6c: {  	s12 =	sadd.s32 $0x40, s12;
	s13 =	sadd.s32 $0x40, s13;
	[tilespmem:v3+s4+$0x0] =	vst.idx.add.f32.msk vm15, v4  }
0x6d: {  	v3 =	vld [tilespmem:$0x1A180];
	_ =	sdelay $0x4  }
0x6e: {  	v3 =	vsub.s32 v3, v1  }
0x6f: {  	vm0 =	vlt.u32 v3, $0x19000  }
0x70: {  	v4 =	vld [tilespmem:$0x1B380];
	v3 =	vnsel vm0, $0x0, v3;
	_ =	sdelay $0x4  }
0x71: {  	[tilespmem:v3+s4+$0x0] =	vst.idx.add.f32.msk vm0, v4  }
0x72: {  	v3 =	vld [tilespmem:$0x1A190];
	_ =	sdelay $0x4  }
0x73: {  	v3 =	vsub.s32 v3, v1  }
0x74: {  	vm15 =	vlt.u32 v3, $0x19000  }
0x75: {  	v4 =	vld [tilespmem:$0x1B390];
	v3 =	vnsel vm15, $0x0, v3;
	_ =	sdelay $0x2  }
0x76: {  	s11 =	sadd.s32 $0x1, s11  }
0x77: {  	p0 =	sne.s32 s11, s7  }
.Ltmp4:
0x78: {  	[tilespmem:v3+s4+$0x0] =	vst.idx.add.f32.msk vm15, v4;
	(pc) =	sbr.rel @p0 .LBB2_1-.Ltmp4, $4  }
0x79: {  	[hbm4b:s6+s4] =	stream.linear.scatter [tilespmem:s4], [sflag:$0x1], $0x19000, $0x38;
	[tilespmem:$0x1B400] =	vst v63  }
0x7a: {  	_ =	swait.ge [sflag:s9], $0x19000  }
0x7b: {  	[sflag:s9] =	ssyncset.done $0x0  }
0x7c: {  	[sflag:s9] =	ssyncadd.s32 $0xFFFE7000  }
0x7d: {  	_ =	sfence.sel $0x180000  }
0x7e: {  	[bflag:$0x0] =	sbarrier.arrive $0xFFFF  }
0x7f: {  	p0 =	sne.s32 s0, $0x0;
	_ =	strace $0x90000047  }
0x80: {  	s0 =	sadd.s32 @!p0 $0x100000, s2;
	[bflag:$0x2] =	sbarrier.arrive $0xFFFF  }
0x81: {  	[sflag:s0] =	ssyncadd.tile.s32 @!p0 $0x1;
	_ =	shalt  }
.Lfunc_end2:
_tile_overlayer_lowered:
.L_overlay_start_2:
0x82: {  	(tag) =	ssettag $0x2  }
0x83: {  	s0 =	rddreg [dreg:$0x0];
	s2 =	stileid.u32  }
0x84: {  	s1 =	rddreg [dreg:$0x1];
	p0 =	sne.s32 s2, $0x0  }
0x85: {  	s3 =	rddreg [dreg:$0x2];
	[bflag:$0x3] =	sbarrier.arrive $0xFFFF;
	s2 =	simm.s32 @!p0 $0x1C01  }
0x86: {  	[timem:s3], [sflag:s2] =	dma.local @!p0 [hbm:s0], s1  }
0x87: {  	s0 =	simm.s32 @!p0 $0x1  }
0x88: {  	_ =	swait.ge @!p0 [sflag:s0], s1  }
0x89: {  	s1 =	ssub.s32 @!p0 $0x0, s1;
	[sflag:s0] =	ssyncset.done @!p0 $0x0  }
0x8a: {  	[sflag:s0] =	ssyncadd.s32 @!p0 s1  }
0x8b: {  	[bflag:$0x3] =	sbarrier.arrive $0xFFFF  }
0x8c: {  	_ =	shalt  }

// kernel: kernel.7.cloned.1.call-start
scs
__scs_entry_jumppad:
0x0: {  	(pc) =	sbr.rel $0x88, $3  }
0x1: {  	(tag) =	ssettag $0x0;
	lr =	simm.s32 $0x1  }
0x2: {  	[smem:$0x3F9A] =	sst lr;
	_ =	strace $0xD0000000  }
0x3: {  	_ = 	snop  }
0x4: {  	_ = 	snop  }
0x5: {  	_ = 	snop  }
0x6: {  	_ = 	snop  }
0x7: {  	_ = 	snop  }
__scs_overlays_trampoline_lowered:
0x8: {  	[smem:$0x3FA9] =	sst s0  }
0x9: {  	[smem:$0x3FAA] =	sst s1  }
0xa: {  	[smem:$0x3FAB] =	sst s2  }
0xb: {  	[smem:$0x3FAC] =	sst s3  }
0xc: {  	[smem:$0x3FAD] =	sst s4  }
0xd: {  	[smem:$0x3FAE] =	sst s5  }
0xe: {  	[smem:$0x3FAF] =	sst s6  }
0xf: {  	[smem:$0x3FB0] =	sst s7  }
0x10: {  	[smem:$0x3FB1] =	sst s8  }
0x11: {  	[smem:$0x3FB2] =	sst s9;
	s0 =	simm.s32 @!p0 $0x0  }
0x12: {  	s1 =	sld [smem:$0x3F98];
	s0 =	simm.s32 @p0 $0x1  }
0x13: {  	[smem:$0x3FB3] =	sst s0;
	s0 =	simm.s32 @!p1 $0x0  }
0x14: {  	s2 =	sld [smem:$0x3F97];
	s0 =	simm.s32 @p1 $0x1  }
0x15: {  	[smem:$0x3FB4] =	sst s0;
	s0 =	simm.s32 @!p2 $0x0  }
0x16: {  	s3 =	sld [smem:$0x3FDB];
	s0 =	simm.s32 @p2 $0x1  }
0x17: {  	s4 =	simm.s32 $0x1BF5;
	[smem:$0x3FB6] =	sst s0  }
0x18: {  	s0 =	sld [smem:$0x3F99];
	_ =	swait.ge [sflag:s4], $0x0  }
0x19: {  	s7 =	sld [smem:$0x3F9A]  }
0x1a: {  	s8 =	sadd.s32 $0xFFFFE003, lr  }
0x1b: {  	s9 =	sadd.s32 $0xFFFFFEF7, lr;
	s5 =	simm.s32 $0xFFFFFFFF;
	p2 =	slt.u32 s8, $0xFFFFF086  }
0x1c: {  	p1 =	slt.u32 s9, $0xF7A;
	s5 =	simm.s32 @!p2 $0x0  }
0x1d: {  	s5 =	simm.s32 @p1 $0x1;
	p0 =	seq.s32 s7, s2  }
0x1e: {  	s7 =	smul.u32 @!p0 $0xF7A, s2;
	p2 =	seq.s32 @!p0 s5, $0x0  }
0x1f: {  	s9 =	smul.u32 $0xF7A, s1;
	s8 =	simm.s32 @!p0 $0x1BF5;
	p2 =	por !p2, p0  }
0x20: {  	[sflag:s8] =	ssyncset.s32 @!p0 $0xFFFFF086;
	s6 =	sadd.s32 @!p0 s3, s7;
	s7 =	simm.s32 @!p0 $0x108  }
0x21: {  	s3 =	sadd.s32 s3, s9;
	s6 =	sadd.s32 @!p0 $0x88, s6;
	s7 =	simm.s32 @p2 $0x1082  }
0x22: {  	[simem:s7], [sflag:s8] =	dma.local @!p0 [hbm:s6], $0xF7A  }
0x23: {  	s9 =	sor.u32 $0xD0000000, s2;
	s6 =	simm.s32 $0x108;
	_ =	swait.ge @!p0 [sflag:s8], $0x0  }
0x24: {  	s3 =	sadd.s32 $0x88, s3;
	s6 =	simm.s32 @!p1 $0x1082;
	[sflag:s4] =	ssyncset.s32 $0xFFFFF086  }
0x25: {  	[simem:s6], [sflag:s4] =	dma.local [hbm:s3], $0xF7A  }
0x26: {  	[smem:$0x3F9A] =	sst s1;
	(tag) =	ssettag s2;
	_ =	strace s9  }
0x27: {  	s1 =	sld [smem:$0x3FAA]  }
0x28: {  	s2 =	sld [smem:$0x3FAB]  }
0x29: {  	s4 =	sld [smem:$0x3FAD]  }
0x2a: {  	p0 =	seq.s32 s5, $0x0;
	s5 =	sld [smem:$0x3FAE]  }
0x2b: {  	s6 =	sld [smem:$0x3FAF]  }
0x2c: {  	s7 =	sld [smem:$0x3FB0]  }
0x2d: {  	s3 =	simm.s32 $0x108;
	s8 =	sld [smem:$0x3FB1]  }
0x2e: {  	s3 =	simm.s32 @!p0 $0x1082;
	s9 =	sld [smem:$0x3FB2]  }
0x2f: {  	lr =	sadd.s32 s0, s3;
	s0 =	sld [smem:$0x3FA9]  }
0x30: {  	s3 =	sld [smem:$0x3FAC]  }
0x31: {  	[smem:$0x3FB5] =	sst s10  }
0x32: {  	s10 =	sld [smem:$0x3FB3];
	_ =	sdelay $0x3  }
0x33: {  	p0 =	seq.s32 s10, $0x1;
	s10 =	sld [smem:$0x3FB5];
	_ =	sdelay $0x3  }
0x34: {  	[smem:$0x3FB5] =	sst s10  }
0x35: {  	s10 =	sld [smem:$0x3FB4];
	_ =	sdelay $0x3  }
0x36: {  	p1 =	seq.s32 s10, $0x1;
	s10 =	sld [smem:$0x3FB5];
	_ =	sdelay $0x3  }
0x37: {  	[smem:$0x3FB5] =	sst s10  }
0x38: {  	s10 =	sld [smem:$0x3FB6]  }
0x39: {  	_ = 	snop;
	(pc) =	sbr.ind lr, $3  }
0x3a: {  	_ = 	snop  }
0x3b: {  	_ = 	snop  }
0x3c: {  	p2 =	seq.s32 s10, $0x1;
	s10 =	sld [smem:$0x3FB5]  }
0x3d: {  	_ =	shalt  }
0x3e: {  	_ =	shalt  }
0x3f: {  	_ =	shalt  }
0x40: {  	_ =	shalt  }
0x41: {  	_ =	shalt  }
0x42: {  	_ =	shalt  }
0x43: {  	_ =	shalt  }
0x44: {  	_ =	shalt  }
0x45: {  	_ =	shalt  }
0x46: {  	_ =	shalt  }
0x47: {  	_ =	shalt  }
0x48: {  	_ =	shalt  }
0x49: {  	_ =	shalt  }
0x4a: {  	_ =	shalt  }
0x4b: {  	_ =	shalt  }
0x4c: {  	_ =	shalt  }
0x4d: {  	_ =	shalt  }
0x4e: {  	_ =	shalt  }
0x4f: {  	_ =	shalt  }
0x50: {  	_ =	shalt  }
0x51: {  	_ =	shalt  }
0x52: {  	_ =	shalt  }
0x53: {  	_ =	shalt  }
0x54: {  	_ =	shalt  }
0x55: {  	_ =	shalt  }
0x56: {  	_ =	shalt  }
0x57: {  	_ =	shalt  }
0x58: {  	_ =	shalt  }
0x59: {  	_ =	shalt  }
0x5a: {  	_ =	shalt  }
0x5b: {  	_ =	shalt  }
0x5c: {  	_ =	shalt  }
0x5d: {  	_ =	shalt  }
0x5e: {  	_ =	shalt  }
0x5f: {  	_ =	shalt  }
0x60: {  	_ =	shalt  }
0x61: {  	_ =	shalt  }
0x62: {  	_ =	shalt  }
0x63: {  	_ =	shalt  }
0x64: {  	_ =	shalt  }
0x65: {  	_ =	shalt  }
0x66: {  	_ =	shalt  }
0x67: {  	_ =	shalt  }
0x68: {  	_ =	shalt  }
0x69: {  	_ =	shalt  }
0x6a: {  	_ =	shalt  }
0x6b: {  	_ =	shalt  }
0x6c: {  	_ =	shalt  }
0x6d: {  	_ =	shalt  }
0x6e: {  	_ =	shalt  }
0x6f: {  	_ =	shalt  }
0x70: {  	_ =	shalt  }
0x71: {  	_ =	shalt  }
0x72: {  	_ =	shalt  }
0x73: {  	_ =	shalt  }
0x74: {  	_ =	shalt  }
0x75: {  	_ =	shalt  }
0x76: {  	_ =	shalt  }
0x77: {  	_ =	shalt  }
0x78: {  	_ =	shalt  }
0x79: {  	_ =	shalt  }
0x7a: {  	_ =	shalt  }
0x7b: {  	_ =	shalt  }
0x7c: {  	_ =	shalt  }
0x7d: {  	_ =	shalt  }
0x7e: {  	_ =	shalt  }
0x7f: {  	_ =	shalt  }
0x80: {  	_ =	shalt  }
0x81: {  	_ =	shalt  }
0x82: {  	_ =	shalt  }
0x83: {  	_ =	shalt  }
0x84: {  	_ =	shalt  }
0x85: {  	_ =	shalt  }
0x86: {  	_ =	shalt  }
0x87: {  	_ =	shalt  }
.Lfunc_end0:
.L_simem_size_0:
called_computation_lowered:
.L_overlay_start_0:
0x88: {  	s2 =	sld [smem:$0x3FD9]  }
0x89: {  	s3 =	sld [smem:$0x3FFE];
	_ =	sdelay $0x1  }
0x8a: {  	s1 =	srdreg.scid  }
0x8b: {  	s0 =	sand.u32 $0x1, s1  }
0x8c: {  	s15 =	sshll.u32 s0, $0xA;
	s2 =	sadd.s32 s3, s2  }
0x8d: {  	s2 =	sadd.s32 s2, s15  }
0x8e: {  	[smem:$0x3FC1] =	sst s2  }
0x8f: {  	_ = 	snop  }
0x90: {  	s2 =	sld [smem:$0x3FD0];
	_ =	sdelay $0x2  }
0x91: {  	s16 =	simm.s32 $0xB;
	s4 =	simm.s32 $0x10  }
0x92: {  	[smem:s4], [sflag:s16] =	dma.local [hbm:s2], $0x1  }
0x93: {  	_ =	swait.eq [sflag:s16], $0x1  }
0x94: {  	[sflag:s16] =	ssyncset.done $0x0  }
0x95: {  	[sflag:s16] =	ssyncadd.s32 $0xFFFFFFFF  }
0x96: {  	s17 =	sld [smem:$0x12];
	(tm) =	ssettm $0x1  }
0x97: {  	s18 =	sld [smem:$0x3FFB];
	_ =	sdelay $0x3  }
0x98: {  	_ =	strace s18  }
0x99: {  	s2 =	sld [smem:$0x3FFC];
	_ =	sdelay $0x3  }
0x9a: {  	_ =	strace s2  }
0x9b: {  	s2 =	sld [smem:$0x3FFD];
	_ =	sdelay $0x3  }
0x9c: {  	_ =	strace s2  }
0x9d: {  	_ =	strace $0x8FFFFFFF  }
0x9e: {  	s19 =	sld [smem:$0x3FDB];
	_ =	sdelay $0x1  }
0x9f: {  	s20 =	simm.s32 $_scs_section_size  }
0xa0: {  	s5 =	simm.s32 $_size__tile_overlayer_lowered;
	s6 =	simm.s32 $_tile_overlayer_lowered  }
0xa1: {  	s7 =	simm.s32 $0x1BFF;
	s21 =	sshll.u32 s6, $0x1;
	s4 =	sadd.s32 s20, s19  }
0xa2: {  	s22 =	simm.s32 $0x0;
	s5 =	sshll.u32 s5, $0x1;
	s6 =	sadd.s32 s21, s4  }
0xa3: {  	[timem:s22], [sflag:s7] =	dma.local [hbm:s6], s5  }
0xa4: {  	_ =	swait.ge [sflag:s7], s5  }
0xa5: {  	s5 =	ssub.s32 $0x0, s5;
	[sflag:s7] =	ssyncset.done $0x0  }
0xa6: {  	[sflag:s7] =	ssyncadd.s32 s5;
	_ =	sdelay $0x1  }
0xa7: {  	s23 =	simm.s32 $0x1B8B  }
0xa8: {  	_ =	swait.ge [sflag:s23], $0x1  }
0xa9: {  	[sflag:s23] =	ssyncset.done $0x0  }
0xaa: {  	[sflag:s23] =	ssyncadd.s32 $0xFFFFFFFF  }
0xab: {  	s5 =	sld [smem:$0x0]  }
0xac: {  	s6 =	sand.u32 $0xFFFFFFFE, s1  }
0xad: {  	p0 =	sne.s32 s1, s6  }
0xae: {  	s6 =	sshll.u32 @p0 s6, $0xE  }
0xaf: {  	s6 =	sadd.s32 @p0 $0x11B8D, s6;
	s7 =	sshll.u32 @p0 s5, $0x11  }
0xb0: {  	s6 =	sor.u32 @p0 s7, s6  }
0xb1: {  	[sflag:s6] =	ssyncadd.remote.s32 @p0 $0x1;
	_ =	sdelay $0x1  }
0xb2: {  	s6 =	simm.s32 @p0 $0x1B8D  }
0xb3: {  	_ =	swait.eq @p0 [sflag:s6], $0x1  }
0xb4: {  	[sflag:s6] =	ssyncadd.s32 @p0 $0xFFFFFFFF  }
0xb5: {  	s7 =	sshll.u32 @!p0 s1, $0xE  }
0xb6: {  	s7 =	sor.u32 @!p0 $0x4000, s7;
	s6 =	simm.s32 @!p0 $0x1B8D  }
0xb7: {  	s5 =	sshll.u32 @!p0 s5, $0x11;
	s7 =	sadd.s32 @!p0 $0x11B8D, s7;
	_ =	swait.eq @!p0 [sflag:s6], $0x1  }
0xb8: {  	s5 =	sor.u32 @!p0 s5, s7;
	[sflag:s6] =	ssyncadd.s32 @!p0 $0xFFFFFFFF  }
0xb9: {  	s25 =	simm.s32 $0x1B8E;
	s24 =	sld [smem:$0x3FFE];
	[sflag:s5] =	ssyncadd.remote.s32 @!p0 $0x1  }
0xba: {  	s26 =	simm.s32 $execute0_lowered;
	[smem:$0x3FD2] =	sst s25  }
0xbb: {  	s6 =	sshll.u32 s26, $0x1;
	_ =	strace $0x80000049;
	[dreg:$0x1] =	wrdreg $0xFFFFFFFF  }
0xbc: {  	s28 =	simm.s32 $_size_execute0_lowered;
	s4 =	sadd.s32 s4, s6;
	[dreg:$0x0] =	wrdreg $0x0  }
0xbd: {  	s6 =	sshll.u32 s28, $0x1;
	[dreg:$0x2] =	wrdreg s4  }
0xbe: {  	[dreg:$0x3] =	wrdreg s6  }
0xbf: {  	[dreg:$0x4] =	wrdreg $0xC0  }
0xc0: {  	_ =	task [dreg:s22], $0x5FFFF  }
0xc1: {  	[dreg:$0x1] =	wrdreg $0xFFFFFFFF  }
0xc2: {  	[dreg:$0x0] =	wrdreg $0x60  }
0xc3: {  	[dreg:$0x2] =	wrdreg s17  }
0xc4: {  	[dreg:$0x3] =	wrdreg s24  }
0xc5: {  	[dreg:$0x4] =	wrdreg $0x9  }
0xc6: {  	_ =	task.clear_ibuf [dreg:s22], $0x5FFFF;
	_ =	strace $0x90000049  }
0xc7: {  	s29 =	simm.s32 $0x9;
	_ =	strace $0x8000004B  }
0xc8: {  	_ =	swait.ge [sflag:s29], $0x1  }
0xc9: {  	[sflag:s29] =	ssyncadd.s32 $0xFFFFFFFF  }
0xca: {  	_ =	strace $0x9000004B  }
0xcb: {  	_ =	sfence  }
0xcc: {  	s30 =	sld [smem:$0x0];
	_ =	sdelay $0x2  }
0xcd: {  	s31 =	sshll.u32 s1, $0xD;
	s1 =	sshrl.u32 s1, $0x2  }
0xce: {  	s4 =	sand.u32 $0x4000, s31;
	s1 =	sadd.s32 s1, s30  }
0xcf: {  	s0 =	sor.u32 s4, s0;
	s1 =	sshll.u32 s1, $0x11  }
0xd0: {  	s0 =	sor.u32 s1, s0  }
0xd1: {  	s0 =	sadd.s32 $0x8F2B, s0  }
0xd2: {  	[sflag:s0] =	ssyncadd.remote.s32 $0x1  }
0xd3: {  	_ =	sfence.sel $0xFFFF  }
0xd4: {  	[dreg:$0x0] =	wrdreg $0xFFFFFFFF;
	(pc) =	sbr.abs _section_cstart, $3  }
0xd5: {  	[dreg:$0x1] =	wrdreg $0xFFFFFFFF  }
0xd6: {  	_ =	task.clear_ibuf [dreg:s22], $0x2FFFF;
	_ =	strace $0x9FFFFFFF  }
0xd7: {  	(tm) =	ssettm $0x7FFFFFFF  }
tec
execute0_lowered:
.L_overlay_start_1:
0x0: {  	(tag) =	ssettag $0x1  }
0x1: {  	s2 =	rddreg [dreg:$0x0]  }
0x2: {  	s4 =	srdreg.scid;
	s1 =	stileid.u32  }
0x3: {  	s7 =	rddreg [dreg:$0x1];
	s8 =	sand.u32 $0x1, s4;
	s31 =	sshll.u32 s1, $0x1  }
0x4: {  	s0 =	rddreg [dreg:$0x2];
	s3 =	simm.s32 $0x0;
	s6 =	sor.u32 s8, s31  }
0x5: {  	[smem:$0x7FF] =	sst s3;
	s4 =	sadd.s32 $0xCBA00, s7;
	s11 =	smul.u32 $0xC800, s6  }
0x6: {  	s5 =	sadd.s32 $0xCBE00, s7;
	s8 =	ssub.s32 $0x2, s8;
	s12 =	smul.u32 $0x3200, s6  }
0x7: {  	_ =	strace $0x8000004A;
	s6 =	sadd.s32 $0xCC200, s7;
	s13 =	sshrl.u32 s8, $0x1  }
0x8: {  	s13 =	ssub.s32 s8, s13;
	s9 =	sshrl.u32 s11, $0x3;
	s10 =	sshrl.u32 s12, $0x3  }
0x9: {  	v0 =	vmov s11;
	s11 =	simm.s32 $0x1;
	s9 =	sadd.s32 s9, s7;
	s10 =	sadd.s32 s10, s7  }
0xa: {  	v1 =	vmov s12;
	s12 =	simm.s32 $0xDA00;
	s7 =	sadd.s32 $0xCC600, s9;
	s8 =	sadd.s32 $0xFE600, s10  }
0xb: {  	v2 =	vimm.f32 $0.0e+00;
	s9 =	smax.u32 s13, $0x1;
	s10 =	simm.s32 $0xC800;
	s13 =	simm.s32 $0x0  }
.LBB2_1:
0xc: {  	[tilespmem:s10], [sflag:$0x1] =	stream.linear.gather [hbm4b:s2+s3], $0x1200, $0x38;
	[tilespmem:$0xEC00] =	vst v63  }
0xd: {  	_ =	swait.ge [sflag:s11], $0x1200  }
0xe: {  	[sflag:s11] =	ssyncset.done $0x0  }
0xf: {  	[sflag:s11] =	ssyncadd.s32 $0xFFFFEE00  }
0x10: {  	[tilespmem:s12], [sflag:$0x1] =	stream.linear.gather [hbm4b:s4+s3], $0x1200, $0x38;
	[tilespmem:$0xEC00] =	vst v63  }
0x11: {  	_ =	swait.ge [sflag:s11], $0x1200  }
0x12: {  	[sflag:s11] =	ssyncset.done $0x0  }
0x13: {  	s17 =	simm.s32 $0x40;
	[sflag:s11] =	ssyncadd.s32 $0xFFFFEE00  }
0x14: {  	[tilespmem:s17+$0xFFFFFFC0] =	vst v2  }
0x15: {  	[tilespmem:s17+$0x30] =	vst v2  }
0x16: {  	[tilespmem:s17+$0x20] =	vst v2  }
0x17: {  	[tilespmem:s17+$0x10] =	vst v2  }
0x18: {  	[tilespmem:s17+$0x0] =	vst v2  }
0x19: {  	[tilespmem:s17+$0xFFFFFFF0] =	vst v2  }
0x1a: {  	s18 =	simm.s32 $0x0;
	s14 =	simm.s32 $0xDA20;
	s15 =	simm.s32 $0xC820;
	[tilespmem:s17+$0xFFFFFFE0] =	vst v2  }
.LBB2_2:
0x1b: {  	s18 =	sadd.s32 $0x8, s18;
	[tilespmem:s17+$0xFFFFFFD0] =	vst v2;
	s17 =	sadd.s32 $0x80, s17;
	s16 =	simm.s32 $0xFFFFFFFC  }
0x1c: {  	[tilespmem:s17+$0xFFFFFFC0] =	vst v2;
	p0 =	slt.u32 s18, $0xC78  }
0x1d: {  	[tilespmem:s17+$0x30] =	vst v2  }
.Ltmp0:
0x1e: {  	[tilespmem:s17+$0x20] =	vst v2;
	(pc) =	sbr.rel @p0 .LBB2_2-.Ltmp0, $4  }
0x1f: {  	[tilespmem:s17+$0x10] =	vst v2  }
0x20: {  	[tilespmem:s17+$0x0] =	vst v2  }
0x21: {  	[tilespmem:s17+$0xFFFFFFF0] =	vst v2  }
0x22: {  	[tilespmem:s17+$0xFFFFFFE0] =	vst v2  }
0x23: {  	[tilespmem:s17+$0xFFFFFFD0] =	vst v2  }
.LBB2_4:
0x24: {  	v3 =	vld [tilespmem:s15+$0xFFFFFFE0];
	_ =	sdelay $0x4  }
0x25: {  	v3 =	vsub.s32 v3, v0  }
0x26: {  	vm0 =	vlt.u32 v3, $0xC800  }
0x27: {  	v4 =	vld [tilespmem:s14+$0xFFFFFFE0];
	v3 =	vnsel vm0, $0x0, v3;
	_ =	sdelay $0x4  }
0x28: {  	[tilespmem:v3+s3+$0x0] =	vst.idx.add.f32.msk vm0, v4  }
0x29: {  	v3 =	vld [tilespmem:s15+$0xFFFFFFF0];
	_ =	sdelay $0x4  }
0x2a: {  	v3 =	vsub.s32 v3, v0  }
0x2b: {  	vm13 =	vlt.u32 v3, $0xC800  }
0x2c: {  	v4 =	vld [tilespmem:s14+$0xFFFFFFF0];
	v3 =	vnsel vm13, $0x0, v3;
	_ =	sdelay $0x4  }
0x2d: {  	[tilespmem:v3+s3+$0x0] =	vst.idx.add.f32.msk vm13, v4  }
0x2e: {  	v3 =	vld [tilespmem:s15+$0x0];
	_ =	sdelay $0x4  }
0x2f: {  	v3 =	vsub.s32 v3, v0  }
0x30: {  	vm14 =	vlt.u32 v3, $0xC800  }
0x31: {  	v4 =	vld [tilespmem:s14+$0x0];
	v3 =	vnsel vm14, $0x0, v3;
	_ =	sdelay $0x4  }
0x32: {  	[tilespmem:v3+s3+$0x0] =	vst.idx.add.f32.msk vm14, v4  }
0x33: {  	v3 =	vld [tilespmem:s15+$0x10];
	_ =	sdelay $0x4  }
0x34: {  	v3 =	vsub.s32 v3, v0  }
0x35: {  	s16 =	sadd.s32 $0x4, s16;
	vm15 =	vlt.u32 v3, $0xC800  }
0x36: {  	p0 =	slt.u32 s16, $0x114;
	v4 =	vld [tilespmem:s14+$0x10];
	v3 =	vnsel vm15, $0x0, v3  }
.Ltmp1:
0x37: {  	_ = 	snop;
	(pc) =	sbr.rel @p0 .LBB2_4-.Ltmp1, $2  }
0x38: {  	_ =	sdelay $0x2  }
0x39: {  	s14 =	sadd.s32 $0x40, s14;
	s15 =	sadd.s32 $0x40, s15;
	[tilespmem:v3+s3+$0x0] =	vst.idx.add.f32.msk vm15, v4  }
0x3a: {  	v3 =	vld [tilespmem:$0xD980];
	_ =	sdelay $0x4  }
0x3b: {  	v3 =	vsub.s32 v3, v0  }
0x3c: {  	vm0 =	vlt.u32 v3, $0xC800  }
0x3d: {  	v4 =	vld [tilespmem:$0xEB80];
	v3 =	vnsel vm0, $0x0, v3;
	_ =	sdelay $0x4  }
0x3e: {  	[tilespmem:v3+s3+$0x0] =	vst.idx.add.f32.msk vm0, v4  }
0x3f: {  	v3 =	vld [tilespmem:$0xD990];
	_ =	sdelay $0x4  }
0x40: {  	v3 =	vsub.s32 v3, v0  }
0x41: {  	vm15 =	vlt.u32 v3, $0xC800  }
0x42: {  	v4 =	vld [tilespmem:$0xEB90];
	v3 =	vnsel vm15, $0x0, v3;
	_ =	sdelay $0x4  }
0x43: {  	[tilespmem:v3+s3+$0x0] =	vst.idx.add.f32.msk vm15, v4  }
0x44: {  	[hbm4b:s7+s3] =	stream.linear.scatter [tilespmem:s3], [sflag:$0x1], $0xC800, $0x38;
	[tilespmem:$0xEC00] =	vst v63  }
0x45: {  	_ =	swait.ge [sflag:s11], $0xC800  }
0x46: {  	[sflag:s11] =	ssyncset.done $0x0  }
0x47: {  	[sflag:s11] =	ssyncadd.s32 $0xFFFF3800  }
0x48: {  	[tilespmem:s10], [sflag:$0x1] =	stream.linear.gather [hbm4b:s5+s3], $0x1200, $0x38;
	[tilespmem:$0xEC00] =	vst v63  }
0x49: {  	_ =	swait.ge [sflag:s11], $0x1200  }
0x4a: {  	[sflag:s11] =	ssyncset.done $0x0  }
0x4b: {  	[sflag:s11] =	ssyncadd.s32 $0xFFFFEE00  }
0x4c: {  	[tilespmem:s12], [sflag:$0x1] =	stream.linear.gather [hbm4b:s6+s3], $0x1200, $0x38;
	[tilespmem:$0xEC00] =	vst v63  }
0x4d: {  	_ =	swait.ge [sflag:s11], $0x1200  }
0x4e: {  	[sflag:s11] =	ssyncset.done $0x0  }
0x4f: {  	s16 =	simm.s32 $0x40;
	[sflag:s11] =	ssyncadd.s32 $0xFFFFEE00  }
0x50: {  	[tilespmem:s16+$0xFFFFFFC0] =	vst v2  }
0x51: {  	[tilespmem:s16+$0x30] =	vst v2  }
0x52: {  	[tilespmem:s16+$0x20] =	vst v2  }
0x53: {  	[tilespmem:s16+$0x10] =	vst v2  }
0x54: {  	[tilespmem:s16+$0x0] =	vst v2  }
0x55: {  	[tilespmem:s16+$0xFFFFFFF0] =	vst v2  }
0x56: {  	s17 =	simm.s32 $0x0;
	[tilespmem:s16+$0xFFFFFFE0] =	vst v2  }
.LBB2_6:
0x57: {  	s17 =	sadd.s32 $0x8, s17;
	[tilespmem:s16+$0xFFFFFFD0] =	vst v2;
	s16 =	sadd.s32 $0x80, s16  }
0x58: {  	[tilespmem:s16+$0xFFFFFFC0] =	vst v2;
	p0 =	slt.u32 s17, $0x318  }
0x59: {  	[tilespmem:s16+$0x30] =	vst v2  }
.Ltmp2:
0x5a: {  	[tilespmem:s16+$0x20] =	vst v2;
	(pc) =	sbr.rel @p0 .LBB2_6-.Ltmp2, $4  }
0x5b: {  	[tilespmem:s16+$0x10] =	vst v2  }
0x5c: {  	[tilespmem:s16+$0x0] =	vst v2  }
0x5d: {  	[tilespmem:s16+$0xFFFFFFF0] =	vst v2  }
0x5e: {  	s14 =	simm.s32 $0xDA20;
	s15 =	simm.s32 $0xC820;
	[tilespmem:s16+$0xFFFFFFE0] =	vst v2  }
0x5f: {  	[tilespmem:s16+$0xFFFFFFD0] =	vst v2;
	s16 =	simm.s32 $0xFFFFFFFC  }
.LBB2_8:
0x60: {  	v3 =	vld [tilespmem:s15+$0xFFFFFFE0];
	_ =	sdelay $0x4  }
0x61: {  	v3 =	vsub.s32 v3, v1  }
0x62: {  	vm0 =	vlt.u32 v3, $0x3200  }
0x63: {  	v4 =	vld [tilespmem:s14+$0xFFFFFFE0];
	v3 =	vnsel vm0, $0x0, v3;
	_ =	sdelay $0x4  }
0x64: {  	[tilespmem:v3+s3+$0x0] =	vst.idx.add.f32.msk vm0, v4  }
0x65: {  	v3 =	vld [tilespmem:s15+$0xFFFFFFF0];
	_ =	sdelay $0x4  }
0x66: {  	v3 =	vsub.s32 v3, v1  }
0x67: {  	vm13 =	vlt.u32 v3, $0x3200  }
0x68: {  	v4 =	vld [tilespmem:s14+$0xFFFFFFF0];
	v3 =	vnsel vm13, $0x0, v3;
	_ =	sdelay $0x4  }
0x69: {  	[tilespmem:v3+s3+$0x0] =	vst.idx.add.f32.msk vm13, v4  }
0x6a: {  	v3 =	vld [tilespmem:s15+$0x0];
	_ =	sdelay $0x4  }
0x6b: {  	v3 =	vsub.s32 v3, v1  }
0x6c: {  	vm14 =	vlt.u32 v3, $0x3200  }
0x6d: {  	v4 =	vld [tilespmem:s14+$0x0];
	v3 =	vnsel vm14, $0x0, v3;
	_ =	sdelay $0x4  }
0x6e: {  	[tilespmem:v3+s3+$0x0] =	vst.idx.add.f32.msk vm14, v4  }
0x6f: {  	v3 =	vld [tilespmem:s15+$0x10];
	_ =	sdelay $0x4  }
0x70: {  	v3 =	vsub.s32 v3, v1  }
0x71: {  	s16 =	sadd.s32 $0x4, s16;
	vm15 =	vlt.u32 v3, $0x3200  }
0x72: {  	p0 =	slt.u32 s16, $0x114;
	v4 =	vld [tilespmem:s14+$0x10];
	v3 =	vnsel vm15, $0x0, v3  }
.Ltmp3:
0x73: {  	_ = 	snop;
	(pc) =	sbr.rel @p0 .LBB2_8-.Ltmp3, $2  }
0x74: {  	_ =	sdelay $0x2  }
0x75: {  	s14 =	sadd.s32 $0x40, s14;
	s15 =	sadd.s32 $0x40, s15;
	[tilespmem:v3+s3+$0x0] =	vst.idx.add.f32.msk vm15, v4  }
0x76: {  	v3 =	vld [tilespmem:$0xD980];
	_ =	sdelay $0x4  }
0x77: {  	v3 =	vsub.s32 v3, v1  }
0x78: {  	vm0 =	vlt.u32 v3, $0x3200  }
0x79: {  	v4 =	vld [tilespmem:$0xEB80];
	v3 =	vnsel vm0, $0x0, v3;
	_ =	sdelay $0x4  }
0x7a: {  	[tilespmem:v3+s3+$0x0] =	vst.idx.add.f32.msk vm0, v4  }
0x7b: {  	v3 =	vld [tilespmem:$0xD990];
	_ =	sdelay $0x4  }
0x7c: {  	v3 =	vsub.s32 v3, v1  }
0x7d: {  	vm15 =	vlt.u32 v3, $0x3200  }
0x7e: {  	v4 =	vld [tilespmem:$0xEB90];
	v3 =	vnsel vm15, $0x0, v3;
	_ =	sdelay $0x2  }
0x7f: {  	s13 =	sadd.s32 $0x1, s13  }
0x80: {  	p0 =	sne.s32 s13, s9  }
.Ltmp4:
0x81: {  	[tilespmem:v3+s3+$0x0] =	vst.idx.add.f32.msk vm15, v4;
	(pc) =	sbr.rel @p0 .LBB2_1-.Ltmp4, $4  }
0x82: {  	[hbm4b:s8+s3] =	stream.linear.scatter [tilespmem:s3], [sflag:$0x1], $0x3200, $0x38;
	[tilespmem:$0xEC00] =	vst v63  }
0x83: {  	_ =	swait.ge [sflag:s11], $0x3200  }
0x84: {  	[sflag:s11] =	ssyncset.done $0x0  }
0x85: {  	[sflag:s11] =	ssyncadd.s32 $0xFFFFCE00  }
0x86: {  	_ =	sfence.sel $0x180000  }
0x87: {  	[bflag:$0x0] =	sbarrier.arrive $0xFFFF  }
0x88: {  	p0 =	sne.s32 s1, $0x0;
	_ =	strace $0x9000004A  }
0x89: {  	s0 =	sadd.s32 @!p0 $0x100000, s0;
	[bflag:$0x2] =	sbarrier.arrive $0xFFFF  }
0x8a: {  	[sflag:s0] =	ssyncadd.tile.s32 @!p0 $0x1;
	_ =	shalt  }
.Lfunc_end2:
_tile_overlayer_lowered:
.L_overlay_start_2:
0x8b: {  	(tag) =	ssettag $0x2  }
0x8c: {  	s0 =	rddreg [dreg:$0x0];
	s2 =	stileid.u32  }
0x8d: {  	s1 =	rddreg [dreg:$0x1];
	p0 =	sne.s32 s2, $0x0  }
0x8e: {  	s3 =	rddreg [dreg:$0x2];
	[bflag:$0x3] =	sbarrier.arrive $0xFFFF;
	s2 =	simm.s32 @!p0 $0x1C01  }
0x8f: {  	[timem:s3], [sflag:s2] =	dma.local @!p0 [hbm:s0], s1  }
0x90: {  	s0 =	simm.s32 @!p0 $0x1  }
0x91: {  	_ =	swait.ge @!p0 [sflag:s0], s1  }
0x92: {  	s1 =	ssub.s32 @!p0 $0x0, s1;
	[sflag:s0] =	ssyncset.done @!p0 $0x0  }
0x93: {  	[sflag:s0] =	ssyncadd.s32 @!p0 s1  }
0x94: {  	[bflag:$0x3] =	sbarrier.arrive $0xFFFF  }
0x95: {  	_ =	shalt  }

</sc_bundles>
